<compile_context>
chip_gen: v7x
topology: tpu7x:2x2x1
jax: 0.10.2.dev20260603
libtpu: 0.0.44.dev20260713+nightly
codegen_flags: <defaults>
</compile_context>

<pallas_src>
import jax
import jax.numpy as jnp
from jax import lax
from jax.experimental import pallas as pl
from jax.experimental.pallas import tpu as pltpu
from jax.experimental.pallas import tpu_sc as plsc

N = 100000
K = 16
D = 12
F = 48
SCALE = 0.1

NC = 2
NS = 16
NW = NC * NS
LANES = 16

NODES_PER_W = N // NW
CH = 48
ECH = CH * K
N_CHUNKS = 66
TRAILER_START = NODES_PER_W - CH


def _edge_body(xm_hbm, ei_hbm, edge_out, mask_out, node_out,
               idx_v0, idx_v1, idx2_v0, idx2_v1, xi_v0, xi_v1,
               rows_v0, rows_v1, out_v0, out_v1, mask_v0, mask_v1,
               node_v0, node_v1,
               sem_i0, sem_i1, sem_g0, sem_g1, sem_o0, sem_o1):
    idx_v = (idx_v0, idx_v1)
    idx2_v = (idx2_v0, idx2_v1)
    xi_v = (xi_v0, xi_v1)
    rows_v = (rows_v0, rows_v1)
    out_v = (out_v0, out_v1)
    mask_v = (mask_v0, mask_v1)
    node_v = (node_v0, node_v1)
    sem_i = (sem_i0, sem_i1)
    sem_g = (sem_g0, sem_g1)
    sem_o = (sem_o0, sem_o1)

    w = lax.axis_index("s") * NC + lax.axis_index("c")
    node0 = w * NODES_PER_W

    lane = lax.iota(jnp.int32, LANES)
    pat_j = [(lane + v * LANES) % D for v in range(3)]
    pat_i = [3 * ((lane + v * LANES) // D) + (lane + v * LANES) % 3
             for v in range(3)]
    c12 = jnp.full((LANES,), D, jnp.int32)

    def n0_of(ci):
        return node0 + jnp.minimum(ci * CH, TRAILER_START)

    def issue_idx(ci, p):
        pltpu.async_copy(ei_hbm.at[pl.ds(n0_of(ci) * K, ECH)],
                         idx_v[p], sem_i[p])

    def wait_idx(p):
        pltpu.make_async_copy(ei_hbm.at[pl.ds(0, ECH)],
                              idx_v[p], sem_i[p]).wait()

    def issue_gathers(ci, p):
        n0 = n0_of(ci)
        for v in range(CH // LANES):
            idx2_v[p][pl.ds(v * LANES, LANES)] = n0 + lane + v * LANES
        pltpu.async_copy(xm_hbm.at[idx2_v[p]], xi_v[p], sem_g[p])
        pltpu.async_copy(xm_hbm.at[idx_v[p]], rows_v[p], sem_g[p])

    def wait_gathers(p):
        pltpu.make_async_copy(xm_hbm.at[idx2_v[p]], xi_v[p], sem_g[p]).wait()
        pltpu.make_async_copy(xm_hbm.at[idx_v[p]], rows_v[p], sem_g[p]).wait()

    def issue_out(ci, p):
        n0 = n0_of(ci)
        pltpu.async_copy(out_v[p], edge_out.at[pl.ds(n0, CH)], sem_o[p])
        pltpu.async_copy(mask_v[p], mask_out.at[pl.ds(n0, CH)], sem_o[p])
        pltpu.async_copy(node_v[p], node_out.at[pl.ds(n0, CH)], sem_o[p])

    def wait_out(p):
        pltpu.make_async_copy(out_v[p], edge_out.at[pl.ds(0, CH)],
                              sem_o[p]).wait()
        pltpu.make_async_copy(mask_v[p], mask_out.at[pl.ds(0, CH)],
                              sem_o[p]).wait()
        pltpu.make_async_copy(node_v[p], node_out.at[pl.ds(0, CH)],
                              sem_o[p]).wait()

    lane48 = lane * F
    lnmask = lane < D

    def compute(ci, p):
        rows, xi_t, out_t, mask_t = rows_v[p], xi_v[p], out_v[p], mask_v[p]
        node_t = node_v[p]

        def one_node(i):
            e0 = i * K
            spl_i = jnp.full((LANES,), i, jnp.int32)
            erow = e0 + lane
            mi = plsc.load_gather(xi_t, [spl_i, c12])
            mj = plsc.load_gather(rows, [erow, c12])
            m = mi * mj
            mask_t[i, :] = m
            m01 = m * SCALE
            xi_row = plsc.load_gather(xi_t, [spl_i, lane])
            plsc.store_scatter(node_t, [spl_i, lane], (mi * SCALE) * xi_row,
                               mask=lnmask)
            xj = [m01 * plsc.load_gather(
                      rows, [erow, jnp.full((LANES,), c, jnp.int32)])
                  for c in range(D)]
            ti = [m01 * plsc.load_gather(
                      xi_t, [spl_i, jnp.full((LANES,), c, jnp.int32)])
                  for c in range(D)]
            for o in range(F):
                val = xj[o % D] - ti[3 * (o // D) + o % 3]
                plsc.store_scatter(out_t, [spl_i, lane48 + o], val)

        def node_body(t2, carry2):
            one_node(2 * t2)
            one_node(2 * t2 + 1)
            return carry2

        lax.fori_loop(0, CH // 2, node_body, 0)

    issue_idx(0, 0)
    wait_idx(0)
    issue_gathers(0, 0)
    issue_idx(1, 1)

    def pair_body(t, carry):
        for b in range(2):
            ci = 2 * t + b
            wait_gathers(b)

            @pl.when(ci + 1 < N_CHUNKS)
            def _():
                wait_idx(1 - b)
                issue_gathers(ci + 1, 1 - b)

            @pl.when(ci + 2 < N_CHUNKS)
            def _():
                issue_idx(ci + 2, b)

            @pl.when(ci >= 2)
            def _():
                wait_out(b)

            compute(ci, b)
            issue_out(ci, b)
        return carry

    lax.fori_loop(0, N_CHUNKS // 2, pair_body, 0)
    wait_out(0)
    wait_out(1)


def _edge_call(xm, ei):
    mesh = plsc.VectorSubcoreMesh(core_axis_name="c", subcore_axis_name="s")
    f = pl.kernel(
        _edge_body,
        out_type=(
            jax.ShapeDtypeStruct((N, K * F), jnp.float32),
            jax.ShapeDtypeStruct((N, K), jnp.float32),
            jax.ShapeDtypeStruct((N, D), jnp.float32),
        ),
        mesh=mesh,
        compiler_params=pltpu.CompilerParams(
            use_tc_tiling_on_sc=False, needs_layout_passes=False),
        scratch_types=[
            pltpu.VMEM((ECH,), jnp.int32),
            pltpu.VMEM((ECH,), jnp.int32),
            pltpu.VMEM((CH,), jnp.int32),
            pltpu.VMEM((CH,), jnp.int32),
            pltpu.VMEM((CH, 16), jnp.float32),
            pltpu.VMEM((CH, 16), jnp.float32),
            pltpu.VMEM((ECH, 16), jnp.float32),
            pltpu.VMEM((ECH, 16), jnp.float32),
            pltpu.VMEM((CH, K * F), jnp.float32),
            pltpu.VMEM((CH, K * F), jnp.float32),
            pltpu.VMEM((CH, K), jnp.float32),
            pltpu.VMEM((CH, K), jnp.float32),
            pltpu.VMEM((CH, D), jnp.float32),
            pltpu.VMEM((CH, D), jnp.float32),
            pltpu.SemaphoreType.DMA,
            pltpu.SemaphoreType.DMA,
            pltpu.SemaphoreType.DMA,
            pltpu.SemaphoreType.DMA,
            pltpu.SemaphoreType.DMA,
            pltpu.SemaphoreType.DMA,
        ],
    )
    return f(xm, ei)


@jax.jit
def kernel(X, edge_idx, C):
    x_flat = X.reshape(N, D)
    mask = (C.reshape(N) > 0).astype(jnp.float32)
    xm = jnp.concatenate(
        [x_flat, mask[:, None], jnp.zeros((N, 3), jnp.float32)], axis=1)
    ei = edge_idx.reshape(N * K)

    edge_flat, mask_flat, node_h = _edge_call(xm, ei)

    return (node_h.reshape(1, N, D),
            edge_flat.reshape(1, N, K, F),
            mask_flat.reshape(1, N, K, 1))

# --- scband reference (transcript-rebuilt; emitter-appended) ---
"""Pipeline reference for scband-flood-feature-graph-23759759081723 (READ-ONLY COPY).

The authoritative reference and input builder live on the scoring server;
editing this copy changes nothing except your own understanding.
"""

import jax, jax.numpy as jnp
import numpy as np

B, N, K, G = 1, 100000, 16, 4
SCALE = 0.1


def collect_neighbors(node_h, edge_idx):
    # node_h: [B, N, D], edge_idx: [B, N, K] -> [B, N, K, D]
    return jax.vmap(lambda nh, ei: nh[ei])(node_h, edge_idx)


def setup_inputs(seed: int = 0) -> dict:
    key = jax.random.key(seed)
    k1, k2, k3 = jax.random.split(key, 3)
    X = jax.random.normal(k1, (B, N, G, 3), dtype=jnp.float32)
    edge_idx = jax.random.randint(k2, (B, N, K), 0, N, dtype=jnp.int32)
    C = jax.random.randint(k3, (B, N), 0, 4, dtype=jnp.int32)
    return {"X": X, "edge_idx": edge_idx, "C": C}


def reference(X, edge_idx, C):
    Bb, Nn, Kk = edge_idx.shape
    Gg = X.shape[2]
    X_flat = X.reshape(Bb, Nn, Gg * 3)
    # field-map mask (C > 0)
    mask_i = (C > 0).astype(jnp.float32)
    # node features: scaled raw coordinates, masked (NodeCartesianCoords-style)
    node_h = SCALE * X_flat * mask_i[..., None]
    # edge features: relative cartesian coords (EdgeCartesianCoords)
    X_j_flat = collect_neighbors(X_flat, edge_idx)
    X_j = X_j_flat.reshape(Bb, Nn, Kk, 1, Gg, 3)
    X_i = X.reshape(Bb, Nn, 1, Gg, 1, 3)
    dX = X_j - X_i  # broadcasts to [B, N, K, G, G, 3]
    edge_h = SCALE * dX.reshape(Bb, Nn, Kk, -1)
    # edge mask propagation
    mask_i_expand = mask_i[..., None]  # [B, N, 1]
    mask_j = collect_neighbors(mask_i_expand, edge_idx)  # [B, N, K, 1]
    mask_ij = mask_j * mask_i_expand[:, :, None, :]  # [B, N, K, 1]
    edge_h = mask_ij * edge_h
    return node_h, edge_h, mask_ij

if __name__ == "__main__":
    import jax
    _d = setup_inputs()
    print(jax.jit(kernel)(*tuple(_d.values())))

</pallas_src>

<mosaic_0001>
#map = affine_map<(d0, d1) -> (0, 0)>
#map1 = affine_map<(d0, d1) -> (0)>
module attributes {stable_mosaic.version = 14 : i64} {
  func.func @_edge_body(%arg0: i32, %arg1: i32, %arg2: memref<100000x16xf32, #tpu.memory_space<hbm>>, %arg3: memref<1600000xi32, #tpu.memory_space<hbm>>, %arg4: memref<100000x768xf32, #tpu.memory_space<hbm>>, %arg5: memref<100000x16xf32, #tpu.memory_space<hbm>>, %arg6: memref<100000x12xf32, #tpu.memory_space<hbm>>, %arg7: memref<768xi32, #tpu.memory_space<vmem>>, %arg8: memref<768xi32, #tpu.memory_space<vmem>>, %arg9: memref<48xi32, #tpu.memory_space<vmem>>, %arg10: memref<48xi32, #tpu.memory_space<vmem>>, %arg11: memref<48x16xf32, #tpu.memory_space<vmem>>, %arg12: memref<48x16xf32, #tpu.memory_space<vmem>>, %arg13: memref<768x16xf32, #tpu.memory_space<vmem>>, %arg14: memref<768x16xf32, #tpu.memory_space<vmem>>, %arg15: memref<48x768xf32, #tpu.memory_space<vmem>>, %arg16: memref<48x768xf32, #tpu.memory_space<vmem>>, %arg17: memref<48x16xf32, #tpu.memory_space<vmem>>, %arg18: memref<48x16xf32, #tpu.memory_space<vmem>>, %arg19: memref<48x12xf32, #tpu.memory_space<vmem>>, %arg20: memref<48x12xf32, #tpu.memory_space<vmem>>, %arg21: memref<!tpu.dma_semaphore, #tpu.memory_space<semaphore_mem>>, %arg22: memref<!tpu.dma_semaphore, #tpu.memory_space<semaphore_mem>>, %arg23: memref<!tpu.dma_semaphore, #tpu.memory_space<semaphore_mem>>, %arg24: memref<!tpu.dma_semaphore, #tpu.memory_space<semaphore_mem>>, %arg25: memref<!tpu.dma_semaphore, #tpu.memory_space<semaphore_mem>>, %arg26: memref<!tpu.dma_semaphore, #tpu.memory_space<semaphore_mem>>) attributes {dimension_semantics = [#tpu.dimension_semantics<core_parallel>, #tpu.dimension_semantics<subcore_parallel>], iteration_bounds = array<i64: 2, 16>, scalar_prefetch = 0 : i64, scratch_operands = 20 : i64, tpu.core_type = #tpu.core_type<sc_vector_subcore>, window_params = [{transform_indices = #map}, {transform_indices = #map1}, {transform_indices = #map}, {transform_indices = #map}, {transform_indices = #map}]} {
    %mul3A = arith.constant 2 : i32
    %mul3A_0 = arith.muli %arg1, %mul3A : i32
    %add3A = arith.addi %mul3A_0, %arg0 : i32
    %mul3A_1 = arith.constant 3125 : i32
    %mul3A_2 = arith.muli %add3A, %mul3A_1 : i32
    %iota3A = tpu.iota {dimensions = array<i32: 0>} : vector<16xi32>
    %add3A_3 = arith.constant 0 : i32
    %add3A_4 = vector.broadcast %add3A_3 : i32 to vector<16xi32>
    %add3A_5 = arith.addi %iota3A, %add3A_4 : vector<16xi32>
    %jit3A = arith.constant 12 : i32
    %eq3A = arith.constant 0 : i32
    %eq3A_6 = arith.cmpi eq, %jit3A, %eq3A : i32
    %jit3A_7 = arith.constant 1 : i32
    %select_n3A = arith.select %eq3A_6, %jit3A_7, %jit3A : i32
    %rem3A = vector.broadcast %select_n3A : i32 to vector<16xi32>
    %rem3A_8 = arith.remsi %add3A_5, %rem3A : vector<16xi32>
    %ne3A = arith.constant 0 : i32
    %ne3A_9 = vector.broadcast %ne3A : i32 to vector<16xi32>
    %ne3A_10 = arith.cmpi ne, %rem3A_8, %ne3A_9 : vector<16xi32>
    %lt3A = arith.constant 0 : i32
    %lt3A_11 = vector.broadcast %lt3A : i32 to vector<16xi32>
    %lt3A_12 = arith.cmpi slt, %rem3A_8, %lt3A_11 : vector<16xi32>
    %lt3A_13 = arith.constant 0 : i32
    %lt3A_14 = arith.cmpi slt, %select_n3A, %lt3A_13 : i32
    %ne3A_15 = vector.broadcast %lt3A_14 : i1 to vector<16xi1>
    %ne3A_16 = vector.broadcast %ne3A_15 : vector<16xi1> to vector<16xi1>
    %ne3A_17 = arith.xori %lt3A_12, %ne3A_16 : vector<16xi1>
    %and3A = arith.andi %ne3A_17, %ne3A_10 : vector<16xi1>
    %add3A_18 = vector.broadcast %select_n3A : i32 to vector<16xi32>
    %add3A_19 = arith.addi %rem3A_8, %add3A_18 : vector<16xi32>
    %select_n3A_20 = arith.select %and3A, %add3A_19, %rem3A_8 : vector<16xi1>, vector<16xi32>
    %add3A_21 = arith.constant 16 : i32
    %add3A_22 = vector.broadcast %add3A_21 : i32 to vector<16xi32>
    %add3A_23 = arith.addi %iota3A, %add3A_22 : vector<16xi32>
    %jit3A_24 = arith.constant 12 : i32
    %eq3A_25 = arith.constant 0 : i32
    %eq3A_26 = arith.cmpi eq, %jit3A_24, %eq3A_25 : i32
    %jit3A_27 = arith.constant 1 : i32
    %select_n3A_28 = arith.select %eq3A_26, %jit3A_27, %jit3A_24 : i32
    %rem3A_29 = vector.broadcast %select_n3A_28 : i32 to vector<16xi32>
    %rem3A_30 = arith.remsi %add3A_23, %rem3A_29 : vector<16xi32>
    %ne3A_31 = arith.constant 0 : i32
    %ne3A_32 = vector.broadcast %ne3A_31 : i32 to vector<16xi32>
    %ne3A_33 = arith.cmpi ne, %rem3A_30, %ne3A_32 : vector<16xi32>
    %lt3A_34 = arith.constant 0 : i32
    %lt3A_35 = vector.broadcast %lt3A_34 : i32 to vector<16xi32>
    %lt3A_36 = arith.cmpi slt, %rem3A_30, %lt3A_35 : vector<16xi32>
    %lt3A_37 = arith.constant 0 : i32
    %lt3A_38 = arith.cmpi slt, %select_n3A_28, %lt3A_37 : i32
    %ne3A_39 = vector.broadcast %lt3A_38 : i1 to vector<16xi1>
    %ne3A_40 = vector.broadcast %ne3A_39 : vector<16xi1> to vector<16xi1>
    %ne3A_41 = arith.xori %lt3A_36, %ne3A_40 : vector<16xi1>
    %and3A_42 = arith.andi %ne3A_41, %ne3A_33 : vector<16xi1>
    %add3A_43 = vector.broadcast %select_n3A_28 : i32 to vector<16xi32>
    %add3A_44 = arith.addi %rem3A_30, %add3A_43 : vector<16xi32>
    %select_n3A_45 = arith.select %and3A_42, %add3A_44, %rem3A_30 : vector<16xi1>, vector<16xi32>
    %add3A_46 = arith.constant 32 : i32
    %add3A_47 = vector.broadcast %add3A_46 : i32 to vector<16xi32>
    %add3A_48 = arith.addi %iota3A, %add3A_47 : vector<16xi32>
    %jit3A_49 = arith.constant 12 : i32
    %eq3A_50 = arith.constant 0 : i32
    %eq3A_51 = arith.cmpi eq, %jit3A_49, %eq3A_50 : i32
    %jit3A_52 = arith.constant 1 : i32
    %select_n3A_53 = arith.select %eq3A_51, %jit3A_52, %jit3A_49 : i32
    %rem3A_54 = vector.broadcast %select_n3A_53 : i32 to vector<16xi32>
    %rem3A_55 = arith.remsi %add3A_48, %rem3A_54 : vector<16xi32>
    %ne3A_56 = arith.constant 0 : i32
    %ne3A_57 = vector.broadcast %ne3A_56 : i32 to vector<16xi32>
    %ne3A_58 = arith.cmpi ne, %rem3A_55, %ne3A_57 : vector<16xi32>
    %lt3A_59 = arith.constant 0 : i32
    %lt3A_60 = vector.broadcast %lt3A_59 : i32 to vector<16xi32>
    %lt3A_61 = arith.cmpi slt, %rem3A_55, %lt3A_60 : vector<16xi32>
    %lt3A_62 = arith.constant 0 : i32
    %lt3A_63 = arith.cmpi slt, %select_n3A_53, %lt3A_62 : i32
    %ne3A_64 = vector.broadcast %lt3A_63 : i1 to vector<16xi1>
    %ne3A_65 = vector.broadcast %ne3A_64 : vector<16xi1> to vector<16xi1>
    %ne3A_66 = arith.xori %lt3A_61, %ne3A_65 : vector<16xi1>
    %and3A_67 = arith.andi %ne3A_66, %ne3A_58 : vector<16xi1>
    %add3A_68 = vector.broadcast %select_n3A_53 : i32 to vector<16xi32>
    %add3A_69 = arith.addi %rem3A_55, %add3A_68 : vector<16xi32>
    %select_n3A_70 = arith.select %and3A_67, %add3A_69, %rem3A_55 : vector<16xi1>, vector<16xi32>
    %add3A_71 = arith.constant 0 : i32
    %add3A_72 = vector.broadcast %add3A_71 : i32 to vector<16xi32>
    %add3A_73 = arith.addi %iota3A, %add3A_72 : vector<16xi32>
    %jit3A_74 = arith.constant 12 : i32
    %div3A = vector.broadcast %jit3A_74 : i32 to vector<16xi32>
    %div3A_75 = arith.divsi %add3A_73, %div3A : vector<16xi32>
    %sign3A = arith.constant 0 : i32
    %sign3A_76 = vector.broadcast %sign3A : i32 to vector<16xi32>
    %sign3A_77 = arith.cmpi sgt, %add3A_73, %sign3A_76 : vector<16xi32>
    %sign3A_78 = arith.extui %sign3A_77 : vector<16xi1> to vector<16xi32>
    %sign3A_79 = arith.constant 0 : i32
    %sign3A_80 = vector.broadcast %sign3A_79 : i32 to vector<16xi32>
    %sign3A_81 = arith.cmpi slt, %add3A_73, %sign3A_80 : vector<16xi32>
    %sign3A_82 = arith.extui %sign3A_81 : vector<16xi1> to vector<16xi32>
    %sign3A_83 = arith.subi %sign3A_78, %sign3A_82 : vector<16xi32>
    %sign3A_84 = arith.constant 0 : i32
    %sign3A_85 = arith.cmpi sgt, %jit3A_74, %sign3A_84 : i32
    %sign3A_86 = arith.extui %sign3A_85 : i1 to i32
    %sign3A_87 = arith.constant 0 : i32
    %sign3A_88 = arith.cmpi slt, %jit3A_74, %sign3A_87 : i32
    %sign3A_89 = arith.extui %sign3A_88 : i1 to i32
    %sign3A_90 = arith.subi %sign3A_86, %sign3A_89 : i32
    %ne3A_91 = vector.broadcast %sign3A_90 : i32 to vector<16xi32>
    %ne3A_92 = arith.cmpi ne, %sign3A_83, %ne3A_91 : vector<16xi32>
    %rem3A_93 = vector.broadcast %jit3A_74 : i32 to vector<16xi32>
    %rem3A_94 = arith.remsi %add3A_73, %rem3A_93 : vector<16xi32>
    %ne3A_95 = arith.constant 0 : i32
    %ne3A_96 = vector.broadcast %ne3A_95 : i32 to vector<16xi32>
    %ne3A_97 = arith.cmpi ne, %rem3A_94, %ne3A_96 : vector<16xi32>
    %and3A_98 = arith.andi %ne3A_92, %ne3A_97 : vector<16xi1>
    %sub3A = arith.constant 1 : i32
    %sub3A_99 = vector.broadcast %sub3A : i32 to vector<16xi32>
    %sub3A_100 = arith.subi %div3A_75, %sub3A_99 : vector<16xi32>
    %select_n3A_101 = arith.select %and3A_98, %sub3A_100, %div3A_75 : vector<16xi1>, vector<16xi32>
    %mul3A_102 = arith.constant 3 : i32
    %mul3A_103 = vector.broadcast %mul3A_102 : i32 to vector<16xi32>
    %mul3A_104 = arith.muli %mul3A_103, %select_n3A_101 : vector<16xi32>
    %add3A_105 = arith.constant 0 : i32
    %add3A_106 = vector.broadcast %add3A_105 : i32 to vector<16xi32>
    %add3A_107 = arith.addi %iota3A, %add3A_106 : vector<16xi32>
    %jit3A_108 = arith.constant 3 : i32
    %eq3A_109 = arith.constant 0 : i32
    %eq3A_110 = arith.cmpi eq, %jit3A_108, %eq3A_109 : i32
    %jit3A_111 = arith.constant 1 : i32
    %select_n3A_112 = arith.select %eq3A_110, %jit3A_111, %jit3A_108 : i32
    %rem3A_113 = vector.broadcast %select_n3A_112 : i32 to vector<16xi32>
    %rem3A_114 = arith.remsi %add3A_107, %rem3A_113 : vector<16xi32>
    %ne3A_115 = arith.constant 0 : i32
    %ne3A_116 = vector.broadcast %ne3A_115 : i32 to vector<16xi32>
    %ne3A_117 = arith.cmpi ne, %rem3A_114, %ne3A_116 : vector<16xi32>
    %lt3A_118 = arith.constant 0 : i32
    %lt3A_119 = vector.broadcast %lt3A_118 : i32 to vector<16xi32>
    %lt3A_120 = arith.cmpi slt, %rem3A_114, %lt3A_119 : vector<16xi32>
    %lt3A_121 = arith.constant 0 : i32
    %lt3A_122 = arith.cmpi slt, %select_n3A_112, %lt3A_121 : i32
    %ne3A_123 = vector.broadcast %lt3A_122 : i1 to vector<16xi1>
    %ne3A_124 = vector.broadcast %ne3A_123 : vector<16xi1> to vector<16xi1>
    %ne3A_125 = arith.xori %lt3A_120, %ne3A_124 : vector<16xi1>
    %and3A_126 = arith.andi %ne3A_125, %ne3A_117 : vector<16xi1>
    %add3A_127 = vector.broadcast %select_n3A_112 : i32 to vector<16xi32>
    %add3A_128 = arith.addi %rem3A_114, %add3A_127 : vector<16xi32>
    %select_n3A_129 = arith.select %and3A_126, %add3A_128, %rem3A_114 : vector<16xi1>, vector<16xi32>
    %add3A_130 = arith.addi %mul3A_104, %select_n3A_129 : vector<16xi32>
    %add3A_131 = arith.constant 16 : i32
    %add3A_132 = vector.broadcast %add3A_131 : i32 to vector<16xi32>
    %add3A_133 = arith.addi %iota3A, %add3A_132 : vector<16xi32>
    %jit3A_134 = arith.constant 12 : i32
    %div3A_135 = vector.broadcast %jit3A_134 : i32 to vector<16xi32>
    %div3A_136 = arith.divsi %add3A_133, %div3A_135 : vector<16xi32>
    %sign3A_137 = arith.constant 0 : i32
    %sign3A_138 = vector.broadcast %sign3A_137 : i32 to vector<16xi32>
    %sign3A_139 = arith.cmpi sgt, %add3A_133, %sign3A_138 : vector<16xi32>
    %sign3A_140 = arith.extui %sign3A_139 : vector<16xi1> to vector<16xi32>
    %sign3A_141 = arith.constant 0 : i32
    %sign3A_142 = vector.broadcast %sign3A_141 : i32 to vector<16xi32>
    %sign3A_143 = arith.cmpi slt, %add3A_133, %sign3A_142 : vector<16xi32>
    %sign3A_144 = arith.extui %sign3A_143 : vector<16xi1> to vector<16xi32>
    %sign3A_145 = arith.subi %sign3A_140, %sign3A_144 : vector<16xi32>
    %sign3A_146 = arith.constant 0 : i32
    %sign3A_147 = arith.cmpi sgt, %jit3A_134, %sign3A_146 : i32
    %sign3A_148 = arith.extui %sign3A_147 : i1 to i32
    %sign3A_149 = arith.constant 0 : i32
    %sign3A_150 = arith.cmpi slt, %jit3A_134, %sign3A_149 : i32
    %sign3A_151 = arith.extui %sign3A_150 : i1 to i32
    %sign3A_152 = arith.subi %sign3A_148, %sign3A_151 : i32
    %ne3A_153 = vector.broadcast %sign3A_152 : i32 to vector<16xi32>
    %ne3A_154 = arith.cmpi ne, %sign3A_145, %ne3A_153 : vector<16xi32>
    %rem3A_155 = vector.broadcast %jit3A_134 : i32 to vector<16xi32>
    %rem3A_156 = arith.remsi %add3A_133, %rem3A_155 : vector<16xi32>
    %ne3A_157 = arith.constant 0 : i32
    %ne3A_158 = vector.broadcast %ne3A_157 : i32 to vector<16xi32>
    %ne3A_159 = arith.cmpi ne, %rem3A_156, %ne3A_158 : vector<16xi32>
    %and3A_160 = arith.andi %ne3A_154, %ne3A_159 : vector<16xi1>
    %sub3A_161 = arith.constant 1 : i32
    %sub3A_162 = vector.broadcast %sub3A_161 : i32 to vector<16xi32>
    %sub3A_163 = arith.subi %div3A_136, %sub3A_162 : vector<16xi32>
    %select_n3A_164 = arith.select %and3A_160, %sub3A_163, %div3A_136 : vector<16xi1>, vector<16xi32>
    %mul3A_165 = arith.constant 3 : i32
    %mul3A_166 = vector.broadcast %mul3A_165 : i32 to vector<16xi32>
    %mul3A_167 = arith.muli %mul3A_166, %select_n3A_164 : vector<16xi32>
    %add3A_168 = arith.constant 16 : i32
    %add3A_169 = vector.broadcast %add3A_168 : i32 to vector<16xi32>
    %add3A_170 = arith.addi %iota3A, %add3A_169 : vector<16xi32>
    %jit3A_171 = arith.constant 3 : i32
    %eq3A_172 = arith.constant 0 : i32
    %eq3A_173 = arith.cmpi eq, %jit3A_171, %eq3A_172 : i32
    %jit3A_174 = arith.constant 1 : i32
    %select_n3A_175 = arith.select %eq3A_173, %jit3A_174, %jit3A_171 : i32
    %rem3A_176 = vector.broadcast %select_n3A_175 : i32 to vector<16xi32>
    %rem3A_177 = arith.remsi %add3A_170, %rem3A_176 : vector<16xi32>
    %ne3A_178 = arith.constant 0 : i32
    %ne3A_179 = vector.broadcast %ne3A_178 : i32 to vector<16xi32>
    %ne3A_180 = arith.cmpi ne, %rem3A_177, %ne3A_179 : vector<16xi32>
    %lt3A_181 = arith.constant 0 : i32
    %lt3A_182 = vector.broadcast %lt3A_181 : i32 to vector<16xi32>
    %lt3A_183 = arith.cmpi slt, %rem3A_177, %lt3A_182 : vector<16xi32>
    %lt3A_184 = arith.constant 0 : i32
    %lt3A_185 = arith.cmpi slt, %select_n3A_175, %lt3A_184 : i32
    %ne3A_186 = vector.broadcast %lt3A_185 : i1 to vector<16xi1>
    %ne3A_187 = vector.broadcast %ne3A_186 : vector<16xi1> to vector<16xi1>
    %ne3A_188 = arith.xori %lt3A_183, %ne3A_187 : vector<16xi1>
    %and3A_189 = arith.andi %ne3A_188, %ne3A_180 : vector<16xi1>
    %add3A_190 = vector.broadcast %select_n3A_175 : i32 to vector<16xi32>
    %add3A_191 = arith.addi %rem3A_177, %add3A_190 : vector<16xi32>
    %select_n3A_192 = arith.select %and3A_189, %add3A_191, %rem3A_177 : vector<16xi1>, vector<16xi32>
    %add3A_193 = arith.addi %mul3A_167, %select_n3A_192 : vector<16xi32>
    %add3A_194 = arith.constant 32 : i32
    %add3A_195 = vector.broadcast %add3A_194 : i32 to vector<16xi32>
    %add3A_196 = arith.addi %iota3A, %add3A_195 : vector<16xi32>
    %jit3A_197 = arith.constant 12 : i32
    %div3A_198 = vector.broadcast %jit3A_197 : i32 to vector<16xi32>
    %div3A_199 = arith.divsi %add3A_196, %div3A_198 : vector<16xi32>
    %sign3A_200 = arith.constant 0 : i32
    %sign3A_201 = vector.broadcast %sign3A_200 : i32 to vector<16xi32>
    %sign3A_202 = arith.cmpi sgt, %add3A_196, %sign3A_201 : vector<16xi32>
    %sign3A_203 = arith.extui %sign3A_202 : vector<16xi1> to vector<16xi32>
    %sign3A_204 = arith.constant 0 : i32
    %sign3A_205 = vector.broadcast %sign3A_204 : i32 to vector<16xi32>
    %sign3A_206 = arith.cmpi slt, %add3A_196, %sign3A_205 : vector<16xi32>
    %sign3A_207 = arith.extui %sign3A_206 : vector<16xi1> to vector<16xi32>
    %sign3A_208 = arith.subi %sign3A_203, %sign3A_207 : vector<16xi32>
    %sign3A_209 = arith.constant 0 : i32
    %sign3A_210 = arith.cmpi sgt, %jit3A_197, %sign3A_209 : i32
    %sign3A_211 = arith.extui %sign3A_210 : i1 to i32
    %sign3A_212 = arith.constant 0 : i32
    %sign3A_213 = arith.cmpi slt, %jit3A_197, %sign3A_212 : i32
    %sign3A_214 = arith.extui %sign3A_213 : i1 to i32
    %sign3A_215 = arith.subi %sign3A_211, %sign3A_214 : i32
    %ne3A_216 = vector.broadcast %sign3A_215 : i32 to vector<16xi32>
    %ne3A_217 = arith.cmpi ne, %sign3A_208, %ne3A_216 : vector<16xi32>
    %rem3A_218 = vector.broadcast %jit3A_197 : i32 to vector<16xi32>
    %rem3A_219 = arith.remsi %add3A_196, %rem3A_218 : vector<16xi32>
    %ne3A_220 = arith.constant 0 : i32
    %ne3A_221 = vector.broadcast %ne3A_220 : i32 to vector<16xi32>
    %ne3A_222 = arith.cmpi ne, %rem3A_219, %ne3A_221 : vector<16xi32>
    %and3A_223 = arith.andi %ne3A_217, %ne3A_222 : vector<16xi1>
    %sub3A_224 = arith.constant 1 : i32
    %sub3A_225 = vector.broadcast %sub3A_224 : i32 to vector<16xi32>
    %sub3A_226 = arith.subi %div3A_199, %sub3A_225 : vector<16xi32>
    %select_n3A_227 = arith.select %and3A_223, %sub3A_226, %div3A_199 : vector<16xi1>, vector<16xi32>
    %mul3A_228 = arith.constant 3 : i32
    %mul3A_229 = vector.broadcast %mul3A_228 : i32 to vector<16xi32>
    %mul3A_230 = arith.muli %mul3A_229, %select_n3A_227 : vector<16xi32>
    %add3A_231 = arith.constant 32 : i32
    %add3A_232 = vector.broadcast %add3A_231 : i32 to vector<16xi32>
    %add3A_233 = arith.addi %iota3A, %add3A_232 : vector<16xi32>
    %jit3A_234 = arith.constant 3 : i32
    %eq3A_235 = arith.constant 0 : i32
    %eq3A_236 = arith.cmpi eq, %jit3A_234, %eq3A_235 : i32
    %jit3A_237 = arith.constant 1 : i32
    %select_n3A_238 = arith.select %eq3A_236, %jit3A_237, %jit3A_234 : i32
    %rem3A_239 = vector.broadcast %select_n3A_238 : i32 to vector<16xi32>
    %rem3A_240 = arith.remsi %add3A_233, %rem3A_239 : vector<16xi32>
    %ne3A_241 = arith.constant 0 : i32
    %ne3A_242 = vector.broadcast %ne3A_241 : i32 to vector<16xi32>
    %ne3A_243 = arith.cmpi ne, %rem3A_240, %ne3A_242 : vector<16xi32>
    %lt3A_244 = arith.constant 0 : i32
    %lt3A_245 = vector.broadcast %lt3A_244 : i32 to vector<16xi32>
    %lt3A_246 = arith.cmpi slt, %rem3A_240, %lt3A_245 : vector<16xi32>
    %lt3A_247 = arith.constant 0 : i32
    %lt3A_248 = arith.cmpi slt, %select_n3A_238, %lt3A_247 : i32
    %ne3A_249 = vector.broadcast %lt3A_248 : i1 to vector<16xi1>
    %ne3A_250 = vector.broadcast %ne3A_249 : vector<16xi1> to vector<16xi1>
    %ne3A_251 = arith.xori %lt3A_246, %ne3A_250 : vector<16xi1>
    %and3A_252 = arith.andi %ne3A_251, %ne3A_243 : vector<16xi1>
    %add3A_253 = vector.broadcast %select_n3A_238 : i32 to vector<16xi32>
    %add3A_254 = arith.addi %rem3A_240, %add3A_253 : vector<16xi32>
    %select_n3A_255 = arith.select %and3A_252, %add3A_254, %rem3A_240 : vector<16xi1>, vector<16xi32>
    %add3A_256 = arith.addi %mul3A_230, %select_n3A_255 : vector<16xi32>
    %broadcast_in_dim3A = arith.constant 12 : i32
    %broadcast_in_dim3A_257 = vector.broadcast %broadcast_in_dim3A : i32 to vector<16xi32>
    %mul3A_258 = arith.constant 48 : i32
    %mul3A_259 = vector.broadcast %mul3A_258 : i32 to vector<16xi32>
    %mul3A_260 = arith.muli %iota3A, %mul3A_259 : vector<16xi32>
    %lt3A_261 = arith.constant 12 : i32
    %lt3A_262 = vector.broadcast %lt3A_261 : i32 to vector<16xi32>
    %lt3A_263 = arith.cmpi slt, %iota3A, %lt3A_262 : vector<16xi32>
    %min3A = arith.constant 0 : i32
    %min3A_264 = arith.constant 3077 : i32
    %min3A_265 = arith.minsi %min3A, %min3A_264 : i32
    %add3A_266 = arith.addi %mul3A_2, %min3A_265 : i32
    %mul3A_267 = arith.constant 16 : i32
    %mul3A_268 = arith.muli %add3A_266, %mul3A_267 : i32
    %dma_start3A = tpu.memref_slice %arg3[%mul3A_268] : memref<1600000xi32, #tpu.memory_space<hbm>> -> memref<768xi32, #tpu.memory_space<hbm>>
    %dma_start3A_269 = tpu.memref_slice %arg3[%mul3A_268] : memref<1600000xi32, #tpu.memory_space<hbm>> -> memref<768xi32, #tpu.memory_space<hbm>>
    tpu.enqueue_dma source(%dma_start3A_269 : memref<768xi32, #tpu.memory_space<hbm>>) target(%arg7 : memref<768xi32, #tpu.memory_space<vmem>>) target_semaphore(%arg21 : memref<!tpu.dma_semaphore, #tpu.memory_space<semaphore_mem>>)
    %dma_wait3A = arith.constant 0 : i32
    %dma_wait3A_270 = tpu.memref_slice %arg3[%dma_wait3A] : memref<1600000xi32, #tpu.memory_space<hbm>> -> memref<768xi32, #tpu.memory_space<hbm>>
    %dma_wait3A_271 = arith.constant 0 : i32
    %dma_wait3A_272 = tpu.memref_slice %arg3[%dma_wait3A_271] : memref<1600000xi32, #tpu.memory_space<hbm>> -> memref<768xi32, #tpu.memory_space<hbm>>
    tpu.wait_dma2 semaphore(%arg21 : memref<!tpu.dma_semaphore, #tpu.memory_space<semaphore_mem>>) src(%dma_wait3A_272 : memref<768xi32, #tpu.memory_space<hbm>>) dst(%arg7 : memref<768xi32, #tpu.memory_space<vmem>>)
    %min3A_273 = arith.constant 0 : i32
    %min3A_274 = arith.constant 3077 : i32
    %min3A_275 = arith.minsi %min3A_273, %min3A_274 : i32
    %add3A_276 = arith.addi %mul3A_2, %min3A_275 : i32
    %add3A_277 = vector.broadcast %add3A_276 : i32 to vector<16xi32>
    %add3A_278 = arith.addi %add3A_277, %iota3A : vector<16xi32>
    %add3A_279 = arith.constant 0 : i32
    %add3A_280 = vector.broadcast %add3A_279 : i32 to vector<16xi32>
    %add3A_281 = arith.addi %add3A_278, %add3A_280 : vector<16xi32>
    %swap3A = arith.constant 0 : index
    %swap3A_282 = tpu.vector_load %arg9[%swap3A] {strides = array<i32>} : memref<48xi32, #tpu.memory_space<vmem>>, vector<16xi32>,
    tpu.vector_store %arg9[%swap3A], %add3A_281 {strides = array<i32>} : memref<48xi32, #tpu.memory_space<vmem>>, vector<16xi32>,
    %add3A_283 = vector.broadcast %add3A_276 : i32 to vector<16xi32>
    %add3A_284 = arith.addi %add3A_283, %iota3A : vector<16xi32>
    %add3A_285 = arith.constant 16 : i32
    %add3A_286 = vector.broadcast %add3A_285 : i32 to vector<16xi32>
    %add3A_287 = arith.addi %add3A_284, %add3A_286 : vector<16xi32>
    %swap3A_288 = arith.constant 16 : index
    %swap3A_289 = tpu.vector_load %arg9[%swap3A_288] {strides = array<i32>} : memref<48xi32, #tpu.memory_space<vmem>>, vector<16xi32>,
    tpu.vector_store %arg9[%swap3A_288], %add3A_287 {strides = array<i32>} : memref<48xi32, #tpu.memory_space<vmem>>, vector<16xi32>,
    %add3A_290 = vector.broadcast %add3A_276 : i32 to vector<16xi32>
    %add3A_291 = arith.addi %add3A_290, %iota3A : vector<16xi32>
    %add3A_292 = arith.constant 32 : i32
    %add3A_293 = vector.broadcast %add3A_292 : i32 to vector<16xi32>
    %add3A_294 = arith.addi %add3A_291, %add3A_293 : vector<16xi32>
    %swap3A_295 = arith.constant 32 : index
    %swap3A_296 = tpu.vector_load %arg9[%swap3A_295] {strides = array<i32>} : memref<48xi32, #tpu.memory_space<vmem>>, vector<16xi32>,
    tpu.vector_store %arg9[%swap3A_295], %add3A_294 {strides = array<i32>} : memref<48xi32, #tpu.memory_space<vmem>>, vector<16xi32>,
    %dma_start3A_297 = arith.constant 0 : i32
    %dma_start3A_298 = arith.constant 0 : i32
    %dma_start3A_299 = tpu.memref_slice %arg2[%dma_start3A_297, %dma_start3A_298] : memref<100000x16xf32, #tpu.memory_space<hbm>> -> memref<100000x16xf32, #tpu.memory_space<hbm>>
    tpu.enqueue_indirect_dma source(%dma_start3A_299 : memref<100000x16xf32, #tpu.memory_space<hbm>>) target(%arg11 : memref<48x16xf32, #tpu.memory_space<vmem>>) offsets(%arg9 : memref<48xi32, #tpu.memory_space<vmem>>) semaphore(%arg23 : memref<!tpu.dma_semaphore, #tpu.memory_space<semaphore_mem>>)
    %dma_start3A_300 = arith.constant 0 : i32
    %dma_start3A_301 = arith.constant 0 : i32
    %dma_start3A_302 = tpu.memref_slice %arg2[%dma_start3A_300, %dma_start3A_301] : memref<100000x16xf32, #tpu.memory_space<hbm>> -> memref<100000x16xf32, #tpu.memory_space<hbm>>
    tpu.enqueue_indirect_dma source(%dma_start3A_302 : memref<100000x16xf32, #tpu.memory_space<hbm>>) target(%arg13 : memref<768x16xf32, #tpu.memory_space<vmem>>) offsets(%arg7 : memref<768xi32, #tpu.memory_space<vmem>>) semaphore(%arg23 : memref<!tpu.dma_semaphore, #tpu.memory_space<semaphore_mem>>)
    %min3A_303 = arith.constant 48 : i32
    %min3A_304 = arith.constant 3077 : i32
    %min3A_305 = arith.minsi %min3A_303, %min3A_304 : i32
    %add3A_306 = arith.addi %mul3A_2, %min3A_305 : i32
    %mul3A_307 = arith.constant 16 : i32
    %mul3A_308 = arith.muli %add3A_306, %mul3A_307 : i32
    %dma_start3A_309 = tpu.memref_slice %arg3[%mul3A_308] : memref<1600000xi32, #tpu.memory_space<hbm>> -> memref<768xi32, #tpu.memory_space<hbm>>
    %dma_start3A_310 = tpu.memref_slice %arg3[%mul3A_308] : memref<1600000xi32, #tpu.memory_space<hbm>> -> memref<768xi32, #tpu.memory_space<hbm>>
    tpu.enqueue_dma source(%dma_start3A_310 : memref<768xi32, #tpu.memory_space<hbm>>) target(%arg8 : memref<768xi32, #tpu.memory_space<vmem>>) target_semaphore(%arg22 : memref<!tpu.dma_semaphore, #tpu.memory_space<semaphore_mem>>)
    %scan3A = arith.constant 0 : i32
    %scan3A_311 = arith.constant 0 : i32
    %scan3A_312 = arith.constant 33 : i32
    %scan3A_313 = arith.addi %scan3A_311, %scan3A_312 : i32
    %scan3A_314 = arith.constant 1 : i32
    scf.for %scan3A_352 = %scan3A_311 to %scan3A_313 step %scan3A_314  : i32 {
      %mul3A_353 = arith.constant 2 : i32
      %mul3A_354 = arith.muli %mul3A_353, %scan3A_352 : i32
      %add3A_355 = arith.constant 0 : i32
      %add3A_356 = arith.addi %mul3A_354, %add3A_355 : i32
      %dma_wait3A_357 = arith.constant 0 : i32
      %dma_wait3A_358 = arith.constant 0 : i32
      %dma_wait3A_359 = tpu.memref_slice %arg2[%dma_wait3A_357, %dma_wait3A_358] : memref<100000x16xf32, #tpu.memory_space<hbm>> -> memref<100000x16xf32, #tpu.memory_space<hbm>>
      tpu.wait_indirect_dma semaphore(%arg23 : memref<!tpu.dma_semaphore, #tpu.memory_space<semaphore_mem>>) src(%dma_wait3A_359 : memref<100000x16xf32, #tpu.memory_space<hbm>>) dst(%arg11 : memref<48x16xf32, #tpu.memory_space<vmem>>)
      %dma_wait3A_360 = arith.constant 0 : i32
      %dma_wait3A_361 = arith.constant 0 : i32
      %dma_wait3A_362 = tpu.memref_slice %arg2[%dma_wait3A_360, %dma_wait3A_361] : memref<100000x16xf32, #tpu.memory_space<hbm>> -> memref<100000x16xf32, #tpu.memory_space<hbm>>
      tpu.wait_indirect_dma semaphore(%arg23 : memref<!tpu.dma_semaphore, #tpu.memory_space<semaphore_mem>>) src(%dma_wait3A_362 : memref<100000x16xf32, #tpu.memory_space<hbm>>) dst(%arg13 : memref<768x16xf32, #tpu.memory_space<vmem>>)
      %add3A_363 = arith.constant 1 : i32
      %add3A_364 = arith.addi %add3A_356, %add3A_363 : i32
      %lt3A_365 = arith.constant 66 : i32
      %lt3A_366 = arith.cmpi slt, %add3A_364, %lt3A_365 : i32
      %convert_element_type3A = arith.extui %lt3A_366 : i1 to i32
      %cond3A = arith.constant 0 : i32
      %cond3A_367 = arith.cmpi ne, %convert_element_type3A, %cond3A : i32
      scf.if %cond3A_367 {
        %dma_wait3A_454 = arith.constant 0 : i32
        %dma_wait3A_455 = tpu.memref_slice %arg3[%dma_wait3A_454] : memref<1600000xi32, #tpu.memory_space<hbm>> -> memref<768xi32, #tpu.memory_space<hbm>>
        %dma_wait3A_456 = arith.constant 0 : i32
        %dma_wait3A_457 = tpu.memref_slice %arg3[%dma_wait3A_456] : memref<1600000xi32, #tpu.memory_space<hbm>> -> memref<768xi32, #tpu.memory_space<hbm>>
        tpu.wait_dma2 semaphore(%arg22 : memref<!tpu.dma_semaphore, #tpu.memory_space<semaphore_mem>>) src(%dma_wait3A_457 : memref<768xi32, #tpu.memory_space<hbm>>) dst(%arg8 : memref<768xi32, #tpu.memory_space<vmem>>)
        %add3A_458 = arith.constant 1 : i32
        %add3A_459 = arith.addi %add3A_356, %add3A_458 : i32
        %mul3A_460 = arith.constant 48 : i32
        %mul3A_461 = arith.muli %add3A_459, %mul3A_460 : i32
        %min3A_462 = arith.constant 3077 : i32
        %min3A_463 = arith.minsi %mul3A_461, %min3A_462 : i32
        %add3A_464 = arith.addi %mul3A_2, %min3A_463 : i32
        %add3A_465 = vector.broadcast %add3A_464 : i32 to vector<16xi32>
        %add3A_466 = arith.addi %add3A_465, %iota3A : vector<16xi32>
        %add3A_467 = arith.constant 0 : i32
        %add3A_468 = vector.broadcast %add3A_467 : i32 to vector<16xi32>
        %add3A_469 = arith.addi %add3A_466, %add3A_468 : vector<16xi32>
        %swap3A_470 = arith.constant 0 : index
        %swap3A_471 = tpu.vector_load %arg10[%swap3A_470] {strides = array<i32>} : memref<48xi32, #tpu.memory_space<vmem>>, vector<16xi32>,
        tpu.vector_store %arg10[%swap3A_470], %add3A_469 {strides = array<i32>} : memref<48xi32, #tpu.memory_space<vmem>>, vector<16xi32>,
        %add3A_472 = vector.broadcast %add3A_464 : i32 to vector<16xi32>
        %add3A_473 = arith.addi %add3A_472, %iota3A : vector<16xi32>
        %add3A_474 = arith.constant 16 : i32
        %add3A_475 = vector.broadcast %add3A_474 : i32 to vector<16xi32>
        %add3A_476 = arith.addi %add3A_473, %add3A_475 : vector<16xi32>
        %swap3A_477 = arith.constant 16 : index
        %swap3A_478 = tpu.vector_load %arg10[%swap3A_477] {strides = array<i32>} : memref<48xi32, #tpu.memory_space<vmem>>, vector<16xi32>,
        tpu.vector_store %arg10[%swap3A_477], %add3A_476 {strides = array<i32>} : memref<48xi32, #tpu.memory_space<vmem>>, vector<16xi32>,
        %add3A_479 = vector.broadcast %add3A_464 : i32 to vector<16xi32>
        %add3A_480 = arith.addi %add3A_479, %iota3A : vector<16xi32>
        %add3A_481 = arith.constant 32 : i32
        %add3A_482 = vector.broadcast %add3A_481 : i32 to vector<16xi32>
        %add3A_483 = arith.addi %add3A_480, %add3A_482 : vector<16xi32>
        %swap3A_484 = arith.constant 32 : index
        %swap3A_485 = tpu.vector_load %arg10[%swap3A_484] {strides = array<i32>} : memref<48xi32, #tpu.memory_space<vmem>>, vector<16xi32>,
        tpu.vector_store %arg10[%swap3A_484], %add3A_483 {strides = array<i32>} : memref<48xi32, #tpu.memory_space<vmem>>, vector<16xi32>,
        %dma_start3A_486 = arith.constant 0 : i32
        %dma_start3A_487 = arith.constant 0 : i32
        %dma_start3A_488 = tpu.memref_slice %arg2[%dma_start3A_486, %dma_start3A_487] : memref<100000x16xf32, #tpu.memory_space<hbm>> -> memref<100000x16xf32, #tpu.memory_space<hbm>>
        tpu.enqueue_indirect_dma source(%dma_start3A_488 : memref<100000x16xf32, #tpu.memory_space<hbm>>) target(%arg12 : memref<48x16xf32, #tpu.memory_space<vmem>>) offsets(%arg10 : memref<48xi32, #tpu.memory_space<vmem>>) semaphore(%arg24 : memref<!tpu.dma_semaphore, #tpu.memory_space<semaphore_mem>>)
        %dma_start3A_489 = arith.constant 0 : i32
        %dma_start3A_490 = arith.constant 0 : i32
        %dma_start3A_491 = tpu.memref_slice %arg2[%dma_start3A_489, %dma_start3A_490] : memref<100000x16xf32, #tpu.memory_space<hbm>> -> memref<100000x16xf32, #tpu.memory_space<hbm>>
        tpu.enqueue_indirect_dma source(%dma_start3A_491 : memref<100000x16xf32, #tpu.memory_space<hbm>>) target(%arg14 : memref<768x16xf32, #tpu.memory_space<vmem>>) offsets(%arg8 : memref<768xi32, #tpu.memory_space<vmem>>) semaphore(%arg24 : memref<!tpu.dma_semaphore, #tpu.memory_space<semaphore_mem>>)
      } else {
      }
      %add3A_368 = arith.constant 2 : i32
      %add3A_369 = arith.addi %add3A_356, %add3A_368 : i32
      %lt3A_370 = arith.constant 66 : i32
      %lt3A_371 = arith.cmpi slt, %add3A_369, %lt3A_370 : i32
      %convert_element_type3A_372 = arith.extui %lt3A_371 : i1 to i32
      %cond3A_373 = arith.constant 0 : i32
      %cond3A_374 = arith.cmpi ne, %convert_element_type3A_372, %cond3A_373 : i32
      scf.if %cond3A_374 {
        %add3A_454 = arith.constant 2 : i32
        %add3A_455 = arith.addi %add3A_356, %add3A_454 : i32
        %mul3A_456 = arith.constant 48 : i32
        %mul3A_457 = arith.muli %add3A_455, %mul3A_456 : i32
        %min3A_458 = arith.constant 3077 : i32
        %min3A_459 = arith.minsi %mul3A_457, %min3A_458 : i32
        %add3A_460 = arith.addi %mul3A_2, %min3A_459 : i32
        %mul3A_461 = arith.constant 16 : i32
        %mul3A_462 = arith.muli %add3A_460, %mul3A_461 : i32
        %dma_start3A_463 = tpu.memref_slice %arg3[%mul3A_462] : memref<1600000xi32, #tpu.memory_space<hbm>> -> memref<768xi32, #tpu.memory_space<hbm>>
        %dma_start3A_464 = tpu.memref_slice %arg3[%mul3A_462] : memref<1600000xi32, #tpu.memory_space<hbm>> -> memref<768xi32, #tpu.memory_space<hbm>>
        tpu.enqueue_dma source(%dma_start3A_464 : memref<768xi32, #tpu.memory_space<hbm>>) target(%arg7 : memref<768xi32, #tpu.memory_space<vmem>>) target_semaphore(%arg21 : memref<!tpu.dma_semaphore, #tpu.memory_space<semaphore_mem>>)
      } else {
      }
      %ge3A = arith.constant 2 : i32
      %ge3A_375 = arith.cmpi sge, %add3A_356, %ge3A : i32
      %convert_element_type3A_376 = arith.extui %ge3A_375 : i1 to i32
      %cond3A_377 = arith.constant 0 : i32
      %cond3A_378 = arith.cmpi ne, %convert_element_type3A_376, %cond3A_377 : i32
      scf.if %cond3A_378 {
        %dma_wait3A_454 = arith.constant 0 : i32
        %dma_wait3A_455 = arith.constant 0 : i32
        %dma_wait3A_456 = tpu.memref_slice %arg4[%dma_wait3A_454, %dma_wait3A_455] : memref<100000x768xf32, #tpu.memory_space<hbm>> -> memref<48x768xf32, #tpu.memory_space<hbm>>
        %dma_wait3A_457 = arith.constant 0 : i32
        %dma_wait3A_458 = arith.constant 0 : i32
        %dma_wait3A_459 = tpu.memref_slice %arg4[%dma_wait3A_457, %dma_wait3A_458] : memref<100000x768xf32, #tpu.memory_space<hbm>> -> memref<48x768xf32, #tpu.memory_space<hbm>>
        tpu.wait_dma2 semaphore(%arg25 : memref<!tpu.dma_semaphore, #tpu.memory_space<semaphore_mem>>) src(%arg15 : memref<48x768xf32, #tpu.memory_space<vmem>>) dst(%dma_wait3A_459 : memref<48x768xf32, #tpu.memory_space<hbm>>)
        %dma_wait3A_460 = arith.constant 0 : i32
        %dma_wait3A_461 = arith.constant 0 : i32
        %dma_wait3A_462 = tpu.memref_slice %arg5[%dma_wait3A_460, %dma_wait3A_461] : memref<100000x16xf32, #tpu.memory_space<hbm>> -> memref<48x16xf32, #tpu.memory_space<hbm>>
        %dma_wait3A_463 = arith.constant 0 : i32
        %dma_wait3A_464 = arith.constant 0 : i32
        %dma_wait3A_465 = tpu.memref_slice %arg5[%dma_wait3A_463, %dma_wait3A_464] : memref<100000x16xf32, #tpu.memory_space<hbm>> -> memref<48x16xf32, #tpu.memory_space<hbm>>
        tpu.wait_dma2 semaphore(%arg25 : memref<!tpu.dma_semaphore, #tpu.memory_space<semaphore_mem>>) src(%arg17 : memref<48x16xf32, #tpu.memory_space<vmem>>) dst(%dma_wait3A_465 : memref<48x16xf32, #tpu.memory_space<hbm>>)
        %dma_wait3A_466 = arith.constant 0 : i32
        %dma_wait3A_467 = arith.constant 0 : i32
        %dma_wait3A_468 = tpu.memref_slice %arg6[%dma_wait3A_466, %dma_wait3A_467] : memref<100000x12xf32, #tpu.memory_space<hbm>> -> memref<48x12xf32, #tpu.memory_space<hbm>>
        %dma_wait3A_469 = arith.constant 0 : i32
        %dma_wait3A_470 = arith.constant 0 : i32
        %dma_wait3A_471 = tpu.memref_slice %arg6[%dma_wait3A_469, %dma_wait3A_470] : memref<100000x12xf32, #tpu.memory_space<hbm>> -> memref<48x12xf32, #tpu.memory_space<hbm>>
        tpu.wait_dma2 semaphore(%arg25 : memref<!tpu.dma_semaphore, #tpu.memory_space<semaphore_mem>>) src(%arg19 : memref<48x12xf32, #tpu.memory_space<vmem>>) dst(%dma_wait3A_471 : memref<48x12xf32, #tpu.memory_space<hbm>>)
      } else {
      }
      %scan3A_379 = arith.constant 0 : i32
      %scan3A_380 = arith.constant 0 : i32
      %scan3A_381 = arith.constant 24 : i32
      %scan3A_382 = arith.addi %scan3A_380, %scan3A_381 : i32
      %scan3A_383 = arith.constant 1 : i32
      scf.for %scan3A_454 = %scan3A_380 to %scan3A_382 step %scan3A_383  : i32 {
        %mul3A_455 = arith.constant 2 : i32
        %mul3A_456 = arith.muli %mul3A_455, %scan3A_454 : i32
        %mul3A_457 = arith.constant 16 : i32
        %mul3A_458 = arith.muli %mul3A_456, %mul3A_457 : i32
        %broadcast_in_dim3A_459 = vector.broadcast %mul3A_456 : i32 to vector<16xi32>
        %add3A_460 = vector.broadcast %mul3A_458 : i32 to vector<16xi32>
        %add3A_461 = arith.addi %add3A_460, %iota3A : vector<16xi32>
        %gather3A = tpu.vector_load_idx %arg11[%broadcast_in_dim3A_459, %broadcast_in_dim3A_257] : memref<48x16xf32, #tpu.memory_space<vmem>>[vector<16xi32>, vector<16xi32>], vector<16xf32>,
        %gather3A_462 = tpu.vector_load_idx %arg13[%add3A_461, %broadcast_in_dim3A_257] : memref<768x16xf32, #tpu.memory_space<vmem>>[vector<16xi32>, vector<16xi32>], vector<16xf32>,
        %mul3A_463 = arith.mulf %gather3A, %gather3A_462 : vector<16xf32>
        %swap3A_464 = arith.index_cast %mul3A_456 : i32 to index
        %swap3A_465 = arith.constant 0 : index
        %swap3A_466 = tpu.vector_load %arg17[%swap3A_464, %swap3A_465] {strides = array<i32>} : memref<48x16xf32, #tpu.memory_space<vmem>>, vector<16xf32>,
        tpu.vector_store %arg17[%swap3A_464, %swap3A_465], %mul3A_463 {strides = array<i32>} : memref<48x16xf32, #tpu.memory_space<vmem>>, vector<16xf32>,
        %mul3A_467 = arith.constant 1.000000e-01 : f32
        %mul3A_468 = vector.broadcast %mul3A_467 : f32 to vector<16xf32>
        %mul3A_469 = arith.mulf %mul3A_463, %mul3A_468 : vector<16xf32>
        %gather3A_470 = tpu.vector_load_idx %arg11[%broadcast_in_dim3A_459, %iota3A] : memref<48x16xf32, #tpu.memory_space<vmem>>[vector<16xi32>, vector<16xi32>], vector<16xf32>,
        %mul3A_471 = arith.constant 1.000000e-01 : f32
        %mul3A_472 = vector.broadcast %mul3A_471 : f32 to vector<16xf32>
        %mul3A_473 = arith.mulf %gather3A, %mul3A_472 : vector<16xf32>
        %mul3A_474 = arith.mulf %mul3A_473, %gather3A_470 : vector<16xf32>
        tpu.vector_store_idx %arg19[%broadcast_in_dim3A_459, %iota3A], %mul3A_474 masked %lt3A_263 : memref<48x12xf32, #tpu.memory_space<vmem>>[vector<16xi32>, vector<16xi32>], vector<16xf32>, vector<16xi1>
        %broadcast_in_dim3A_475 = arith.constant 0 : i32
        %broadcast_in_dim3A_476 = vector.broadcast %broadcast_in_dim3A_475 : i32 to vector<16xi32>
        %gather3A_477 = tpu.vector_load_idx %arg13[%add3A_461, %broadcast_in_dim3A_476] : memref<768x16xf32, #tpu.memory_space<vmem>>[vector<16xi32>, vector<16xi32>], vector<16xf32>,
        %mul3A_478 = arith.mulf %mul3A_469, %gather3A_477 : vector<16xf32>
        %broadcast_in_dim3A_479 = arith.constant 1 : i32
        %broadcast_in_dim3A_480 = vector.broadcast %broadcast_in_dim3A_479 : i32 to vector<16xi32>
        %gather3A_481 = tpu.vector_load_idx %arg13[%add3A_461, %broadcast_in_dim3A_480] : memref<768x16xf32, #tpu.memory_space<vmem>>[vector<16xi32>, vector<16xi32>], vector<16xf32>,
        %mul3A_482 = arith.mulf %mul3A_469, %gather3A_481 : vector<16xf32>
        %broadcast_in_dim3A_483 = arith.constant 2 : i32
        %broadcast_in_dim3A_484 = vector.broadcast %broadcast_in_dim3A_483 : i32 to vector<16xi32>
        %gather3A_485 = tpu.vector_load_idx %arg13[%add3A_461, %broadcast_in_dim3A_484] : memref<768x16xf32, #tpu.memory_space<vmem>>[vector<16xi32>, vector<16xi32>], vector<16xf32>,
        %mul3A_486 = arith.mulf %mul3A_469, %gather3A_485 : vector<16xf32>
        %broadcast_in_dim3A_487 = arith.constant 3 : i32
        %broadcast_in_dim3A_488 = vector.broadcast %broadcast_in_dim3A_487 : i32 to vector<16xi32>
        %gather3A_489 = tpu.vector_load_idx %arg13[%add3A_461, %broadcast_in_dim3A_488] : memref<768x16xf32, #tpu.memory_space<vmem>>[vector<16xi32>, vector<16xi32>], vector<16xf32>,
        %mul3A_490 = arith.mulf %mul3A_469, %gather3A_489 : vector<16xf32>
        %broadcast_in_dim3A_491 = arith.constant 4 : i32
        %broadcast_in_dim3A_492 = vector.broadcast %broadcast_in_dim3A_491 : i32 to vector<16xi32>
        %gather3A_493 = tpu.vector_load_idx %arg13[%add3A_461, %broadcast_in_dim3A_492] : memref<768x16xf32, #tpu.memory_space<vmem>>[vector<16xi32>, vector<16xi32>], vector<16xf32>,
        %mul3A_494 = arith.mulf %mul3A_469, %gather3A_493 : vector<16xf32>
        %broadcast_in_dim3A_495 = arith.constant 5 : i32
        %broadcast_in_dim3A_496 = vector.broadcast %broadcast_in_dim3A_495 : i32 to vector<16xi32>
        %gather3A_497 = tpu.vector_load_idx %arg13[%add3A_461, %broadcast_in_dim3A_496] : memref<768x16xf32, #tpu.memory_space<vmem>>[vector<16xi32>, vector<16xi32>], vector<16xf32>,
        %mul3A_498 = arith.mulf %mul3A_469, %gather3A_497 : vector<16xf32>
        %broadcast_in_dim3A_499 = arith.constant 6 : i32
        %broadcast_in_dim3A_500 = vector.broadcast %broadcast_in_dim3A_499 : i32 to vector<16xi32>
        %gather3A_501 = tpu.vector_load_idx %arg13[%add3A_461, %broadcast_in_dim3A_500] : memref<768x16xf32, #tpu.memory_space<vmem>>[vector<16xi32>, vector<16xi32>], vector<16xf32>,
        %mul3A_502 = arith.mulf %mul3A_469, %gather3A_501 : vector<16xf32>
        %broadcast_in_dim3A_503 = arith.constant 7 : i32
        %broadcast_in_dim3A_504 = vector.broadcast %broadcast_in_dim3A_503 : i32 to vector<16xi32>
        %gather3A_505 = tpu.vector_load_idx %arg13[%add3A_461, %broadcast_in_dim3A_504] : memref<768x16xf32, #tpu.memory_space<vmem>>[vector<16xi32>, vector<16xi32>], vector<16xf32>,
        %mul3A_506 = arith.mulf %mul3A_469, %gather3A_505 : vector<16xf32>
        %broadcast_in_dim3A_507 = arith.constant 8 : i32
        %broadcast_in_dim3A_508 = vector.broadcast %broadcast_in_dim3A_507 : i32 to vector<16xi32>
        %gather3A_509 = tpu.vector_load_idx %arg13[%add3A_461, %broadcast_in_dim3A_508] : memref<768x16xf32, #tpu.memory_space<vmem>>[vector<16xi32>, vector<16xi32>], vector<16xf32>,
        %mul3A_510 = arith.mulf %mul3A_469, %gather3A_509 : vector<16xf32>
        %broadcast_in_dim3A_511 = arith.constant 9 : i32
        %broadcast_in_dim3A_512 = vector.broadcast %broadcast_in_dim3A_511 : i32 to vector<16xi32>
        %gather3A_513 = tpu.vector_load_idx %arg13[%add3A_461, %broadcast_in_dim3A_512] : memref<768x16xf32, #tpu.memory_space<vmem>>[vector<16xi32>, vector<16xi32>], vector<16xf32>,
        %mul3A_514 = arith.mulf %mul3A_469, %gather3A_513 : vector<16xf32>
        %broadcast_in_dim3A_515 = arith.constant 10 : i32
        %broadcast_in_dim3A_516 = vector.broadcast %broadcast_in_dim3A_515 : i32 to vector<16xi32>
        %gather3A_517 = tpu.vector_load_idx %arg13[%add3A_461, %broadcast_in_dim3A_516] : memref<768x16xf32, #tpu.memory_space<vmem>>[vector<16xi32>, vector<16xi32>], vector<16xf32>,
        %mul3A_518 = arith.mulf %mul3A_469, %gather3A_517 : vector<16xf32>
        %broadcast_in_dim3A_519 = arith.constant 11 : i32
        %broadcast_in_dim3A_520 = vector.broadcast %broadcast_in_dim3A_519 : i32 to vector<16xi32>
        %gather3A_521 = tpu.vector_load_idx %arg13[%add3A_461, %broadcast_in_dim3A_520] : memref<768x16xf32, #tpu.memory_space<vmem>>[vector<16xi32>, vector<16xi32>], vector<16xf32>,
        %mul3A_522 = arith.mulf %mul3A_469, %gather3A_521 : vector<16xf32>
        %broadcast_in_dim3A_523 = arith.constant 0 : i32
        %broadcast_in_dim3A_524 = vector.broadcast %broadcast_in_dim3A_523 : i32 to vector<16xi32>
        %gather3A_525 = tpu.vector_load_idx %arg11[%broadcast_in_dim3A_459, %broadcast_in_dim3A_524] : memref<48x16xf32, #tpu.memory_space<vmem>>[vector<16xi32>, vector<16xi32>], vector<16xf32>,
        %mul3A_526 = arith.mulf %mul3A_469, %gather3A_525 : vector<16xf32>
        %broadcast_in_dim3A_527 = arith.constant 1 : i32
        %broadcast_in_dim3A_528 = vector.broadcast %broadcast_in_dim3A_527 : i32 to vector<16xi32>
        %gather3A_529 = tpu.vector_load_idx %arg11[%broadcast_in_dim3A_459, %broadcast_in_dim3A_528] : memref<48x16xf32, #tpu.memory_space<vmem>>[vector<16xi32>, vector<16xi32>], vector<16xf32>,
        %mul3A_530 = arith.mulf %mul3A_469, %gather3A_529 : vector<16xf32>
        %broadcast_in_dim3A_531 = arith.constant 2 : i32
        %broadcast_in_dim3A_532 = vector.broadcast %broadcast_in_dim3A_531 : i32 to vector<16xi32>
        %gather3A_533 = tpu.vector_load_idx %arg11[%broadcast_in_dim3A_459, %broadcast_in_dim3A_532] : memref<48x16xf32, #tpu.memory_space<vmem>>[vector<16xi32>, vector<16xi32>], vector<16xf32>,
        %mul3A_534 = arith.mulf %mul3A_469, %gather3A_533 : vector<16xf32>
        %broadcast_in_dim3A_535 = arith.constant 3 : i32
        %broadcast_in_dim3A_536 = vector.broadcast %broadcast_in_dim3A_535 : i32 to vector<16xi32>
        %gather3A_537 = tpu.vector_load_idx %arg11[%broadcast_in_dim3A_459, %broadcast_in_dim3A_536] : memref<48x16xf32, #tpu.memory_space<vmem>>[vector<16xi32>, vector<16xi32>], vector<16xf32>,
        %mul3A_538 = arith.mulf %mul3A_469, %gather3A_537 : vector<16xf32>
        %broadcast_in_dim3A_539 = arith.constant 4 : i32
        %broadcast_in_dim3A_540 = vector.broadcast %broadcast_in_dim3A_539 : i32 to vector<16xi32>
        %gather3A_541 = tpu.vector_load_idx %arg11[%broadcast_in_dim3A_459, %broadcast_in_dim3A_540] : memref<48x16xf32, #tpu.memory_space<vmem>>[vector<16xi32>, vector<16xi32>], vector<16xf32>,
        %mul3A_542 = arith.mulf %mul3A_469, %gather3A_541 : vector<16xf32>
        %broadcast_in_dim3A_543 = arith.constant 5 : i32
        %broadcast_in_dim3A_544 = vector.broadcast %broadcast_in_dim3A_543 : i32 to vector<16xi32>
        %gather3A_545 = tpu.vector_load_idx %arg11[%broadcast_in_dim3A_459, %broadcast_in_dim3A_544] : memref<48x16xf32, #tpu.memory_space<vmem>>[vector<16xi32>, vector<16xi32>], vector<16xf32>,
        %mul3A_546 = arith.mulf %mul3A_469, %gather3A_545 : vector<16xf32>
        %broadcast_in_dim3A_547 = arith.constant 6 : i32
        %broadcast_in_dim3A_548 = vector.broadcast %broadcast_in_dim3A_547 : i32 to vector<16xi32>
        %gather3A_549 = tpu.vector_load_idx %arg11[%broadcast_in_dim3A_459, %broadcast_in_dim3A_548] : memref<48x16xf32, #tpu.memory_space<vmem>>[vector<16xi32>, vector<16xi32>], vector<16xf32>,
        %mul3A_550 = arith.mulf %mul3A_469, %gather3A_549 : vector<16xf32>
        %broadcast_in_dim3A_551 = arith.constant 7 : i32
        %broadcast_in_dim3A_552 = vector.broadcast %broadcast_in_dim3A_551 : i32 to vector<16xi32>
        %gather3A_553 = tpu.vector_load_idx %arg11[%broadcast_in_dim3A_459, %broadcast_in_dim3A_552] : memref<48x16xf32, #tpu.memory_space<vmem>>[vector<16xi32>, vector<16xi32>], vector<16xf32>,
        %mul3A_554 = arith.mulf %mul3A_469, %gather3A_553 : vector<16xf32>
        %broadcast_in_dim3A_555 = arith.constant 8 : i32
        %broadcast_in_dim3A_556 = vector.broadcast %broadcast_in_dim3A_555 : i32 to vector<16xi32>
        %gather3A_557 = tpu.vector_load_idx %arg11[%broadcast_in_dim3A_459, %broadcast_in_dim3A_556] : memref<48x16xf32, #tpu.memory_space<vmem>>[vector<16xi32>, vector<16xi32>], vector<16xf32>,
        %mul3A_558 = arith.mulf %mul3A_469, %gather3A_557 : vector<16xf32>
        %broadcast_in_dim3A_559 = arith.constant 9 : i32
        %broadcast_in_dim3A_560 = vector.broadcast %broadcast_in_dim3A_559 : i32 to vector<16xi32>
        %gather3A_561 = tpu.vector_load_idx %arg11[%broadcast_in_dim3A_459, %broadcast_in_dim3A_560] : memref<48x16xf32, #tpu.memory_space<vmem>>[vector<16xi32>, vector<16xi32>], vector<16xf32>,
        %mul3A_562 = arith.mulf %mul3A_469, %gather3A_561 : vector<16xf32>
        %broadcast_in_dim3A_563 = arith.constant 10 : i32
        %broadcast_in_dim3A_564 = vector.broadcast %broadcast_in_dim3A_563 : i32 to vector<16xi32>
        %gather3A_565 = tpu.vector_load_idx %arg11[%broadcast_in_dim3A_459, %broadcast_in_dim3A_564] : memref<48x16xf32, #tpu.memory_space<vmem>>[vector<16xi32>, vector<16xi32>], vector<16xf32>,
        %mul3A_566 = arith.mulf %mul3A_469, %gather3A_565 : vector<16xf32>
        %broadcast_in_dim3A_567 = arith.constant 11 : i32
        %broadcast_in_dim3A_568 = vector.broadcast %broadcast_in_dim3A_567 : i32 to vector<16xi32>
        %gather3A_569 = tpu.vector_load_idx %arg11[%broadcast_in_dim3A_459, %broadcast_in_dim3A_568] : memref<48x16xf32, #tpu.memory_space<vmem>>[vector<16xi32>, vector<16xi32>], vector<16xf32>,
        %mul3A_570 = arith.mulf %mul3A_469, %gather3A_569 : vector<16xf32>
        %sub3A_571 = arith.subf %mul3A_478, %mul3A_526 : vector<16xf32>
        %add3A_572 = arith.constant 0 : i32
        %add3A_573 = vector.broadcast %add3A_572 : i32 to vector<16xi32>
        %add3A_574 = arith.addi %mul3A_260, %add3A_573 : vector<16xi32>
        tpu.vector_store_idx %arg15[%broadcast_in_dim3A_459, %add3A_574], %sub3A_571 : memref<48x768xf32, #tpu.memory_space<vmem>>[vector<16xi32>, vector<16xi32>], vector<16xf32>,
        %sub3A_575 = arith.subf %mul3A_482, %mul3A_530 : vector<16xf32>
        %add3A_576 = arith.constant 1 : i32
        %add3A_577 = vector.broadcast %add3A_576 : i32 to vector<16xi32>
        %add3A_578 = arith.addi %mul3A_260, %add3A_577 : vector<16xi32>
        tpu.vector_store_idx %arg15[%broadcast_in_dim3A_459, %add3A_578], %sub3A_575 : memref<48x768xf32, #tpu.memory_space<vmem>>[vector<16xi32>, vector<16xi32>], vector<16xf32>,
        %sub3A_579 = arith.subf %mul3A_486, %mul3A_534 : vector<16xf32>
        %add3A_580 = arith.constant 2 : i32
        %add3A_581 = vector.broadcast %add3A_580 : i32 to vector<16xi32>
        %add3A_582 = arith.addi %mul3A_260, %add3A_581 : vector<16xi32>
        tpu.vector_store_idx %arg15[%broadcast_in_dim3A_459, %add3A_582], %sub3A_579 : memref<48x768xf32, #tpu.memory_space<vmem>>[vector<16xi32>, vector<16xi32>], vector<16xf32>,
        %sub3A_583 = arith.subf %mul3A_490, %mul3A_526 : vector<16xf32>
        %add3A_584 = arith.constant 3 : i32
        %add3A_585 = vector.broadcast %add3A_584 : i32 to vector<16xi32>
        %add3A_586 = arith.addi %mul3A_260, %add3A_585 : vector<16xi32>
        tpu.vector_store_idx %arg15[%broadcast_in_dim3A_459, %add3A_586], %sub3A_583 : memref<48x768xf32, #tpu.memory_space<vmem>>[vector<16xi32>, vector<16xi32>], vector<16xf32>,
        %sub3A_587 = arith.subf %mul3A_494, %mul3A_530 : vector<16xf32>
        %add3A_588 = arith.constant 4 : i32
        %add3A_589 = vector.broadcast %add3A_588 : i32 to vector<16xi32>
        %add3A_590 = arith.addi %mul3A_260, %add3A_589 : vector<16xi32>
        tpu.vector_store_idx %arg15[%broadcast_in_dim3A_459, %add3A_590], %sub3A_587 : memref<48x768xf32, #tpu.memory_space<vmem>>[vector<16xi32>, vector<16xi32>], vector<16xf32>,
        %sub3A_591 = arith.subf %mul3A_498, %mul3A_534 : vector<16xf32>
        %add3A_592 = arith.constant 5 : i32
        %add3A_593 = vector.broadcast %add3A_592 : i32 to vector<16xi32>
        %add3A_594 = arith.addi %mul3A_260, %add3A_593 : vector<16xi32>
        tpu.vector_store_idx %arg15[%broadcast_in_dim3A_459, %add3A_594], %sub3A_591 : memref<48x768xf32, #tpu.memory_space<vmem>>[vector<16xi32>, vector<16xi32>], vector<16xf32>,
        %sub3A_595 = arith.subf %mul3A_502, %mul3A_526 : vector<16xf32>
        %add3A_596 = arith.constant 6 : i32
        %add3A_597 = vector.broadcast %add3A_596 : i32 to vector<16xi32>
        %add3A_598 = arith.addi %mul3A_260, %add3A_597 : vector<16xi32>
        tpu.vector_store_idx %arg15[%broadcast_in_dim3A_459, %add3A_598], %sub3A_595 : memref<48x768xf32, #tpu.memory_space<vmem>>[vector<16xi32>, vector<16xi32>], vector<16xf32>,
        %sub3A_599 = arith.subf %mul3A_506, %mul3A_530 : vector<16xf32>
        %add3A_600 = arith.constant 7 : i32
        %add3A_601 = vector.broadcast %add3A_600 : i32 to vector<16xi32>
        %add3A_602 = arith.addi %mul3A_260, %add3A_601 : vector<16xi32>
        tpu.vector_store_idx %arg15[%broadcast_in_dim3A_459, %add3A_602], %sub3A_599 : memref<48x768xf32, #tpu.memory_space<vmem>>[vector<16xi32>, vector<16xi32>], vector<16xf32>,
        %sub3A_603 = arith.subf %mul3A_510, %mul3A_534 : vector<16xf32>
        %add3A_604 = arith.constant 8 : i32
        %add3A_605 = vector.broadcast %add3A_604 : i32 to vector<16xi32>
        %add3A_606 = arith.addi %mul3A_260, %add3A_605 : vector<16xi32>
        tpu.vector_store_idx %arg15[%broadcast_in_dim3A_459, %add3A_606], %sub3A_603 : memref<48x768xf32, #tpu.memory_space<vmem>>[vector<16xi32>, vector<16xi32>], vector<16xf32>,
        %sub3A_607 = arith.subf %mul3A_514, %mul3A_526 : vector<16xf32>
        %add3A_608 = arith.constant 9 : i32
        %add3A_609 = vector.broadcast %add3A_608 : i32 to vector<16xi32>
        %add3A_610 = arith.addi %mul3A_260, %add3A_609 : vector<16xi32>
        tpu.vector_store_idx %arg15[%broadcast_in_dim3A_459, %add3A_610], %sub3A_607 : memref<48x768xf32, #tpu.memory_space<vmem>>[vector<16xi32>, vector<16xi32>], vector<16xf32>,
        %sub3A_611 = arith.subf %mul3A_518, %mul3A_530 : vector<16xf32>
        %add3A_612 = arith.constant 10 : i32
        %add3A_613 = vector.broadcast %add3A_612 : i32 to vector<16xi32>
        %add3A_614 = arith.addi %mul3A_260, %add3A_613 : vector<16xi32>
        tpu.vector_store_idx %arg15[%broadcast_in_dim3A_459, %add3A_614], %sub3A_611 : memref<48x768xf32, #tpu.memory_space<vmem>>[vector<16xi32>, vector<16xi32>], vector<16xf32>,
        %sub3A_615 = arith.subf %mul3A_522, %mul3A_534 : vector<16xf32>
        %add3A_616 = arith.constant 11 : i32
        %add3A_617 = vector.broadcast %add3A_616 : i32 to vector<16xi32>
        %add3A_618 = arith.addi %mul3A_260, %add3A_617 : vector<16xi32>
        tpu.vector_store_idx %arg15[%broadcast_in_dim3A_459, %add3A_618], %sub3A_615 : memref<48x768xf32, #tpu.memory_space<vmem>>[vector<16xi32>, vector<16xi32>], vector<16xf32>,
        %sub3A_619 = arith.subf %mul3A_478, %mul3A_538 : vector<16xf32>
        %add3A_620 = arith.constant 12 : i32
        %add3A_621 = vector.broadcast %add3A_620 : i32 to vector<16xi32>
        %add3A_622 = arith.addi %mul3A_260, %add3A_621 : vector<16xi32>
        tpu.vector_store_idx %arg15[%broadcast_in_dim3A_459, %add3A_622], %sub3A_619 : memref<48x768xf32, #tpu.memory_space<vmem>>[vector<16xi32>, vector<16xi32>], vector<16xf32>,
        %sub3A_623 = arith.subf %mul3A_482, %mul3A_542 : vector<16xf32>
        %add3A_624 = arith.constant 13 : i32
        %add3A_625 = vector.broadcast %add3A_624 : i32 to vector<16xi32>
        %add3A_626 = arith.addi %mul3A_260, %add3A_625 : vector<16xi32>
        tpu.vector_store_idx %arg15[%broadcast_in_dim3A_459, %add3A_626], %sub3A_623 : memref<48x768xf32, #tpu.memory_space<vmem>>[vector<16xi32>, vector<16xi32>], vector<16xf32>,
        %sub3A_627 = arith.subf %mul3A_486, %mul3A_546 : vector<16xf32>
        %add3A_628 = arith.constant 14 : i32
        %add3A_629 = vector.broadcast %add3A_628 : i32 to vector<16xi32>
        %add3A_630 = arith.addi %mul3A_260, %add3A_629 : vector<16xi32>
        tpu.vector_store_idx %arg15[%broadcast_in_dim3A_459, %add3A_630], %sub3A_627 : memref<48x768xf32, #tpu.memory_space<vmem>>[vector<16xi32>, vector<16xi32>], vector<16xf32>,
        %sub3A_631 = arith.subf %mul3A_490, %mul3A_538 : vector<16xf32>
        %add3A_632 = arith.constant 15 : i32
        %add3A_633 = vector.broadcast %add3A_632 : i32 to vector<16xi32>
        %add3A_634 = arith.addi %mul3A_260, %add3A_633 : vector<16xi32>
        tpu.vector_store_idx %arg15[%broadcast_in_dim3A_459, %add3A_634], %sub3A_631 : memref<48x768xf32, #tpu.memory_space<vmem>>[vector<16xi32>, vector<16xi32>], vector<16xf32>,
        %sub3A_635 = arith.subf %mul3A_494, %mul3A_542 : vector<16xf32>
        %add3A_636 = arith.constant 16 : i32
        %add3A_637 = vector.broadcast %add3A_636 : i32 to vector<16xi32>
        %add3A_638 = arith.addi %mul3A_260, %add3A_637 : vector<16xi32>
        tpu.vector_store_idx %arg15[%broadcast_in_dim3A_459, %add3A_638], %sub3A_635 : memref<48x768xf32, #tpu.memory_space<vmem>>[vector<16xi32>, vector<16xi32>], vector<16xf32>,
        %sub3A_639 = arith.subf %mul3A_498, %mul3A_546 : vector<16xf32>
        %add3A_640 = arith.constant 17 : i32
        %add3A_641 = vector.broadcast %add3A_640 : i32 to vector<16xi32>
        %add3A_642 = arith.addi %mul3A_260, %add3A_641 : vector<16xi32>
        tpu.vector_store_idx %arg15[%broadcast_in_dim3A_459, %add3A_642], %sub3A_639 : memref<48x768xf32, #tpu.memory_space<vmem>>[vector<16xi32>, vector<16xi32>], vector<16xf32>,
        %sub3A_643 = arith.subf %mul3A_502, %mul3A_538 : vector<16xf32>
        %add3A_644 = arith.constant 18 : i32
        %add3A_645 = vector.broadcast %add3A_644 : i32 to vector<16xi32>
        %add3A_646 = arith.addi %mul3A_260, %add3A_645 : vector<16xi32>
        tpu.vector_store_idx %arg15[%broadcast_in_dim3A_459, %add3A_646], %sub3A_643 : memref<48x768xf32, #tpu.memory_space<vmem>>[vector<16xi32>, vector<16xi32>], vector<16xf32>,
        %sub3A_647 = arith.subf %mul3A_506, %mul3A_542 : vector<16xf32>
        %add3A_648 = arith.constant 19 : i32
        %add3A_649 = vector.broadcast %add3A_648 : i32 to vector<16xi32>
        %add3A_650 = arith.addi %mul3A_260, %add3A_649 : vector<16xi32>
        tpu.vector_store_idx %arg15[%broadcast_in_dim3A_459, %add3A_650], %sub3A_647 : memref<48x768xf32, #tpu.memory_space<vmem>>[vector<16xi32>, vector<16xi32>], vector<16xf32>,
        %sub3A_651 = arith.subf %mul3A_510, %mul3A_546 : vector<16xf32>
        %add3A_652 = arith.constant 20 : i32
        %add3A_653 = vector.broadcast %add3A_652 : i32 to vector<16xi32>
        %add3A_654 = arith.addi %mul3A_260, %add3A_653 : vector<16xi32>
        tpu.vector_store_idx %arg15[%broadcast_in_dim3A_459, %add3A_654], %sub3A_651 : memref<48x768xf32, #tpu.memory_space<vmem>>[vector<16xi32>, vector<16xi32>], vector<16xf32>,
        %sub3A_655 = arith.subf %mul3A_514, %mul3A_538 : vector<16xf32>
        %add3A_656 = arith.constant 21 : i32
        %add3A_657 = vector.broadcast %add3A_656 : i32 to vector<16xi32>
        %add3A_658 = arith.addi %mul3A_260, %add3A_657 : vector<16xi32>
        tpu.vector_store_idx %arg15[%broadcast_in_dim3A_459, %add3A_658], %sub3A_655 : memref<48x768xf32, #tpu.memory_space<vmem>>[vector<16xi32>, vector<16xi32>], vector<16xf32>,
        %sub3A_659 = arith.subf %mul3A_518, %mul3A_542 : vector<16xf32>
        %add3A_660 = arith.constant 22 : i32
        %add3A_661 = vector.broadcast %add3A_660 : i32 to vector<16xi32>
        %add3A_662 = arith.addi %mul3A_260, %add3A_661 : vector<16xi32>
        tpu.vector_store_idx %arg15[%broadcast_in_dim3A_459, %add3A_662], %sub3A_659 : memref<48x768xf32, #tpu.memory_space<vmem>>[vector<16xi32>, vector<16xi32>], vector<16xf32>,
        %sub3A_663 = arith.subf %mul3A_522, %mul3A_546 : vector<16xf32>
        %add3A_664 = arith.constant 23 : i32
        %add3A_665 = vector.broadcast %add3A_664 : i32 to vector<16xi32>
        %add3A_666 = arith.addi %mul3A_260, %add3A_665 : vector<16xi32>
        tpu.vector_store_idx %arg15[%broadcast_in_dim3A_459, %add3A_666], %sub3A_663 : memref<48x768xf32, #tpu.memory_space<vmem>>[vector<16xi32>, vector<16xi32>], vector<16xf32>,
        %sub3A_667 = arith.subf %mul3A_478, %mul3A_550 : vector<16xf32>
        %add3A_668 = arith.constant 24 : i32
        %add3A_669 = vector.broadcast %add3A_668 : i32 to vector<16xi32>
        %add3A_670 = arith.addi %mul3A_260, %add3A_669 : vector<16xi32>
        tpu.vector_store_idx %arg15[%broadcast_in_dim3A_459, %add3A_670], %sub3A_667 : memref<48x768xf32, #tpu.memory_space<vmem>>[vector<16xi32>, vector<16xi32>], vector<16xf32>,
        %sub3A_671 = arith.subf %mul3A_482, %mul3A_554 : vector<16xf32>
        %add3A_672 = arith.constant 25 : i32
        %add3A_673 = vector.broadcast %add3A_672 : i32 to vector<16xi32>
        %add3A_674 = arith.addi %mul3A_260, %add3A_673 : vector<16xi32>
        tpu.vector_store_idx %arg15[%broadcast_in_dim3A_459, %add3A_674], %sub3A_671 : memref<48x768xf32, #tpu.memory_space<vmem>>[vector<16xi32>, vector<16xi32>], vector<16xf32>,
        %sub3A_675 = arith.subf %mul3A_486, %mul3A_558 : vector<16xf32>
        %add3A_676 = arith.constant 26 : i32
        %add3A_677 = vector.broadcast %add3A_676 : i32 to vector<16xi32>
        %add3A_678 = arith.addi %mul3A_260, %add3A_677 : vector<16xi32>
        tpu.vector_store_idx %arg15[%broadcast_in_dim3A_459, %add3A_678], %sub3A_675 : memref<48x768xf32, #tpu.memory_space<vmem>>[vector<16xi32>, vector<16xi32>], vector<16xf32>,
        %sub3A_679 = arith.subf %mul3A_490, %mul3A_550 : vector<16xf32>
        %add3A_680 = arith.constant 27 : i32
        %add3A_681 = vector.broadcast %add3A_680 : i32 to vector<16xi32>
        %add3A_682 = arith.addi %mul3A_260, %add3A_681 : vector<16xi32>
        tpu.vector_store_idx %arg15[%broadcast_in_dim3A_459, %add3A_682], %sub3A_679 : memref<48x768xf32, #tpu.memory_space<vmem>>[vector<16xi32>, vector<16xi32>], vector<16xf32>,
        %sub3A_683 = arith.subf %mul3A_494, %mul3A_554 : vector<16xf32>
        %add3A_684 = arith.constant 28 : i32
        %add3A_685 = vector.broadcast %add3A_684 : i32 to vector<16xi32>
        %add3A_686 = arith.addi %mul3A_260, %add3A_685 : vector<16xi32>
        tpu.vector_store_idx %arg15[%broadcast_in_dim3A_459, %add3A_686], %sub3A_683 : memref<48x768xf32, #tpu.memory_space<vmem>>[vector<16xi32>, vector<16xi32>], vector<16xf32>,
        %sub3A_687 = arith.subf %mul3A_498, %mul3A_558 : vector<16xf32>
        %add3A_688 = arith.constant 29 : i32
        %add3A_689 = vector.broadcast %add3A_688 : i32 to vector<16xi32>
        %add3A_690 = arith.addi %mul3A_260, %add3A_689 : vector<16xi32>
        tpu.vector_store_idx %arg15[%broadcast_in_dim3A_459, %add3A_690], %sub3A_687 : memref<48x768xf32, #tpu.memory_space<vmem>>[vector<16xi32>, vector<16xi32>], vector<16xf32>,
        %sub3A_691 = arith.subf %mul3A_502, %mul3A_550 : vector<16xf32>
        %add3A_692 = arith.constant 30 : i32
        %add3A_693 = vector.broadcast %add3A_692 : i32 to vector<16xi32>
        %add3A_694 = arith.addi %mul3A_260, %add3A_693 : vector<16xi32>
        tpu.vector_store_idx %arg15[%broadcast_in_dim3A_459, %add3A_694], %sub3A_691 : memref<48x768xf32, #tpu.memory_space<vmem>>[vector<16xi32>, vector<16xi32>], vector<16xf32>,
        %sub3A_695 = arith.subf %mul3A_506, %mul3A_554 : vector<16xf32>
        %add3A_696 = arith.constant 31 : i32
        %add3A_697 = vector.broadcast %add3A_696 : i32 to vector<16xi32>
        %add3A_698 = arith.addi %mul3A_260, %add3A_697 : vector<16xi32>
        tpu.vector_store_idx %arg15[%broadcast_in_dim3A_459, %add3A_698], %sub3A_695 : memref<48x768xf32, #tpu.memory_space<vmem>>[vector<16xi32>, vector<16xi32>], vector<16xf32>,
        %sub3A_699 = arith.subf %mul3A_510, %mul3A_558 : vector<16xf32>
        %add3A_700 = arith.constant 32 : i32
        %add3A_701 = vector.broadcast %add3A_700 : i32 to vector<16xi32>
        %add3A_702 = arith.addi %mul3A_260, %add3A_701 : vector<16xi32>
        tpu.vector_store_idx %arg15[%broadcast_in_dim3A_459, %add3A_702], %sub3A_699 : memref<48x768xf32, #tpu.memory_space<vmem>>[vector<16xi32>, vector<16xi32>], vector<16xf32>,
        %sub3A_703 = arith.subf %mul3A_514, %mul3A_550 : vector<16xf32>
        %add3A_704 = arith.constant 33 : i32
        %add3A_705 = vector.broadcast %add3A_704 : i32 to vector<16xi32>
        %add3A_706 = arith.addi %mul3A_260, %add3A_705 : vector<16xi32>
        tpu.vector_store_idx %arg15[%broadcast_in_dim3A_459, %add3A_706], %sub3A_703 : memref<48x768xf32, #tpu.memory_space<vmem>>[vector<16xi32>, vector<16xi32>], vector<16xf32>,
        %sub3A_707 = arith.subf %mul3A_518, %mul3A_554 : vector<16xf32>
        %add3A_708 = arith.constant 34 : i32
        %add3A_709 = vector.broadcast %add3A_708 : i32 to vector<16xi32>
        %add3A_710 = arith.addi %mul3A_260, %add3A_709 : vector<16xi32>
        tpu.vector_store_idx %arg15[%broadcast_in_dim3A_459, %add3A_710], %sub3A_707 : memref<48x768xf32, #tpu.memory_space<vmem>>[vector<16xi32>, vector<16xi32>], vector<16xf32>,
        %sub3A_711 = arith.subf %mul3A_522, %mul3A_558 : vector<16xf32>
        %add3A_712 = arith.constant 35 : i32
        %add3A_713 = vector.broadcast %add3A_712 : i32 to vector<16xi32>
        %add3A_714 = arith.addi %mul3A_260, %add3A_713 : vector<16xi32>
        tpu.vector_store_idx %arg15[%broadcast_in_dim3A_459, %add3A_714], %sub3A_711 : memref<48x768xf32, #tpu.memory_space<vmem>>[vector<16xi32>, vector<16xi32>], vector<16xf32>,
        %sub3A_715 = arith.subf %mul3A_478, %mul3A_562 : vector<16xf32>
        %add3A_716 = arith.constant 36 : i32
        %add3A_717 = vector.broadcast %add3A_716 : i32 to vector<16xi32>
        %add3A_718 = arith.addi %mul3A_260, %add3A_717 : vector<16xi32>
        tpu.vector_store_idx %arg15[%broadcast_in_dim3A_459, %add3A_718], %sub3A_715 : memref<48x768xf32, #tpu.memory_space<vmem>>[vector<16xi32>, vector<16xi32>], vector<16xf32>,
        %sub3A_719 = arith.subf %mul3A_482, %mul3A_566 : vector<16xf32>
        %add3A_720 = arith.constant 37 : i32
        %add3A_721 = vector.broadcast %add3A_720 : i32 to vector<16xi32>
        %add3A_722 = arith.addi %mul3A_260, %add3A_721 : vector<16xi32>
        tpu.vector_store_idx %arg15[%broadcast_in_dim3A_459, %add3A_722], %sub3A_719 : memref<48x768xf32, #tpu.memory_space<vmem>>[vector<16xi32>, vector<16xi32>], vector<16xf32>,
        %sub3A_723 = arith.subf %mul3A_486, %mul3A_570 : vector<16xf32>
        %add3A_724 = arith.constant 38 : i32
        %add3A_725 = vector.broadcast %add3A_724 : i32 to vector<16xi32>
        %add3A_726 = arith.addi %mul3A_260, %add3A_725 : vector<16xi32>
        tpu.vector_store_idx %arg15[%broadcast_in_dim3A_459, %add3A_726], %sub3A_723 : memref<48x768xf32, #tpu.memory_space<vmem>>[vector<16xi32>, vector<16xi32>], vector<16xf32>,
        %sub3A_727 = arith.subf %mul3A_490, %mul3A_562 : vector<16xf32>
        %add3A_728 = arith.constant 39 : i32
        %add3A_729 = vector.broadcast %add3A_728 : i32 to vector<16xi32>
        %add3A_730 = arith.addi %mul3A_260, %add3A_729 : vector<16xi32>
        tpu.vector_store_idx %arg15[%broadcast_in_dim3A_459, %add3A_730], %sub3A_727 : memref<48x768xf32, #tpu.memory_space<vmem>>[vector<16xi32>, vector<16xi32>], vector<16xf32>,
        %sub3A_731 = arith.subf %mul3A_494, %mul3A_566 : vector<16xf32>
        %add3A_732 = arith.constant 40 : i32
        %add3A_733 = vector.broadcast %add3A_732 : i32 to vector<16xi32>
        %add3A_734 = arith.addi %mul3A_260, %add3A_733 : vector<16xi32>
        tpu.vector_store_idx %arg15[%broadcast_in_dim3A_459, %add3A_734], %sub3A_731 : memref<48x768xf32, #tpu.memory_space<vmem>>[vector<16xi32>, vector<16xi32>], vector<16xf32>,
        %sub3A_735 = arith.subf %mul3A_498, %mul3A_570 : vector<16xf32>
        %add3A_736 = arith.constant 41 : i32
        %add3A_737 = vector.broadcast %add3A_736 : i32 to vector<16xi32>
        %add3A_738 = arith.addi %mul3A_260, %add3A_737 : vector<16xi32>
        tpu.vector_store_idx %arg15[%broadcast_in_dim3A_459, %add3A_738], %sub3A_735 : memref<48x768xf32, #tpu.memory_space<vmem>>[vector<16xi32>, vector<16xi32>], vector<16xf32>,
        %sub3A_739 = arith.subf %mul3A_502, %mul3A_562 : vector<16xf32>
        %add3A_740 = arith.constant 42 : i32
        %add3A_741 = vector.broadcast %add3A_740 : i32 to vector<16xi32>
        %add3A_742 = arith.addi %mul3A_260, %add3A_741 : vector<16xi32>
        tpu.vector_store_idx %arg15[%broadcast_in_dim3A_459, %add3A_742], %sub3A_739 : memref<48x768xf32, #tpu.memory_space<vmem>>[vector<16xi32>, vector<16xi32>], vector<16xf32>,
        %sub3A_743 = arith.subf %mul3A_506, %mul3A_566 : vector<16xf32>
        %add3A_744 = arith.constant 43 : i32
        %add3A_745 = vector.broadcast %add3A_744 : i32 to vector<16xi32>
        %add3A_746 = arith.addi %mul3A_260, %add3A_745 : vector<16xi32>
        tpu.vector_store_idx %arg15[%broadcast_in_dim3A_459, %add3A_746], %sub3A_743 : memref<48x768xf32, #tpu.memory_space<vmem>>[vector<16xi32>, vector<16xi32>], vector<16xf32>,
        %sub3A_747 = arith.subf %mul3A_510, %mul3A_570 : vector<16xf32>
        %add3A_748 = arith.constant 44 : i32
        %add3A_749 = vector.broadcast %add3A_748 : i32 to vector<16xi32>
        %add3A_750 = arith.addi %mul3A_260, %add3A_749 : vector<16xi32>
        tpu.vector_store_idx %arg15[%broadcast_in_dim3A_459, %add3A_750], %sub3A_747 : memref<48x768xf32, #tpu.memory_space<vmem>>[vector<16xi32>, vector<16xi32>], vector<16xf32>,
        %sub3A_751 = arith.subf %mul3A_514, %mul3A_562 : vector<16xf32>
        %add3A_752 = arith.constant 45 : i32
        %add3A_753 = vector.broadcast %add3A_752 : i32 to vector<16xi32>
        %add3A_754 = arith.addi %mul3A_260, %add3A_753 : vector<16xi32>
        tpu.vector_store_idx %arg15[%broadcast_in_dim3A_459, %add3A_754], %sub3A_751 : memref<48x768xf32, #tpu.memory_space<vmem>>[vector<16xi32>, vector<16xi32>], vector<16xf32>,
        %sub3A_755 = arith.subf %mul3A_518, %mul3A_566 : vector<16xf32>
        %add3A_756 = arith.constant 46 : i32
        %add3A_757 = vector.broadcast %add3A_756 : i32 to vector<16xi32>
        %add3A_758 = arith.addi %mul3A_260, %add3A_757 : vector<16xi32>
        tpu.vector_store_idx %arg15[%broadcast_in_dim3A_459, %add3A_758], %sub3A_755 : memref<48x768xf32, #tpu.memory_space<vmem>>[vector<16xi32>, vector<16xi32>], vector<16xf32>,
        %sub3A_759 = arith.subf %mul3A_522, %mul3A_570 : vector<16xf32>
        %add3A_760 = arith.constant 47 : i32
        %add3A_761 = vector.broadcast %add3A_760 : i32 to vector<16xi32>
        %add3A_762 = arith.addi %mul3A_260, %add3A_761 : vector<16xi32>
        tpu.vector_store_idx %arg15[%broadcast_in_dim3A_459, %add3A_762], %sub3A_759 : memref<48x768xf32, #tpu.memory_space<vmem>>[vector<16xi32>, vector<16xi32>], vector<16xf32>,
        %mul3A_763 = arith.constant 2 : i32
        %mul3A_764 = arith.muli %mul3A_763, %scan3A_454 : i32
        %add3A_765 = arith.constant 1 : i32
        %add3A_766 = arith.addi %mul3A_764, %add3A_765 : i32
        %mul3A_767 = arith.constant 16 : i32
        %mul3A_768 = arith.muli %add3A_766, %mul3A_767 : i32
        %broadcast_in_dim3A_769 = vector.broadcast %add3A_766 : i32 to vector<16xi32>
        %add3A_770 = vector.broadcast %mul3A_768 : i32 to vector<16xi32>
        %add3A_771 = arith.addi %add3A_770, %iota3A : vector<16xi32>
        %gather3A_772 = tpu.vector_load_idx %arg11[%broadcast_in_dim3A_769, %broadcast_in_dim3A_257] : memref<48x16xf32, #tpu.memory_space<vmem>>[vector<16xi32>, vector<16xi32>], vector<16xf32>,
        %gather3A_773 = tpu.vector_load_idx %arg13[%add3A_771, %broadcast_in_dim3A_257] : memref<768x16xf32, #tpu.memory_space<vmem>>[vector<16xi32>, vector<16xi32>], vector<16xf32>,
        %mul3A_774 = arith.mulf %gather3A_772, %gather3A_773 : vector<16xf32>
        %swap3A_775 = arith.index_cast %add3A_766 : i32 to index
        %swap3A_776 = arith.constant 0 : index
        %swap3A_777 = tpu.vector_load %arg17[%swap3A_775, %swap3A_776] {strides = array<i32>} : memref<48x16xf32, #tpu.memory_space<vmem>>, vector<16xf32>,
        tpu.vector_store %arg17[%swap3A_775, %swap3A_776], %mul3A_774 {strides = array<i32>} : memref<48x16xf32, #tpu.memory_space<vmem>>, vector<16xf32>,
        %mul3A_778 = arith.constant 1.000000e-01 : f32
        %mul3A_779 = vector.broadcast %mul3A_778 : f32 to vector<16xf32>
        %mul3A_780 = arith.mulf %mul3A_774, %mul3A_779 : vector<16xf32>
        %gather3A_781 = tpu.vector_load_idx %arg11[%broadcast_in_dim3A_769, %iota3A] : memref<48x16xf32, #tpu.memory_space<vmem>>[vector<16xi32>, vector<16xi32>], vector<16xf32>,
        %mul3A_782 = arith.constant 1.000000e-01 : f32
        %mul3A_783 = vector.broadcast %mul3A_782 : f32 to vector<16xf32>
        %mul3A_784 = arith.mulf %gather3A_772, %mul3A_783 : vector<16xf32>
        %mul3A_785 = arith.mulf %mul3A_784, %gather3A_781 : vector<16xf32>
        tpu.vector_store_idx %arg19[%broadcast_in_dim3A_769, %iota3A], %mul3A_785 masked %lt3A_263 : memref<48x12xf32, #tpu.memory_space<vmem>>[vector<16xi32>, vector<16xi32>], vector<16xf32>, vector<16xi1>
        %broadcast_in_dim3A_786 = arith.constant 0 : i32
        %broadcast_in_dim3A_787 = vector.broadcast %broadcast_in_dim3A_786 : i32 to vector<16xi32>
        %gather3A_788 = tpu.vector_load_idx %arg13[%add3A_771, %broadcast_in_dim3A_787] : memref<768x16xf32, #tpu.memory_space<vmem>>[vector<16xi32>, vector<16xi32>], vector<16xf32>,
        %mul3A_789 = arith.mulf %mul3A_780, %gather3A_788 : vector<16xf32>
        %broadcast_in_dim3A_790 = arith.constant 1 : i32
        %broadcast_in_dim3A_791 = vector.broadcast %broadcast_in_dim3A_790 : i32 to vector<16xi32>
        %gather3A_792 = tpu.vector_load_idx %arg13[%add3A_771, %broadcast_in_dim3A_791] : memref<768x16xf32, #tpu.memory_space<vmem>>[vector<16xi32>, vector<16xi32>], vector<16xf32>,
        %mul3A_793 = arith.mulf %mul3A_780, %gather3A_792 : vector<16xf32>
        %broadcast_in_dim3A_794 = arith.constant 2 : i32
        %broadcast_in_dim3A_795 = vector.broadcast %broadcast_in_dim3A_794 : i32 to vector<16xi32>
        %gather3A_796 = tpu.vector_load_idx %arg13[%add3A_771, %broadcast_in_dim3A_795] : memref<768x16xf32, #tpu.memory_space<vmem>>[vector<16xi32>, vector<16xi32>], vector<16xf32>,
        %mul3A_797 = arith.mulf %mul3A_780, %gather3A_796 : vector<16xf32>
        %broadcast_in_dim3A_798 = arith.constant 3 : i32
        %broadcast_in_dim3A_799 = vector.broadcast %broadcast_in_dim3A_798 : i32 to vector<16xi32>
        %gather3A_800 = tpu.vector_load_idx %arg13[%add3A_771, %broadcast_in_dim3A_799] : memref<768x16xf32, #tpu.memory_space<vmem>>[vector<16xi32>, vector<16xi32>], vector<16xf32>,
        %mul3A_801 = arith.mulf %mul3A_780, %gather3A_800 : vector<16xf32>
        %broadcast_in_dim3A_802 = arith.constant 4 : i32
        %broadcast_in_dim3A_803 = vector.broadcast %broadcast_in_dim3A_802 : i32 to vector<16xi32>
        %gather3A_804 = tpu.vector_load_idx %arg13[%add3A_771, %broadcast_in_dim3A_803] : memref<768x16xf32, #tpu.memory_space<vmem>>[vector<16xi32>, vector<16xi32>], vector<16xf32>,
        %mul3A_805 = arith.mulf %mul3A_780, %gather3A_804 : vector<16xf32>
        %broadcast_in_dim3A_806 = arith.constant 5 : i32
        %broadcast_in_dim3A_807 = vector.broadcast %broadcast_in_dim3A_806 : i32 to vector<16xi32>
        %gather3A_808 = tpu.vector_load_idx %arg13[%add3A_771, %broadcast_in_dim3A_807] : memref<768x16xf32, #tpu.memory_space<vmem>>[vector<16xi32>, vector<16xi32>], vector<16xf32>,
        %mul3A_809 = arith.mulf %mul3A_780, %gather3A_808 : vector<16xf32>
        %broadcast_in_dim3A_810 = arith.constant 6 : i32
        %broadcast_in_dim3A_811 = vector.broadcast %broadcast_in_dim3A_810 : i32 to vector<16xi32>
        %gather3A_812 = tpu.vector_load_idx %arg13[%add3A_771, %broadcast_in_dim3A_811] : memref<768x16xf32, #tpu.memory_space<vmem>>[vector<16xi32>, vector<16xi32>], vector<16xf32>,
        %mul3A_813 = arith.mulf %mul3A_780, %gather3A_812 : vector<16xf32>
        %broadcast_in_dim3A_814 = arith.constant 7 : i32
        %broadcast_in_dim3A_815 = vector.broadcast %broadcast_in_dim3A_814 : i32 to vector<16xi32>
        %gather3A_816 = tpu.vector_load_idx %arg13[%add3A_771, %broadcast_in_dim3A_815] : memref<768x16xf32, #tpu.memory_space<vmem>>[vector<16xi32>, vector<16xi32>], vector<16xf32>,
        %mul3A_817 = arith.mulf %mul3A_780, %gather3A_816 : vector<16xf32>
        %broadcast_in_dim3A_818 = arith.constant 8 : i32
        %broadcast_in_dim3A_819 = vector.broadcast %broadcast_in_dim3A_818 : i32 to vector<16xi32>
        %gather3A_820 = tpu.vector_load_idx %arg13[%add3A_771, %broadcast_in_dim3A_819] : memref<768x16xf32, #tpu.memory_space<vmem>>[vector<16xi32>, vector<16xi32>], vector<16xf32>,
        %mul3A_821 = arith.mulf %mul3A_780, %gather3A_820 : vector<16xf32>
        %broadcast_in_dim3A_822 = arith.constant 9 : i32
        %broadcast_in_dim3A_823 = vector.broadcast %broadcast_in_dim3A_822 : i32 to vector<16xi32>
        %gather3A_824 = tpu.vector_load_idx %arg13[%add3A_771, %broadcast_in_dim3A_823] : memref<768x16xf32, #tpu.memory_space<vmem>>[vector<16xi32>, vector<16xi32>], vector<16xf32>,
        %mul3A_825 = arith.mulf %mul3A_780, %gather3A_824 : vector<16xf32>
        %broadcast_in_dim3A_826 = arith.constant 10 : i32
        %broadcast_in_dim3A_827 = vector.broadcast %broadcast_in_dim3A_826 : i32 to vector<16xi32>
        %gather3A_828 = tpu.vector_load_idx %arg13[%add3A_771, %broadcast_in_dim3A_827] : memref<768x16xf32, #tpu.memory_space<vmem>>[vector<16xi32>, vector<16xi32>], vector<16xf32>,
        %mul3A_829 = arith.mulf %mul3A_780, %gather3A_828 : vector<16xf32>
        %broadcast_in_dim3A_830 = arith.constant 11 : i32
        %broadcast_in_dim3A_831 = vector.broadcast %broadcast_in_dim3A_830 : i32 to vector<16xi32>
        %gather3A_832 = tpu.vector_load_idx %arg13[%add3A_771, %broadcast_in_dim3A_831] : memref<768x16xf32, #tpu.memory_space<vmem>>[vector<16xi32>, vector<16xi32>], vector<16xf32>,
        %mul3A_833 = arith.mulf %mul3A_780, %gather3A_832 : vector<16xf32>
        %broadcast_in_dim3A_834 = arith.constant 0 : i32
        %broadcast_in_dim3A_835 = vector.broadcast %broadcast_in_dim3A_834 : i32 to vector<16xi32>
        %gather3A_836 = tpu.vector_load_idx %arg11[%broadcast_in_dim3A_769, %broadcast_in_dim3A_835] : memref<48x16xf32, #tpu.memory_space<vmem>>[vector<16xi32>, vector<16xi32>], vector<16xf32>,
        %mul3A_837 = arith.mulf %mul3A_780, %gather3A_836 : vector<16xf32>
        %broadcast_in_dim3A_838 = arith.constant 1 : i32
        %broadcast_in_dim3A_839 = vector.broadcast %broadcast_in_dim3A_838 : i32 to vector<16xi32>
        %gather3A_840 = tpu.vector_load_idx %arg11[%broadcast_in_dim3A_769, %broadcast_in_dim3A_839] : memref<48x16xf32, #tpu.memory_space<vmem>>[vector<16xi32>, vector<16xi32>], vector<16xf32>,
        %mul3A_841 = arith.mulf %mul3A_780, %gather3A_840 : vector<16xf32>
        %broadcast_in_dim3A_842 = arith.constant 2 : i32
        %broadcast_in_dim3A_843 = vector.broadcast %broadcast_in_dim3A_842 : i32 to vector<16xi32>
        %gather3A_844 = tpu.vector_load_idx %arg11[%broadcast_in_dim3A_769, %broadcast_in_dim3A_843] : memref<48x16xf32, #tpu.memory_space<vmem>>[vector<16xi32>, vector<16xi32>], vector<16xf32>,
        %mul3A_845 = arith.mulf %mul3A_780, %gather3A_844 : vector<16xf32>
        %broadcast_in_dim3A_846 = arith.constant 3 : i32
        %broadcast_in_dim3A_847 = vector.broadcast %broadcast_in_dim3A_846 : i32 to vector<16xi32>
        %gather3A_848 = tpu.vector_load_idx %arg11[%broadcast_in_dim3A_769, %broadcast_in_dim3A_847] : memref<48x16xf32, #tpu.memory_space<vmem>>[vector<16xi32>, vector<16xi32>], vector<16xf32>,
        %mul3A_849 = arith.mulf %mul3A_780, %gather3A_848 : vector<16xf32>
        %broadcast_in_dim3A_850 = arith.constant 4 : i32
        %broadcast_in_dim3A_851 = vector.broadcast %broadcast_in_dim3A_850 : i32 to vector<16xi32>
        %gather3A_852 = tpu.vector_load_idx %arg11[%broadcast_in_dim3A_769, %broadcast_in_dim3A_851] : memref<48x16xf32, #tpu.memory_space<vmem>>[vector<16xi32>, vector<16xi32>], vector<16xf32>,
        %mul3A_853 = arith.mulf %mul3A_780, %gather3A_852 : vector<16xf32>
        %broadcast_in_dim3A_854 = arith.constant 5 : i32
        %broadcast_in_dim3A_855 = vector.broadcast %broadcast_in_dim3A_854 : i32 to vector<16xi32>
        %gather3A_856 = tpu.vector_load_idx %arg11[%broadcast_in_dim3A_769, %broadcast_in_dim3A_855] : memref<48x16xf32, #tpu.memory_space<vmem>>[vector<16xi32>, vector<16xi32>], vector<16xf32>,
        %mul3A_857 = arith.mulf %mul3A_780, %gather3A_856 : vector<16xf32>
        %broadcast_in_dim3A_858 = arith.constant 6 : i32
        %broadcast_in_dim3A_859 = vector.broadcast %broadcast_in_dim3A_858 : i32 to vector<16xi32>
        %gather3A_860 = tpu.vector_load_idx %arg11[%broadcast_in_dim3A_769, %broadcast_in_dim3A_859] : memref<48x16xf32, #tpu.memory_space<vmem>>[vector<16xi32>, vector<16xi32>], vector<16xf32>,
        %mul3A_861 = arith.mulf %mul3A_780, %gather3A_860 : vector<16xf32>
        %broadcast_in_dim3A_862 = arith.constant 7 : i32
        %broadcast_in_dim3A_863 = vector.broadcast %broadcast_in_dim3A_862 : i32 to vector<16xi32>
        %gather3A_864 = tpu.vector_load_idx %arg11[%broadcast_in_dim3A_769, %broadcast_in_dim3A_863] : memref<48x16xf32, #tpu.memory_space<vmem>>[vector<16xi32>, vector<16xi32>], vector<16xf32>,
        %mul3A_865 = arith.mulf %mul3A_780, %gather3A_864 : vector<16xf32>
        %broadcast_in_dim3A_866 = arith.constant 8 : i32
        %broadcast_in_dim3A_867 = vector.broadcast %broadcast_in_dim3A_866 : i32 to vector<16xi32>
        %gather3A_868 = tpu.vector_load_idx %arg11[%broadcast_in_dim3A_769, %broadcast_in_dim3A_867] : memref<48x16xf32, #tpu.memory_space<vmem>>[vector<16xi32>, vector<16xi32>], vector<16xf32>,
        %mul3A_869 = arith.mulf %mul3A_780, %gather3A_868 : vector<16xf32>
        %broadcast_in_dim3A_870 = arith.constant 9 : i32
        %broadcast_in_dim3A_871 = vector.broadcast %broadcast_in_dim3A_870 : i32 to vector<16xi32>
        %gather3A_872 = tpu.vector_load_idx %arg11[%broadcast_in_dim3A_769, %broadcast_in_dim3A_871] : memref<48x16xf32, #tpu.memory_space<vmem>>[vector<16xi32>, vector<16xi32>], vector<16xf32>,
        %mul3A_873 = arith.mulf %mul3A_780, %gather3A_872 : vector<16xf32>
        %broadcast_in_dim3A_874 = arith.constant 10 : i32
        %broadcast_in_dim3A_875 = vector.broadcast %broadcast_in_dim3A_874 : i32 to vector<16xi32>
        %gather3A_876 = tpu.vector_load_idx %arg11[%broadcast_in_dim3A_769, %broadcast_in_dim3A_875] : memref<48x16xf32, #tpu.memory_space<vmem>>[vector<16xi32>, vector<16xi32>], vector<16xf32>,
        %mul3A_877 = arith.mulf %mul3A_780, %gather3A_876 : vector<16xf32>
        %broadcast_in_dim3A_878 = arith.constant 11 : i32
        %broadcast_in_dim3A_879 = vector.broadcast %broadcast_in_dim3A_878 : i32 to vector<16xi32>
        %gather3A_880 = tpu.vector_load_idx %arg11[%broadcast_in_dim3A_769, %broadcast_in_dim3A_879] : memref<48x16xf32, #tpu.memory_space<vmem>>[vector<16xi32>, vector<16xi32>], vector<16xf32>,
        %mul3A_881 = arith.mulf %mul3A_780, %gather3A_880 : vector<16xf32>
        %sub3A_882 = arith.subf %mul3A_789, %mul3A_837 : vector<16xf32>
        %add3A_883 = arith.constant 0 : i32
        %add3A_884 = vector.broadcast %add3A_883 : i32 to vector<16xi32>
        %add3A_885 = arith.addi %mul3A_260, %add3A_884 : vector<16xi32>
        tpu.vector_store_idx %arg15[%broadcast_in_dim3A_769, %add3A_885], %sub3A_882 : memref<48x768xf32, #tpu.memory_space<vmem>>[vector<16xi32>, vector<16xi32>], vector<16xf32>,
        %sub3A_886 = arith.subf %mul3A_793, %mul3A_841 : vector<16xf32>
        %add3A_887 = arith.constant 1 : i32
        %add3A_888 = vector.broadcast %add3A_887 : i32 to vector<16xi32>
        %add3A_889 = arith.addi %mul3A_260, %add3A_888 : vector<16xi32>
        tpu.vector_store_idx %arg15[%broadcast_in_dim3A_769, %add3A_889], %sub3A_886 : memref<48x768xf32, #tpu.memory_space<vmem>>[vector<16xi32>, vector<16xi32>], vector<16xf32>,
        %sub3A_890 = arith.subf %mul3A_797, %mul3A_845 : vector<16xf32>
        %add3A_891 = arith.constant 2 : i32
        %add3A_892 = vector.broadcast %add3A_891 : i32 to vector<16xi32>
        %add3A_893 = arith.addi %mul3A_260, %add3A_892 : vector<16xi32>
        tpu.vector_store_idx %arg15[%broadcast_in_dim3A_769, %add3A_893], %sub3A_890 : memref<48x768xf32, #tpu.memory_space<vmem>>[vector<16xi32>, vector<16xi32>], vector<16xf32>,
        %sub3A_894 = arith.subf %mul3A_801, %mul3A_837 : vector<16xf32>
        %add3A_895 = arith.constant 3 : i32
        %add3A_896 = vector.broadcast %add3A_895 : i32 to vector<16xi32>
        %add3A_897 = arith.addi %mul3A_260, %add3A_896 : vector<16xi32>
        tpu.vector_store_idx %arg15[%broadcast_in_dim3A_769, %add3A_897], %sub3A_894 : memref<48x768xf32, #tpu.memory_space<vmem>>[vector<16xi32>, vector<16xi32>], vector<16xf32>,
        %sub3A_898 = arith.subf %mul3A_805, %mul3A_841 : vector<16xf32>
        %add3A_899 = arith.constant 4 : i32
        %add3A_900 = vector.broadcast %add3A_899 : i32 to vector<16xi32>
        %add3A_901 = arith.addi %mul3A_260, %add3A_900 : vector<16xi32>
        tpu.vector_store_idx %arg15[%broadcast_in_dim3A_769, %add3A_901], %sub3A_898 : memref<48x768xf32, #tpu.memory_space<vmem>>[vector<16xi32>, vector<16xi32>], vector<16xf32>,
        %sub3A_902 = arith.subf %mul3A_809, %mul3A_845 : vector<16xf32>
        %add3A_903 = arith.constant 5 : i32
        %add3A_904 = vector.broadcast %add3A_903 : i32 to vector<16xi32>
        %add3A_905 = arith.addi %mul3A_260, %add3A_904 : vector<16xi32>
        tpu.vector_store_idx %arg15[%broadcast_in_dim3A_769, %add3A_905], %sub3A_902 : memref<48x768xf32, #tpu.memory_space<vmem>>[vector<16xi32>, vector<16xi32>], vector<16xf32>,
        %sub3A_906 = arith.subf %mul3A_813, %mul3A_837 : vector<16xf32>
        %add3A_907 = arith.constant 6 : i32
        %add3A_908 = vector.broadcast %add3A_907 : i32 to vector<16xi32>
        %add3A_909 = arith.addi %mul3A_260, %add3A_908 : vector<16xi32>
        tpu.vector_store_idx %arg15[%broadcast_in_dim3A_769, %add3A_909], %sub3A_906 : memref<48x768xf32, #tpu.memory_space<vmem>>[vector<16xi32>, vector<16xi32>], vector<16xf32>,
        %sub3A_910 = arith.subf %mul3A_817, %mul3A_841 : vector<16xf32>
        %add3A_911 = arith.constant 7 : i32
        %add3A_912 = vector.broadcast %add3A_911 : i32 to vector<16xi32>
        %add3A_913 = arith.addi %mul3A_260, %add3A_912 : vector<16xi32>
        tpu.vector_store_idx %arg15[%broadcast_in_dim3A_769, %add3A_913], %sub3A_910 : memref<48x768xf32, #tpu.memory_space<vmem>>[vector<16xi32>, vector<16xi32>], vector<16xf32>,
        %sub3A_914 = arith.subf %mul3A_821, %mul3A_845 : vector<16xf32>
        %add3A_915 = arith.constant 8 : i32
        %add3A_916 = vector.broadcast %add3A_915 : i32 to vector<16xi32>
        %add3A_917 = arith.addi %mul3A_260, %add3A_916 : vector<16xi32>
        tpu.vector_store_idx %arg15[%broadcast_in_dim3A_769, %add3A_917], %sub3A_914 : memref<48x768xf32, #tpu.memory_space<vmem>>[vector<16xi32>, vector<16xi32>], vector<16xf32>,
        %sub3A_918 = arith.subf %mul3A_825, %mul3A_837 : vector<16xf32>
        %add3A_919 = arith.constant 9 : i32
        %add3A_920 = vector.broadcast %add3A_919 : i32 to vector<16xi32>
        %add3A_921 = arith.addi %mul3A_260, %add3A_920 : vector<16xi32>
        tpu.vector_store_idx %arg15[%broadcast_in_dim3A_769, %add3A_921], %sub3A_918 : memref<48x768xf32, #tpu.memory_space<vmem>>[vector<16xi32>, vector<16xi32>], vector<16xf32>,
        %sub3A_922 = arith.subf %mul3A_829, %mul3A_841 : vector<16xf32>
        %add3A_923 = arith.constant 10 : i32
        %add3A_924 = vector.broadcast %add3A_923 : i32 to vector<16xi32>
        %add3A_925 = arith.addi %mul3A_260, %add3A_924 : vector<16xi32>
        tpu.vector_store_idx %arg15[%broadcast_in_dim3A_769, %add3A_925], %sub3A_922 : memref<48x768xf32, #tpu.memory_space<vmem>>[vector<16xi32>, vector<16xi32>], vector<16xf32>,
        %sub3A_926 = arith.subf %mul3A_833, %mul3A_845 : vector<16xf32>
        %add3A_927 = arith.constant 11 : i32
        %add3A_928 = vector.broadcast %add3A_927 : i32 to vector<16xi32>
        %add3A_929 = arith.addi %mul3A_260, %add3A_928 : vector<16xi32>
        tpu.vector_store_idx %arg15[%broadcast_in_dim3A_769, %add3A_929], %sub3A_926 : memref<48x768xf32, #tpu.memory_space<vmem>>[vector<16xi32>, vector<16xi32>], vector<16xf32>,
        %sub3A_930 = arith.subf %mul3A_789, %mul3A_849 : vector<16xf32>
        %add3A_931 = arith.constant 12 : i32
        %add3A_932 = vector.broadcast %add3A_931 : i32 to vector<16xi32>
        %add3A_933 = arith.addi %mul3A_260, %add3A_932 : vector<16xi32>
        tpu.vector_store_idx %arg15[%broadcast_in_dim3A_769, %add3A_933], %sub3A_930 : memref<48x768xf32, #tpu.memory_space<vmem>>[vector<16xi32>, vector<16xi32>], vector<16xf32>,
        %sub3A_934 = arith.subf %mul3A_793, %mul3A_853 : vector<16xf32>
        %add3A_935 = arith.constant 13 : i32
        %add3A_936 = vector.broadcast %add3A_935 : i32 to vector<16xi32>
        %add3A_937 = arith.addi %mul3A_260, %add3A_936 : vector<16xi32>
        tpu.vector_store_idx %arg15[%broadcast_in_dim3A_769, %add3A_937], %sub3A_934 : memref<48x768xf32, #tpu.memory_space<vmem>>[vector<16xi32>, vector<16xi32>], vector<16xf32>,
        %sub3A_938 = arith.subf %mul3A_797, %mul3A_857 : vector<16xf32>
        %add3A_939 = arith.constant 14 : i32
        %add3A_940 = vector.broadcast %add3A_939 : i32 to vector<16xi32>
        %add3A_941 = arith.addi %mul3A_260, %add3A_940 : vector<16xi32>
        tpu.vector_store_idx %arg15[%broadcast_in_dim3A_769, %add3A_941], %sub3A_938 : memref<48x768xf32, #tpu.memory_space<vmem>>[vector<16xi32>, vector<16xi32>], vector<16xf32>,
        %sub3A_942 = arith.subf %mul3A_801, %mul3A_849 : vector<16xf32>
        %add3A_943 = arith.constant 15 : i32
        %add3A_944 = vector.broadcast %add3A_943 : i32 to vector<16xi32>
        %add3A_945 = arith.addi %mul3A_260, %add3A_944 : vector<16xi32>
        tpu.vector_store_idx %arg15[%broadcast_in_dim3A_769, %add3A_945], %sub3A_942 : memref<48x768xf32, #tpu.memory_space<vmem>>[vector<16xi32>, vector<16xi32>], vector<16xf32>,
        %sub3A_946 = arith.subf %mul3A_805, %mul3A_853 : vector<16xf32>
        %add3A_947 = arith.constant 16 : i32
        %add3A_948 = vector.broadcast %add3A_947 : i32 to vector<16xi32>
        %add3A_949 = arith.addi %mul3A_260, %add3A_948 : vector<16xi32>
        tpu.vector_store_idx %arg15[%broadcast_in_dim3A_769, %add3A_949], %sub3A_946 : memref<48x768xf32, #tpu.memory_space<vmem>>[vector<16xi32>, vector<16xi32>], vector<16xf32>,
        %sub3A_950 = arith.subf %mul3A_809, %mul3A_857 : vector<16xf32>
        %add3A_951 = arith.constant 17 : i32
        %add3A_952 = vector.broadcast %add3A_951 : i32 to vector<16xi32>
        %add3A_953 = arith.addi %mul3A_260, %add3A_952 : vector<16xi32>
        tpu.vector_store_idx %arg15[%broadcast_in_dim3A_769, %add3A_953], %sub3A_950 : memref<48x768xf32, #tpu.memory_space<vmem>>[vector<16xi32>, vector<16xi32>], vector<16xf32>,
        %sub3A_954 = arith.subf %mul3A_813, %mul3A_849 : vector<16xf32>
        %add3A_955 = arith.constant 18 : i32
        %add3A_956 = vector.broadcast %add3A_955 : i32 to vector<16xi32>
        %add3A_957 = arith.addi %mul3A_260, %add3A_956 : vector<16xi32>
        tpu.vector_store_idx %arg15[%broadcast_in_dim3A_769, %add3A_957], %sub3A_954 : memref<48x768xf32, #tpu.memory_space<vmem>>[vector<16xi32>, vector<16xi32>], vector<16xf32>,
        %sub3A_958 = arith.subf %mul3A_817, %mul3A_853 : vector<16xf32>
        %add3A_959 = arith.constant 19 : i32
        %add3A_960 = vector.broadcast %add3A_959 : i32 to vector<16xi32>
        %add3A_961 = arith.addi %mul3A_260, %add3A_960 : vector<16xi32>
        tpu.vector_store_idx %arg15[%broadcast_in_dim3A_769, %add3A_961], %sub3A_958 : memref<48x768xf32, #tpu.memory_space<vmem>>[vector<16xi32>, vector<16xi32>], vector<16xf32>,
        %sub3A_962 = arith.subf %mul3A_821, %mul3A_857 : vector<16xf32>
        %add3A_963 = arith.constant 20 : i32
        %add3A_964 = vector.broadcast %add3A_963 : i32 to vector<16xi32>
        %add3A_965 = arith.addi %mul3A_260, %add3A_964 : vector<16xi32>
        tpu.vector_store_idx %arg15[%broadcast_in_dim3A_769, %add3A_965], %sub3A_962 : memref<48x768xf32, #tpu.memory_space<vmem>>[vector<16xi32>, vector<16xi32>], vector<16xf32>,
        %sub3A_966 = arith.subf %mul3A_825, %mul3A_849 : vector<16xf32>
        %add3A_967 = arith.constant 21 : i32
        %add3A_968 = vector.broadcast %add3A_967 : i32 to vector<16xi32>
        %add3A_969 = arith.addi %mul3A_260, %add3A_968 : vector<16xi32>
        tpu.vector_store_idx %arg15[%broadcast_in_dim3A_769, %add3A_969], %sub3A_966 : memref<48x768xf32, #tpu.memory_space<vmem>>[vector<16xi32>, vector<16xi32>], vector<16xf32>,
        %sub3A_970 = arith.subf %mul3A_829, %mul3A_853 : vector<16xf32>
        %add3A_971 = arith.constant 22 : i32
        %add3A_972 = vector.broadcast %add3A_971 : i32 to vector<16xi32>
        %add3A_973 = arith.addi %mul3A_260, %add3A_972 : vector<16xi32>
        tpu.vector_store_idx %arg15[%broadcast_in_dim3A_769, %add3A_973], %sub3A_970 : memref<48x768xf32, #tpu.memory_space<vmem>>[vector<16xi32>, vector<16xi32>], vector<16xf32>,
        %sub3A_974 = arith.subf %mul3A_833, %mul3A_857 : vector<16xf32>
        %add3A_975 = arith.constant 23 : i32
        %add3A_976 = vector.broadcast %add3A_975 : i32 to vector<16xi32>
        %add3A_977 = arith.addi %mul3A_260, %add3A_976 : vector<16xi32>
        tpu.vector_store_idx %arg15[%broadcast_in_dim3A_769, %add3A_977], %sub3A_974 : memref<48x768xf32, #tpu.memory_space<vmem>>[vector<16xi32>, vector<16xi32>], vector<16xf32>,
        %sub3A_978 = arith.subf %mul3A_789, %mul3A_861 : vector<16xf32>
        %add3A_979 = arith.constant 24 : i32
        %add3A_980 = vector.broadcast %add3A_979 : i32 to vector<16xi32>
        %add3A_981 = arith.addi %mul3A_260, %add3A_980 : vector<16xi32>
        tpu.vector_store_idx %arg15[%broadcast_in_dim3A_769, %add3A_981], %sub3A_978 : memref<48x768xf32, #tpu.memory_space<vmem>>[vector<16xi32>, vector<16xi32>], vector<16xf32>,
        %sub3A_982 = arith.subf %mul3A_793, %mul3A_865 : vector<16xf32>
        %add3A_983 = arith.constant 25 : i32
        %add3A_984 = vector.broadcast %add3A_983 : i32 to vector<16xi32>
        %add3A_985 = arith.addi %mul3A_260, %add3A_984 : vector<16xi32>
        tpu.vector_store_idx %arg15[%broadcast_in_dim3A_769, %add3A_985], %sub3A_982 : memref<48x768xf32, #tpu.memory_space<vmem>>[vector<16xi32>, vector<16xi32>], vector<16xf32>,
        %sub3A_986 = arith.subf %mul3A_797, %mul3A_869 : vector<16xf32>
        %add3A_987 = arith.constant 26 : i32
        %add3A_988 = vector.broadcast %add3A_987 : i32 to vector<16xi32>
        %add3A_989 = arith.addi %mul3A_260, %add3A_988 : vector<16xi32>
        tpu.vector_store_idx %arg15[%broadcast_in_dim3A_769, %add3A_989], %sub3A_986 : memref<48x768xf32, #tpu.memory_space<vmem>>[vector<16xi32>, vector<16xi32>], vector<16xf32>,
        %sub3A_990 = arith.subf %mul3A_801, %mul3A_861 : vector<16xf32>
        %add3A_991 = arith.constant 27 : i32
        %add3A_992 = vector.broadcast %add3A_991 : i32 to vector<16xi32>
        %add3A_993 = arith.addi %mul3A_260, %add3A_992 : vector<16xi32>
        tpu.vector_store_idx %arg15[%broadcast_in_dim3A_769, %add3A_993], %sub3A_990 : memref<48x768xf32, #tpu.memory_space<vmem>>[vector<16xi32>, vector<16xi32>], vector<16xf32>,
        %sub3A_994 = arith.subf %mul3A_805, %mul3A_865 : vector<16xf32>
        %add3A_995 = arith.constant 28 : i32
        %add3A_996 = vector.broadcast %add3A_995 : i32 to vector<16xi32>
        %add3A_997 = arith.addi %mul3A_260, %add3A_996 : vector<16xi32>
        tpu.vector_store_idx %arg15[%broadcast_in_dim3A_769, %add3A_997], %sub3A_994 : memref<48x768xf32, #tpu.memory_space<vmem>>[vector<16xi32>, vector<16xi32>], vector<16xf32>,
        %sub3A_998 = arith.subf %mul3A_809, %mul3A_869 : vector<16xf32>
        %add3A_999 = arith.constant 29 : i32
        %add3A_1000 = vector.broadcast %add3A_999 : i32 to vector<16xi32>
        %add3A_1001 = arith.addi %mul3A_260, %add3A_1000 : vector<16xi32>
        tpu.vector_store_idx %arg15[%broadcast_in_dim3A_769, %add3A_1001], %sub3A_998 : memref<48x768xf32, #tpu.memory_space<vmem>>[vector<16xi32>, vector<16xi32>], vector<16xf32>,
        %sub3A_1002 = arith.subf %mul3A_813, %mul3A_861 : vector<16xf32>
        %add3A_1003 = arith.constant 30 : i32
        %add3A_1004 = vector.broadcast %add3A_1003 : i32 to vector<16xi32>
        %add3A_1005 = arith.addi %mul3A_260, %add3A_1004 : vector<16xi32>
        tpu.vector_store_idx %arg15[%broadcast_in_dim3A_769, %add3A_1005], %sub3A_1002 : memref<48x768xf32, #tpu.memory_space<vmem>>[vector<16xi32>, vector<16xi32>], vector<16xf32>,
        %sub3A_1006 = arith.subf %mul3A_817, %mul3A_865 : vector<16xf32>
        %add3A_1007 = arith.constant 31 : i32
        %add3A_1008 = vector.broadcast %add3A_1007 : i32 to vector<16xi32>
        %add3A_1009 = arith.addi %mul3A_260, %add3A_1008 : vector<16xi32>
        tpu.vector_store_idx %arg15[%broadcast_in_dim3A_769, %add3A_1009], %sub3A_1006 : memref<48x768xf32, #tpu.memory_space<vmem>>[vector<16xi32>, vector<16xi32>], vector<16xf32>,
        %sub3A_1010 = arith.subf %mul3A_821, %mul3A_869 : vector<16xf32>
        %add3A_1011 = arith.constant 32 : i32
        %add3A_1012 = vector.broadcast %add3A_1011 : i32 to vector<16xi32>
        %add3A_1013 = arith.addi %mul3A_260, %add3A_1012 : vector<16xi32>
        tpu.vector_store_idx %arg15[%broadcast_in_dim3A_769, %add3A_1013], %sub3A_1010 : memref<48x768xf32, #tpu.memory_space<vmem>>[vector<16xi32>, vector<16xi32>], vector<16xf32>,
        %sub3A_1014 = arith.subf %mul3A_825, %mul3A_861 : vector<16xf32>
        %add3A_1015 = arith.constant 33 : i32
        %add3A_1016 = vector.broadcast %add3A_1015 : i32 to vector<16xi32>
        %add3A_1017 = arith.addi %mul3A_260, %add3A_1016 : vector<16xi32>
        tpu.vector_store_idx %arg15[%broadcast_in_dim3A_769, %add3A_1017], %sub3A_1014 : memref<48x768xf32, #tpu.memory_space<vmem>>[vector<16xi32>, vector<16xi32>], vector<16xf32>,
        %sub3A_1018 = arith.subf %mul3A_829, %mul3A_865 : vector<16xf32>
        %add3A_1019 = arith.constant 34 : i32
        %add3A_1020 = vector.broadcast %add3A_1019 : i32 to vector<16xi32>
        %add3A_1021 = arith.addi %mul3A_260, %add3A_1020 : vector<16xi32>
        tpu.vector_store_idx %arg15[%broadcast_in_dim3A_769, %add3A_1021], %sub3A_1018 : memref<48x768xf32, #tpu.memory_space<vmem>>[vector<16xi32>, vector<16xi32>], vector<16xf32>,
        %sub3A_1022 = arith.subf %mul3A_833, %mul3A_869 : vector<16xf32>
        %add3A_1023 = arith.constant 35 : i32
        %add3A_1024 = vector.broadcast %add3A_1023 : i32 to vector<16xi32>
        %add3A_1025 = arith.addi %mul3A_260, %add3A_1024 : vector<16xi32>
        tpu.vector_store_idx %arg15[%broadcast_in_dim3A_769, %add3A_1025], %sub3A_1022 : memref<48x768xf32, #tpu.memory_space<vmem>>[vector<16xi32>, vector<16xi32>], vector<16xf32>,
        %sub3A_1026 = arith.subf %mul3A_789, %mul3A_873 : vector<16xf32>
        %add3A_1027 = arith.constant 36 : i32
        %add3A_1028 = vector.broadcast %add3A_1027 : i32 to vector<16xi32>
        %add3A_1029 = arith.addi %mul3A_260, %add3A_1028 : vector<16xi32>
        tpu.vector_store_idx %arg15[%broadcast_in_dim3A_769, %add3A_1029], %sub3A_1026 : memref<48x768xf32, #tpu.memory_space<vmem>>[vector<16xi32>, vector<16xi32>], vector<16xf32>,
        %sub3A_1030 = arith.subf %mul3A_793, %mul3A_877 : vector<16xf32>
        %add3A_1031 = arith.constant 37 : i32
        %add3A_1032 = vector.broadcast %add3A_1031 : i32 to vector<16xi32>
        %add3A_1033 = arith.addi %mul3A_260, %add3A_1032 : vector<16xi32>
        tpu.vector_store_idx %arg15[%broadcast_in_dim3A_769, %add3A_1033], %sub3A_1030 : memref<48x768xf32, #tpu.memory_space<vmem>>[vector<16xi32>, vector<16xi32>], vector<16xf32>,
        %sub3A_1034 = arith.subf %mul3A_797, %mul3A_881 : vector<16xf32>
        %add3A_1035 = arith.constant 38 : i32
        %add3A_1036 = vector.broadcast %add3A_1035 : i32 to vector<16xi32>
        %add3A_1037 = arith.addi %mul3A_260, %add3A_1036 : vector<16xi32>
        tpu.vector_store_idx %arg15[%broadcast_in_dim3A_769, %add3A_1037], %sub3A_1034 : memref<48x768xf32, #tpu.memory_space<vmem>>[vector<16xi32>, vector<16xi32>], vector<16xf32>,
        %sub3A_1038 = arith.subf %mul3A_801, %mul3A_873 : vector<16xf32>
        %add3A_1039 = arith.constant 39 : i32
        %add3A_1040 = vector.broadcast %add3A_1039 : i32 to vector<16xi32>
        %add3A_1041 = arith.addi %mul3A_260, %add3A_1040 : vector<16xi32>
        tpu.vector_store_idx %arg15[%broadcast_in_dim3A_769, %add3A_1041], %sub3A_1038 : memref<48x768xf32, #tpu.memory_space<vmem>>[vector<16xi32>, vector<16xi32>], vector<16xf32>,
        %sub3A_1042 = arith.subf %mul3A_805, %mul3A_877 : vector<16xf32>
        %add3A_1043 = arith.constant 40 : i32
        %add3A_1044 = vector.broadcast %add3A_1043 : i32 to vector<16xi32>
        %add3A_1045 = arith.addi %mul3A_260, %add3A_1044 : vector<16xi32>
        tpu.vector_store_idx %arg15[%broadcast_in_dim3A_769, %add3A_1045], %sub3A_1042 : memref<48x768xf32, #tpu.memory_space<vmem>>[vector<16xi32>, vector<16xi32>], vector<16xf32>,
        %sub3A_1046 = arith.subf %mul3A_809, %mul3A_881 : vector<16xf32>
        %add3A_1047 = arith.constant 41 : i32
        %add3A_1048 = vector.broadcast %add3A_1047 : i32 to vector<16xi32>
        %add3A_1049 = arith.addi %mul3A_260, %add3A_1048 : vector<16xi32>
        tpu.vector_store_idx %arg15[%broadcast_in_dim3A_769, %add3A_1049], %sub3A_1046 : memref<48x768xf32, #tpu.memory_space<vmem>>[vector<16xi32>, vector<16xi32>], vector<16xf32>,
        %sub3A_1050 = arith.subf %mul3A_813, %mul3A_873 : vector<16xf32>
        %add3A_1051 = arith.constant 42 : i32
        %add3A_1052 = vector.broadcast %add3A_1051 : i32 to vector<16xi32>
        %add3A_1053 = arith.addi %mul3A_260, %add3A_1052 : vector<16xi32>
        tpu.vector_store_idx %arg15[%broadcast_in_dim3A_769, %add3A_1053], %sub3A_1050 : memref<48x768xf32, #tpu.memory_space<vmem>>[vector<16xi32>, vector<16xi32>], vector<16xf32>,
        %sub3A_1054 = arith.subf %mul3A_817, %mul3A_877 : vector<16xf32>
        %add3A_1055 = arith.constant 43 : i32
        %add3A_1056 = vector.broadcast %add3A_1055 : i32 to vector<16xi32>
        %add3A_1057 = arith.addi %mul3A_260, %add3A_1056 : vector<16xi32>
        tpu.vector_store_idx %arg15[%broadcast_in_dim3A_769, %add3A_1057], %sub3A_1054 : memref<48x768xf32, #tpu.memory_space<vmem>>[vector<16xi32>, vector<16xi32>], vector<16xf32>,
        %sub3A_1058 = arith.subf %mul3A_821, %mul3A_881 : vector<16xf32>
        %add3A_1059 = arith.constant 44 : i32
        %add3A_1060 = vector.broadcast %add3A_1059 : i32 to vector<16xi32>
        %add3A_1061 = arith.addi %mul3A_260, %add3A_1060 : vector<16xi32>
        tpu.vector_store_idx %arg15[%broadcast_in_dim3A_769, %add3A_1061], %sub3A_1058 : memref<48x768xf32, #tpu.memory_space<vmem>>[vector<16xi32>, vector<16xi32>], vector<16xf32>,
        %sub3A_1062 = arith.subf %mul3A_825, %mul3A_873 : vector<16xf32>
        %add3A_1063 = arith.constant 45 : i32
        %add3A_1064 = vector.broadcast %add3A_1063 : i32 to vector<16xi32>
        %add3A_1065 = arith.addi %mul3A_260, %add3A_1064 : vector<16xi32>
        tpu.vector_store_idx %arg15[%broadcast_in_dim3A_769, %add3A_1065], %sub3A_1062 : memref<48x768xf32, #tpu.memory_space<vmem>>[vector<16xi32>, vector<16xi32>], vector<16xf32>,
        %sub3A_1066 = arith.subf %mul3A_829, %mul3A_877 : vector<16xf32>
        %add3A_1067 = arith.constant 46 : i32
        %add3A_1068 = vector.broadcast %add3A_1067 : i32 to vector<16xi32>
        %add3A_1069 = arith.addi %mul3A_260, %add3A_1068 : vector<16xi32>
        tpu.vector_store_idx %arg15[%broadcast_in_dim3A_769, %add3A_1069], %sub3A_1066 : memref<48x768xf32, #tpu.memory_space<vmem>>[vector<16xi32>, vector<16xi32>], vector<16xf32>,
        %sub3A_1070 = arith.subf %mul3A_833, %mul3A_881 : vector<16xf32>
        %add3A_1071 = arith.constant 47 : i32
        %add3A_1072 = vector.broadcast %add3A_1071 : i32 to vector<16xi32>
        %add3A_1073 = arith.addi %mul3A_260, %add3A_1072 : vector<16xi32>
        tpu.vector_store_idx %arg15[%broadcast_in_dim3A_769, %add3A_1073], %sub3A_1070 : memref<48x768xf32, #tpu.memory_space<vmem>>[vector<16xi32>, vector<16xi32>], vector<16xf32>,
      }
      %scan3A_384 = arith.constant 24 : i32
      %mul3A_385 = arith.constant 48 : i32
      %mul3A_386 = arith.muli %add3A_356, %mul3A_385 : i32
      %min3A_387 = arith.constant 3077 : i32
      %min3A_388 = arith.minsi %mul3A_386, %min3A_387 : i32
      %add3A_389 = arith.addi %mul3A_2, %min3A_388 : i32
      %dma_start3A_390 = arith.constant 0 : i32
      %dma_start3A_391 = tpu.memref_slice %arg4[%add3A_389, %dma_start3A_390] : memref<100000x768xf32, #tpu.memory_space<hbm>> -> memref<48x768xf32, #tpu.memory_space<hbm>>
      %dma_start3A_392 = arith.constant 0 : i32
      %dma_start3A_393 = tpu.memref_slice %arg4[%add3A_389, %dma_start3A_392] : memref<100000x768xf32, #tpu.memory_space<hbm>> -> memref<48x768xf32, #tpu.memory_space<hbm>>
      tpu.enqueue_dma source(%arg15 : memref<48x768xf32, #tpu.memory_space<vmem>>) target(%dma_start3A_393 : memref<48x768xf32, #tpu.memory_space<hbm>>) target_semaphore(%arg25 : memref<!tpu.dma_semaphore, #tpu.memory_space<semaphore_mem>>)
      %dma_start3A_394 = arith.constant 0 : i32
      %dma_start3A_395 = tpu.memref_slice %arg5[%add3A_389, %dma_start3A_394] : memref<100000x16xf32, #tpu.memory_space<hbm>> -> memref<48x16xf32, #tpu.memory_space<hbm>>
      %dma_start3A_396 = arith.constant 0 : i32
      %dma_start3A_397 = tpu.memref_slice %arg5[%add3A_389, %dma_start3A_396] : memref<100000x16xf32, #tpu.memory_space<hbm>> -> memref<48x16xf32, #tpu.memory_space<hbm>>
      tpu.enqueue_dma source(%arg17 : memref<48x16xf32, #tpu.memory_space<vmem>>) target(%dma_start3A_397 : memref<48x16xf32, #tpu.memory_space<hbm>>) target_semaphore(%arg25 : memref<!tpu.dma_semaphore, #tpu.memory_space<semaphore_mem>>)
      %dma_start3A_398 = arith.constant 0 : i32
      %dma_start3A_399 = tpu.memref_slice %arg6[%add3A_389, %dma_start3A_398] : memref<100000x12xf32, #tpu.memory_space<hbm>> -> memref<48x12xf32, #tpu.memory_space<hbm>>
      %dma_start3A_400 = arith.constant 0 : i32
      %dma_start3A_401 = tpu.memref_slice %arg6[%add3A_389, %dma_start3A_400] : memref<100000x12xf32, #tpu.memory_space<hbm>> -> memref<48x12xf32, #tpu.memory_space<hbm>>
      tpu.enqueue_dma source(%arg19 : memref<48x12xf32, #tpu.memory_space<vmem>>) target(%dma_start3A_401 : memref<48x12xf32, #tpu.memory_space<hbm>>) target_semaphore(%arg25 : memref<!tpu.dma_semaphore, #tpu.memory_space<semaphore_mem>>)
      %mul3A_402 = arith.constant 2 : i32
      %mul3A_403 = arith.muli %mul3A_402, %scan3A_352 : i32
      %add3A_404 = arith.constant 1 : i32
      %add3A_405 = arith.addi %mul3A_403, %add3A_404 : i32
      %dma_wait3A_406 = arith.constant 0 : i32
      %dma_wait3A_407 = arith.constant 0 : i32
      %dma_wait3A_408 = tpu.memref_slice %arg2[%dma_wait3A_406, %dma_wait3A_407] : memref<100000x16xf32, #tpu.memory_space<hbm>> -> memref<100000x16xf32, #tpu.memory_space<hbm>>
      tpu.wait_indirect_dma semaphore(%arg24 : memref<!tpu.dma_semaphore, #tpu.memory_space<semaphore_mem>>) src(%dma_wait3A_408 : memref<100000x16xf32, #tpu.memory_space<hbm>>) dst(%arg12 : memref<48x16xf32, #tpu.memory_space<vmem>>)
      %dma_wait3A_409 = arith.constant 0 : i32
      %dma_wait3A_410 = arith.constant 0 : i32
      %dma_wait3A_411 = tpu.memref_slice %arg2[%dma_wait3A_409, %dma_wait3A_410] : memref<100000x16xf32, #tpu.memory_space<hbm>> -> memref<100000x16xf32, #tpu.memory_space<hbm>>
      tpu.wait_indirect_dma semaphore(%arg24 : memref<!tpu.dma_semaphore, #tpu.memory_space<semaphore_mem>>) src(%dma_wait3A_411 : memref<100000x16xf32, #tpu.memory_space<hbm>>) dst(%arg14 : memref<768x16xf32, #tpu.memory_space<vmem>>)
      %add3A_412 = arith.constant 1 : i32
      %add3A_413 = arith.addi %add3A_405, %add3A_412 : i32
      %lt3A_414 = arith.constant 66 : i32
      %lt3A_415 = arith.cmpi slt, %add3A_413, %lt3A_414 : i32
      %convert_element_type3A_416 = arith.extui %lt3A_415 : i1 to i32
      %cond3A_417 = arith.constant 0 : i32
      %cond3A_418 = arith.cmpi ne, %convert_element_type3A_416, %cond3A_417 : i32
      scf.if %cond3A_418 {
        %dma_wait3A_454 = arith.constant 0 : i32
        %dma_wait3A_455 = tpu.memref_slice %arg3[%dma_wait3A_454] : memref<1600000xi32, #tpu.memory_space<hbm>> -> memref<768xi32, #tpu.memory_space<hbm>>
        %dma_wait3A_456 = arith.constant 0 : i32
        %dma_wait3A_457 = tpu.memref_slice %arg3[%dma_wait3A_456] : memref<1600000xi32, #tpu.memory_space<hbm>> -> memref<768xi32, #tpu.memory_space<hbm>>
        tpu.wait_dma2 semaphore(%arg21 : memref<!tpu.dma_semaphore, #tpu.memory_space<semaphore_mem>>) src(%dma_wait3A_457 : memref<768xi32, #tpu.memory_space<hbm>>) dst(%arg7 : memref<768xi32, #tpu.memory_space<vmem>>)
        %add3A_458 = arith.constant 1 : i32
        %add3A_459 = arith.addi %add3A_405, %add3A_458 : i32
        %mul3A_460 = arith.constant 48 : i32
        %mul3A_461 = arith.muli %add3A_459, %mul3A_460 : i32
        %min3A_462 = arith.constant 3077 : i32
        %min3A_463 = arith.minsi %mul3A_461, %min3A_462 : i32
        %add3A_464 = arith.addi %mul3A_2, %min3A_463 : i32
        %add3A_465 = vector.broadcast %add3A_464 : i32 to vector<16xi32>
        %add3A_466 = arith.addi %add3A_465, %iota3A : vector<16xi32>
        %add3A_467 = arith.constant 0 : i32
        %add3A_468 = vector.broadcast %add3A_467 : i32 to vector<16xi32>
        %add3A_469 = arith.addi %add3A_466, %add3A_468 : vector<16xi32>
        %swap3A_470 = arith.constant 0 : index
        %swap3A_471 = tpu.vector_load %arg9[%swap3A_470] {strides = array<i32>} : memref<48xi32, #tpu.memory_space<vmem>>, vector<16xi32>,
        tpu.vector_store %arg9[%swap3A_470], %add3A_469 {strides = array<i32>} : memref<48xi32, #tpu.memory_space<vmem>>, vector<16xi32>,
        %add3A_472 = vector.broadcast %add3A_464 : i32 to vector<16xi32>
        %add3A_473 = arith.addi %add3A_472, %iota3A : vector<16xi32>
        %add3A_474 = arith.constant 16 : i32
        %add3A_475 = vector.broadcast %add3A_474 : i32 to vector<16xi32>
        %add3A_476 = arith.addi %add3A_473, %add3A_475 : vector<16xi32>
        %swap3A_477 = arith.constant 16 : index
        %swap3A_478 = tpu.vector_load %arg9[%swap3A_477] {strides = array<i32>} : memref<48xi32, #tpu.memory_space<vmem>>, vector<16xi32>,
        tpu.vector_store %arg9[%swap3A_477], %add3A_476 {strides = array<i32>} : memref<48xi32, #tpu.memory_space<vmem>>, vector<16xi32>,
        %add3A_479 = vector.broadcast %add3A_464 : i32 to vector<16xi32>
        %add3A_480 = arith.addi %add3A_479, %iota3A : vector<16xi32>
        %add3A_481 = arith.constant 32 : i32
        %add3A_482 = vector.broadcast %add3A_481 : i32 to vector<16xi32>
        %add3A_483 = arith.addi %add3A_480, %add3A_482 : vector<16xi32>
        %swap3A_484 = arith.constant 32 : index
        %swap3A_485 = tpu.vector_load %arg9[%swap3A_484] {strides = array<i32>} : memref<48xi32, #tpu.memory_space<vmem>>, vector<16xi32>,
        tpu.vector_store %arg9[%swap3A_484], %add3A_483 {strides = array<i32>} : memref<48xi32, #tpu.memory_space<vmem>>, vector<16xi32>,
        %dma_start3A_486 = arith.constant 0 : i32
        %dma_start3A_487 = arith.constant 0 : i32
        %dma_start3A_488 = tpu.memref_slice %arg2[%dma_start3A_486, %dma_start3A_487] : memref<100000x16xf32, #tpu.memory_space<hbm>> -> memref<100000x16xf32, #tpu.memory_space<hbm>>
        tpu.enqueue_indirect_dma source(%dma_start3A_488 : memref<100000x16xf32, #tpu.memory_space<hbm>>) target(%arg11 : memref<48x16xf32, #tpu.memory_space<vmem>>) offsets(%arg9 : memref<48xi32, #tpu.memory_space<vmem>>) semaphore(%arg23 : memref<!tpu.dma_semaphore, #tpu.memory_space<semaphore_mem>>)
        %dma_start3A_489 = arith.constant 0 : i32
        %dma_start3A_490 = arith.constant 0 : i32
        %dma_start3A_491 = tpu.memref_slice %arg2[%dma_start3A_489, %dma_start3A_490] : memref<100000x16xf32, #tpu.memory_space<hbm>> -> memref<100000x16xf32, #tpu.memory_space<hbm>>
        tpu.enqueue_indirect_dma source(%dma_start3A_491 : memref<100000x16xf32, #tpu.memory_space<hbm>>) target(%arg13 : memref<768x16xf32, #tpu.memory_space<vmem>>) offsets(%arg7 : memref<768xi32, #tpu.memory_space<vmem>>) semaphore(%arg23 : memref<!tpu.dma_semaphore, #tpu.memory_space<semaphore_mem>>)
      } else {
      }
      %add3A_419 = arith.constant 2 : i32
      %add3A_420 = arith.addi %add3A_405, %add3A_419 : i32
      %lt3A_421 = arith.constant 66 : i32
      %lt3A_422 = arith.cmpi slt, %add3A_420, %lt3A_421 : i32
      %convert_element_type3A_423 = arith.extui %lt3A_422 : i1 to i32
      %cond3A_424 = arith.constant 0 : i32
      %cond3A_425 = arith.cmpi ne, %convert_element_type3A_423, %cond3A_424 : i32
      scf.if %cond3A_425 {
        %add3A_454 = arith.constant 2 : i32
        %add3A_455 = arith.addi %add3A_405, %add3A_454 : i32
        %mul3A_456 = arith.constant 48 : i32
        %mul3A_457 = arith.muli %add3A_455, %mul3A_456 : i32
        %min3A_458 = arith.constant 3077 : i32
        %min3A_459 = arith.minsi %mul3A_457, %min3A_458 : i32
        %add3A_460 = arith.addi %mul3A_2, %min3A_459 : i32
        %mul3A_461 = arith.constant 16 : i32
        %mul3A_462 = arith.muli %add3A_460, %mul3A_461 : i32
        %dma_start3A_463 = tpu.memref_slice %arg3[%mul3A_462] : memref<1600000xi32, #tpu.memory_space<hbm>> -> memref<768xi32, #tpu.memory_space<hbm>>
        %dma_start3A_464 = tpu.memref_slice %arg3[%mul3A_462] : memref<1600000xi32, #tpu.memory_space<hbm>> -> memref<768xi32, #tpu.memory_space<hbm>>
        tpu.enqueue_dma source(%dma_start3A_464 : memref<768xi32, #tpu.memory_space<hbm>>) target(%arg8 : memref<768xi32, #tpu.memory_space<vmem>>) target_semaphore(%arg22 : memref<!tpu.dma_semaphore, #tpu.memory_space<semaphore_mem>>)
      } else {
      }
      %ge3A_426 = arith.constant 2 : i32
      %ge3A_427 = arith.cmpi sge, %add3A_405, %ge3A_426 : i32
      %convert_element_type3A_428 = arith.extui %ge3A_427 : i1 to i32
      %cond3A_429 = arith.constant 0 : i32
      %cond3A_430 = arith.cmpi ne, %convert_element_type3A_428, %cond3A_429 : i32
      scf.if %cond3A_430 {
        %dma_wait3A_454 = arith.constant 0 : i32
        %dma_wait3A_455 = arith.constant 0 : i32
        %dma_wait3A_456 = tpu.memref_slice %arg4[%dma_wait3A_454, %dma_wait3A_455] : memref<100000x768xf32, #tpu.memory_space<hbm>> -> memref<48x768xf32, #tpu.memory_space<hbm>>
        %dma_wait3A_457 = arith.constant 0 : i32
        %dma_wait3A_458 = arith.constant 0 : i32
        %dma_wait3A_459 = tpu.memref_slice %arg4[%dma_wait3A_457, %dma_wait3A_458] : memref<100000x768xf32, #tpu.memory_space<hbm>> -> memref<48x768xf32, #tpu.memory_space<hbm>>
        tpu.wait_dma2 semaphore(%arg26 : memref<!tpu.dma_semaphore, #tpu.memory_space<semaphore_mem>>) src(%arg16 : memref<48x768xf32, #tpu.memory_space<vmem>>) dst(%dma_wait3A_459 : memref<48x768xf32, #tpu.memory_space<hbm>>)
        %dma_wait3A_460 = arith.constant 0 : i32
        %dma_wait3A_461 = arith.constant 0 : i32
        %dma_wait3A_462 = tpu.memref_slice %arg5[%dma_wait3A_460, %dma_wait3A_461] : memref<100000x16xf32, #tpu.memory_space<hbm>> -> memref<48x16xf32, #tpu.memory_space<hbm>>
        %dma_wait3A_463 = arith.constant 0 : i32
        %dma_wait3A_464 = arith.constant 0 : i32
        %dma_wait3A_465 = tpu.memref_slice %arg5[%dma_wait3A_463, %dma_wait3A_464] : memref<100000x16xf32, #tpu.memory_space<hbm>> -> memref<48x16xf32, #tpu.memory_space<hbm>>
        tpu.wait_dma2 semaphore(%arg26 : memref<!tpu.dma_semaphore, #tpu.memory_space<semaphore_mem>>) src(%arg18 : memref<48x16xf32, #tpu.memory_space<vmem>>) dst(%dma_wait3A_465 : memref<48x16xf32, #tpu.memory_space<hbm>>)
        %dma_wait3A_466 = arith.constant 0 : i32
        %dma_wait3A_467 = arith.constant 0 : i32
        %dma_wait3A_468 = tpu.memref_slice %arg6[%dma_wait3A_466, %dma_wait3A_467] : memref<100000x12xf32, #tpu.memory_space<hbm>> -> memref<48x12xf32, #tpu.memory_space<hbm>>
        %dma_wait3A_469 = arith.constant 0 : i32
        %dma_wait3A_470 = arith.constant 0 : i32
        %dma_wait3A_471 = tpu.memref_slice %arg6[%dma_wait3A_469, %dma_wait3A_470] : memref<100000x12xf32, #tpu.memory_space<hbm>> -> memref<48x12xf32, #tpu.memory_space<hbm>>
        tpu.wait_dma2 semaphore(%arg26 : memref<!tpu.dma_semaphore, #tpu.memory_space<semaphore_mem>>) src(%arg20 : memref<48x12xf32, #tpu.memory_space<vmem>>) dst(%dma_wait3A_471 : memref<48x12xf32, #tpu.memory_space<hbm>>)
      } else {
      }
      %scan3A_431 = arith.constant 0 : i32
      %scan3A_432 = arith.constant 0 : i32
      %scan3A_433 = arith.constant 24 : i32
      %scan3A_434 = arith.addi %scan3A_432, %scan3A_433 : i32
      %scan3A_435 = arith.constant 1 : i32
      scf.for %scan3A_454 = %scan3A_432 to %scan3A_434 step %scan3A_435  : i32 {
        %mul3A_455 = arith.constant 2 : i32
        %mul3A_456 = arith.muli %mul3A_455, %scan3A_454 : i32
        %mul3A_457 = arith.constant 16 : i32
        %mul3A_458 = arith.muli %mul3A_456, %mul3A_457 : i32
        %broadcast_in_dim3A_459 = vector.broadcast %mul3A_456 : i32 to vector<16xi32>
        %add3A_460 = vector.broadcast %mul3A_458 : i32 to vector<16xi32>
        %add3A_461 = arith.addi %add3A_460, %iota3A : vector<16xi32>
        %gather3A = tpu.vector_load_idx %arg12[%broadcast_in_dim3A_459, %broadcast_in_dim3A_257] : memref<48x16xf32, #tpu.memory_space<vmem>>[vector<16xi32>, vector<16xi32>], vector<16xf32>,
        %gather3A_462 = tpu.vector_load_idx %arg14[%add3A_461, %broadcast_in_dim3A_257] : memref<768x16xf32, #tpu.memory_space<vmem>>[vector<16xi32>, vector<16xi32>], vector<16xf32>,
        %mul3A_463 = arith.mulf %gather3A, %gather3A_462 : vector<16xf32>
        %swap3A_464 = arith.index_cast %mul3A_456 : i32 to index
        %swap3A_465 = arith.constant 0 : index
        %swap3A_466 = tpu.vector_load %arg18[%swap3A_464, %swap3A_465] {strides = array<i32>} : memref<48x16xf32, #tpu.memory_space<vmem>>, vector<16xf32>,
        tpu.vector_store %arg18[%swap3A_464, %swap3A_465], %mul3A_463 {strides = array<i32>} : memref<48x16xf32, #tpu.memory_space<vmem>>, vector<16xf32>,
        %mul3A_467 = arith.constant 1.000000e-01 : f32
        %mul3A_468 = vector.broadcast %mul3A_467 : f32 to vector<16xf32>
        %mul3A_469 = arith.mulf %mul3A_463, %mul3A_468 : vector<16xf32>
        %gather3A_470 = tpu.vector_load_idx %arg12[%broadcast_in_dim3A_459, %iota3A] : memref<48x16xf32, #tpu.memory_space<vmem>>[vector<16xi32>, vector<16xi32>], vector<16xf32>,
        %mul3A_471 = arith.constant 1.000000e-01 : f32
        %mul3A_472 = vector.broadcast %mul3A_471 : f32 to vector<16xf32>
        %mul3A_473 = arith.mulf %gather3A, %mul3A_472 : vector<16xf32>
        %mul3A_474 = arith.mulf %mul3A_473, %gather3A_470 : vector<16xf32>
        tpu.vector_store_idx %arg20[%broadcast_in_dim3A_459, %iota3A], %mul3A_474 masked %lt3A_263 : memref<48x12xf32, #tpu.memory_space<vmem>>[vector<16xi32>, vector<16xi32>], vector<16xf32>, vector<16xi1>
        %broadcast_in_dim3A_475 = arith.constant 0 : i32
        %broadcast_in_dim3A_476 = vector.broadcast %broadcast_in_dim3A_475 : i32 to vector<16xi32>
        %gather3A_477 = tpu.vector_load_idx %arg14[%add3A_461, %broadcast_in_dim3A_476] : memref<768x16xf32, #tpu.memory_space<vmem>>[vector<16xi32>, vector<16xi32>], vector<16xf32>,
        %mul3A_478 = arith.mulf %mul3A_469, %gather3A_477 : vector<16xf32>
        %broadcast_in_dim3A_479 = arith.constant 1 : i32
        %broadcast_in_dim3A_480 = vector.broadcast %broadcast_in_dim3A_479 : i32 to vector<16xi32>
        %gather3A_481 = tpu.vector_load_idx %arg14[%add3A_461, %broadcast_in_dim3A_480] : memref<768x16xf32, #tpu.memory_space<vmem>>[vector<16xi32>, vector<16xi32>], vector<16xf32>,
        %mul3A_482 = arith.mulf %mul3A_469, %gather3A_481 : vector<16xf32>
        %broadcast_in_dim3A_483 = arith.constant 2 : i32
        %broadcast_in_dim3A_484 = vector.broadcast %broadcast_in_dim3A_483 : i32 to vector<16xi32>
        %gather3A_485 = tpu.vector_load_idx %arg14[%add3A_461, %broadcast_in_dim3A_484] : memref<768x16xf32, #tpu.memory_space<vmem>>[vector<16xi32>, vector<16xi32>], vector<16xf32>,
        %mul3A_486 = arith.mulf %mul3A_469, %gather3A_485 : vector<16xf32>
        %broadcast_in_dim3A_487 = arith.constant 3 : i32
        %broadcast_in_dim3A_488 = vector.broadcast %broadcast_in_dim3A_487 : i32 to vector<16xi32>
        %gather3A_489 = tpu.vector_load_idx %arg14[%add3A_461, %broadcast_in_dim3A_488] : memref<768x16xf32, #tpu.memory_space<vmem>>[vector<16xi32>, vector<16xi32>], vector<16xf32>,
        %mul3A_490 = arith.mulf %mul3A_469, %gather3A_489 : vector<16xf32>
        %broadcast_in_dim3A_491 = arith.constant 4 : i32
        %broadcast_in_dim3A_492 = vector.broadcast %broadcast_in_dim3A_491 : i32 to vector<16xi32>
        %gather3A_493 = tpu.vector_load_idx %arg14[%add3A_461, %broadcast_in_dim3A_492] : memref<768x16xf32, #tpu.memory_space<vmem>>[vector<16xi32>, vector<16xi32>], vector<16xf32>,
        %mul3A_494 = arith.mulf %mul3A_469, %gather3A_493 : vector<16xf32>
        %broadcast_in_dim3A_495 = arith.constant 5 : i32
        %broadcast_in_dim3A_496 = vector.broadcast %broadcast_in_dim3A_495 : i32 to vector<16xi32>
        %gather3A_497 = tpu.vector_load_idx %arg14[%add3A_461, %broadcast_in_dim3A_496] : memref<768x16xf32, #tpu.memory_space<vmem>>[vector<16xi32>, vector<16xi32>], vector<16xf32>,
        %mul3A_498 = arith.mulf %mul3A_469, %gather3A_497 : vector<16xf32>
        %broadcast_in_dim3A_499 = arith.constant 6 : i32
        %broadcast_in_dim3A_500 = vector.broadcast %broadcast_in_dim3A_499 : i32 to vector<16xi32>
        %gather3A_501 = tpu.vector_load_idx %arg14[%add3A_461, %broadcast_in_dim3A_500] : memref<768x16xf32, #tpu.memory_space<vmem>>[vector<16xi32>, vector<16xi32>], vector<16xf32>,
        %mul3A_502 = arith.mulf %mul3A_469, %gather3A_501 : vector<16xf32>
        %broadcast_in_dim3A_503 = arith.constant 7 : i32
        %broadcast_in_dim3A_504 = vector.broadcast %broadcast_in_dim3A_503 : i32 to vector<16xi32>
        %gather3A_505 = tpu.vector_load_idx %arg14[%add3A_461, %broadcast_in_dim3A_504] : memref<768x16xf32, #tpu.memory_space<vmem>>[vector<16xi32>, vector<16xi32>], vector<16xf32>,
        %mul3A_506 = arith.mulf %mul3A_469, %gather3A_505 : vector<16xf32>
        %broadcast_in_dim3A_507 = arith.constant 8 : i32
        %broadcast_in_dim3A_508 = vector.broadcast %broadcast_in_dim3A_507 : i32 to vector<16xi32>
        %gather3A_509 = tpu.vector_load_idx %arg14[%add3A_461, %broadcast_in_dim3A_508] : memref<768x16xf32, #tpu.memory_space<vmem>>[vector<16xi32>, vector<16xi32>], vector<16xf32>,
        %mul3A_510 = arith.mulf %mul3A_469, %gather3A_509 : vector<16xf32>
        %broadcast_in_dim3A_511 = arith.constant 9 : i32
        %broadcast_in_dim3A_512 = vector.broadcast %broadcast_in_dim3A_511 : i32 to vector<16xi32>
        %gather3A_513 = tpu.vector_load_idx %arg14[%add3A_461, %broadcast_in_dim3A_512] : memref<768x16xf32, #tpu.memory_space<vmem>>[vector<16xi32>, vector<16xi32>], vector<16xf32>,
        %mul3A_514 = arith.mulf %mul3A_469, %gather3A_513 : vector<16xf32>
        %broadcast_in_dim3A_515 = arith.constant 10 : i32
        %broadcast_in_dim3A_516 = vector.broadcast %broadcast_in_dim3A_515 : i32 to vector<16xi32>
        %gather3A_517 = tpu.vector_load_idx %arg14[%add3A_461, %broadcast_in_dim3A_516] : memref<768x16xf32, #tpu.memory_space<vmem>>[vector<16xi32>, vector<16xi32>], vector<16xf32>,
        %mul3A_518 = arith.mulf %mul3A_469, %gather3A_517 : vector<16xf32>
        %broadcast_in_dim3A_519 = arith.constant 11 : i32
        %broadcast_in_dim3A_520 = vector.broadcast %broadcast_in_dim3A_519 : i32 to vector<16xi32>
        %gather3A_521 = tpu.vector_load_idx %arg14[%add3A_461, %broadcast_in_dim3A_520] : memref<768x16xf32, #tpu.memory_space<vmem>>[vector<16xi32>, vector<16xi32>], vector<16xf32>,
        %mul3A_522 = arith.mulf %mul3A_469, %gather3A_521 : vector<16xf32>
        %broadcast_in_dim3A_523 = arith.constant 0 : i32
        %broadcast_in_dim3A_524 = vector.broadcast %broadcast_in_dim3A_523 : i32 to vector<16xi32>
        %gather3A_525 = tpu.vector_load_idx %arg12[%broadcast_in_dim3A_459, %broadcast_in_dim3A_524] : memref<48x16xf32, #tpu.memory_space<vmem>>[vector<16xi32>, vector<16xi32>], vector<16xf32>,
        %mul3A_526 = arith.mulf %mul3A_469, %gather3A_525 : vector<16xf32>
        %broadcast_in_dim3A_527 = arith.constant 1 : i32
        %broadcast_in_dim3A_528 = vector.broadcast %broadcast_in_dim3A_527 : i32 to vector<16xi32>
        %gather3A_529 = tpu.vector_load_idx %arg12[%broadcast_in_dim3A_459, %broadcast_in_dim3A_528] : memref<48x16xf32, #tpu.memory_space<vmem>>[vector<16xi32>, vector<16xi32>], vector<16xf32>,
        %mul3A_530 = arith.mulf %mul3A_469, %gather3A_529 : vector<16xf32>
        %broadcast_in_dim3A_531 = arith.constant 2 : i32
        %broadcast_in_dim3A_532 = vector.broadcast %broadcast_in_dim3A_531 : i32 to vector<16xi32>
        %gather3A_533 = tpu.vector_load_idx %arg12[%broadcast_in_dim3A_459, %broadcast_in_dim3A_532] : memref<48x16xf32, #tpu.memory_space<vmem>>[vector<16xi32>, vector<16xi32>], vector<16xf32>,
        %mul3A_534 = arith.mulf %mul3A_469, %gather3A_533 : vector<16xf32>
        %broadcast_in_dim3A_535 = arith.constant 3 : i32
        %broadcast_in_dim3A_536 = vector.broadcast %broadcast_in_dim3A_535 : i32 to vector<16xi32>
        %gather3A_537 = tpu.vector_load_idx %arg12[%broadcast_in_dim3A_459, %broadcast_in_dim3A_536] : memref<48x16xf32, #tpu.memory_space<vmem>>[vector<16xi32>, vector<16xi32>], vector<16xf32>,
        %mul3A_538 = arith.mulf %mul3A_469, %gather3A_537 : vector<16xf32>
        %broadcast_in_dim3A_539 = arith.constant 4 : i32
        %broadcast_in_dim3A_540 = vector.broadcast %broadcast_in_dim3A_539 : i32 to vector<16xi32>
        %gather3A_541 = tpu.vector_load_idx %arg12[%broadcast_in_dim3A_459, %broadcast_in_dim3A_540] : memref<48x16xf32, #tpu.memory_space<vmem>>[vector<16xi32>, vector<16xi32>], vector<16xf32>,
        %mul3A_542 = arith.mulf %mul3A_469, %gather3A_541 : vector<16xf32>
        %broadcast_in_dim3A_543 = arith.constant 5 : i32
        %broadcast_in_dim3A_544 = vector.broadcast %broadcast_in_dim3A_543 : i32 to vector<16xi32>
        %gather3A_545 = tpu.vector_load_idx %arg12[%broadcast_in_dim3A_459, %broadcast_in_dim3A_544] : memref<48x16xf32, #tpu.memory_space<vmem>>[vector<16xi32>, vector<16xi32>], vector<16xf32>,
        %mul3A_546 = arith.mulf %mul3A_469, %gather3A_545 : vector<16xf32>
        %broadcast_in_dim3A_547 = arith.constant 6 : i32
        %broadcast_in_dim3A_548 = vector.broadcast %broadcast_in_dim3A_547 : i32 to vector<16xi32>
        %gather3A_549 = tpu.vector_load_idx %arg12[%broadcast_in_dim3A_459, %broadcast_in_dim3A_548] : memref<48x16xf32, #tpu.memory_space<vmem>>[vector<16xi32>, vector<16xi32>], vector<16xf32>,
        %mul3A_550 = arith.mulf %mul3A_469, %gather3A_549 : vector<16xf32>
        %broadcast_in_dim3A_551 = arith.constant 7 : i32
        %broadcast_in_dim3A_552 = vector.broadcast %broadcast_in_dim3A_551 : i32 to vector<16xi32>
        %gather3A_553 = tpu.vector_load_idx %arg12[%broadcast_in_dim3A_459, %broadcast_in_dim3A_552] : memref<48x16xf32, #tpu.memory_space<vmem>>[vector<16xi32>, vector<16xi32>], vector<16xf32>,
        %mul3A_554 = arith.mulf %mul3A_469, %gather3A_553 : vector<16xf32>
        %broadcast_in_dim3A_555 = arith.constant 8 : i32
        %broadcast_in_dim3A_556 = vector.broadcast %broadcast_in_dim3A_555 : i32 to vector<16xi32>
        %gather3A_557 = tpu.vector_load_idx %arg12[%broadcast_in_dim3A_459, %broadcast_in_dim3A_556] : memref<48x16xf32, #tpu.memory_space<vmem>>[vector<16xi32>, vector<16xi32>], vector<16xf32>,
        %mul3A_558 = arith.mulf %mul3A_469, %gather3A_557 : vector<16xf32>
        %broadcast_in_dim3A_559 = arith.constant 9 : i32
        %broadcast_in_dim3A_560 = vector.broadcast %broadcast_in_dim3A_559 : i32 to vector<16xi32>
        %gather3A_561 = tpu.vector_load_idx %arg12[%broadcast_in_dim3A_459, %broadcast_in_dim3A_560] : memref<48x16xf32, #tpu.memory_space<vmem>>[vector<16xi32>, vector<16xi32>], vector<16xf32>,
        %mul3A_562 = arith.mulf %mul3A_469, %gather3A_561 : vector<16xf32>
        %broadcast_in_dim3A_563 = arith.constant 10 : i32
        %broadcast_in_dim3A_564 = vector.broadcast %broadcast_in_dim3A_563 : i32 to vector<16xi32>
        %gather3A_565 = tpu.vector_load_idx %arg12[%broadcast_in_dim3A_459, %broadcast_in_dim3A_564] : memref<48x16xf32, #tpu.memory_space<vmem>>[vector<16xi32>, vector<16xi32>], vector<16xf32>,
        %mul3A_566 = arith.mulf %mul3A_469, %gather3A_565 : vector<16xf32>
        %broadcast_in_dim3A_567 = arith.constant 11 : i32
        %broadcast_in_dim3A_568 = vector.broadcast %broadcast_in_dim3A_567 : i32 to vector<16xi32>
        %gather3A_569 = tpu.vector_load_idx %arg12[%broadcast_in_dim3A_459, %broadcast_in_dim3A_568] : memref<48x16xf32, #tpu.memory_space<vmem>>[vector<16xi32>, vector<16xi32>], vector<16xf32>,
        %mul3A_570 = arith.mulf %mul3A_469, %gather3A_569 : vector<16xf32>
        %sub3A_571 = arith.subf %mul3A_478, %mul3A_526 : vector<16xf32>
        %add3A_572 = arith.constant 0 : i32
        %add3A_573 = vector.broadcast %add3A_572 : i32 to vector<16xi32>
        %add3A_574 = arith.addi %mul3A_260, %add3A_573 : vector<16xi32>
        tpu.vector_store_idx %arg16[%broadcast_in_dim3A_459, %add3A_574], %sub3A_571 : memref<48x768xf32, #tpu.memory_space<vmem>>[vector<16xi32>, vector<16xi32>], vector<16xf32>,
        %sub3A_575 = arith.subf %mul3A_482, %mul3A_530 : vector<16xf32>
        %add3A_576 = arith.constant 1 : i32
        %add3A_577 = vector.broadcast %add3A_576 : i32 to vector<16xi32>
        %add3A_578 = arith.addi %mul3A_260, %add3A_577 : vector<16xi32>
        tpu.vector_store_idx %arg16[%broadcast_in_dim3A_459, %add3A_578], %sub3A_575 : memref<48x768xf32, #tpu.memory_space<vmem>>[vector<16xi32>, vector<16xi32>], vector<16xf32>,
        %sub3A_579 = arith.subf %mul3A_486, %mul3A_534 : vector<16xf32>
        %add3A_580 = arith.constant 2 : i32
        %add3A_581 = vector.broadcast %add3A_580 : i32 to vector<16xi32>
        %add3A_582 = arith.addi %mul3A_260, %add3A_581 : vector<16xi32>
        tpu.vector_store_idx %arg16[%broadcast_in_dim3A_459, %add3A_582], %sub3A_579 : memref<48x768xf32, #tpu.memory_space<vmem>>[vector<16xi32>, vector<16xi32>], vector<16xf32>,
        %sub3A_583 = arith.subf %mul3A_490, %mul3A_526 : vector<16xf32>
        %add3A_584 = arith.constant 3 : i32
        %add3A_585 = vector.broadcast %add3A_584 : i32 to vector<16xi32>
        %add3A_586 = arith.addi %mul3A_260, %add3A_585 : vector<16xi32>
        tpu.vector_store_idx %arg16[%broadcast_in_dim3A_459, %add3A_586], %sub3A_583 : memref<48x768xf32, #tpu.memory_space<vmem>>[vector<16xi32>, vector<16xi32>], vector<16xf32>,
        %sub3A_587 = arith.subf %mul3A_494, %mul3A_530 : vector<16xf32>
        %add3A_588 = arith.constant 4 : i32
        %add3A_589 = vector.broadcast %add3A_588 : i32 to vector<16xi32>
        %add3A_590 = arith.addi %mul3A_260, %add3A_589 : vector<16xi32>
        tpu.vector_store_idx %arg16[%broadcast_in_dim3A_459, %add3A_590], %sub3A_587 : memref<48x768xf32, #tpu.memory_space<vmem>>[vector<16xi32>, vector<16xi32>], vector<16xf32>,
        %sub3A_591 = arith.subf %mul3A_498, %mul3A_534 : vector<16xf32>
        %add3A_592 = arith.constant 5 : i32
        %add3A_593 = vector.broadcast %add3A_592 : i32 to vector<16xi32>
        %add3A_594 = arith.addi %mul3A_260, %add3A_593 : vector<16xi32>
        tpu.vector_store_idx %arg16[%broadcast_in_dim3A_459, %add3A_594], %sub3A_591 : memref<48x768xf32, #tpu.memory_space<vmem>>[vector<16xi32>, vector<16xi32>], vector<16xf32>,
        %sub3A_595 = arith.subf %mul3A_502, %mul3A_526 : vector<16xf32>
        %add3A_596 = arith.constant 6 : i32
        %add3A_597 = vector.broadcast %add3A_596 : i32 to vector<16xi32>
        %add3A_598 = arith.addi %mul3A_260, %add3A_597 : vector<16xi32>
        tpu.vector_store_idx %arg16[%broadcast_in_dim3A_459, %add3A_598], %sub3A_595 : memref<48x768xf32, #tpu.memory_space<vmem>>[vector<16xi32>, vector<16xi32>], vector<16xf32>,
        %sub3A_599 = arith.subf %mul3A_506, %mul3A_530 : vector<16xf32>
        %add3A_600 = arith.constant 7 : i32
        %add3A_601 = vector.broadcast %add3A_600 : i32 to vector<16xi32>
        %add3A_602 = arith.addi %mul3A_260, %add3A_601 : vector<16xi32>
        tpu.vector_store_idx %arg16[%broadcast_in_dim3A_459, %add3A_602], %sub3A_599 : memref<48x768xf32, #tpu.memory_space<vmem>>[vector<16xi32>, vector<16xi32>], vector<16xf32>,
        %sub3A_603 = arith.subf %mul3A_510, %mul3A_534 : vector<16xf32>
        %add3A_604 = arith.constant 8 : i32
        %add3A_605 = vector.broadcast %add3A_604 : i32 to vector<16xi32>
        %add3A_606 = arith.addi %mul3A_260, %add3A_605 : vector<16xi32>
        tpu.vector_store_idx %arg16[%broadcast_in_dim3A_459, %add3A_606], %sub3A_603 : memref<48x768xf32, #tpu.memory_space<vmem>>[vector<16xi32>, vector<16xi32>], vector<16xf32>,
        %sub3A_607 = arith.subf %mul3A_514, %mul3A_526 : vector<16xf32>
        %add3A_608 = arith.constant 9 : i32
        %add3A_609 = vector.broadcast %add3A_608 : i32 to vector<16xi32>
        %add3A_610 = arith.addi %mul3A_260, %add3A_609 : vector<16xi32>
        tpu.vector_store_idx %arg16[%broadcast_in_dim3A_459, %add3A_610], %sub3A_607 : memref<48x768xf32, #tpu.memory_space<vmem>>[vector<16xi32>, vector<16xi32>], vector<16xf32>,
        %sub3A_611 = arith.subf %mul3A_518, %mul3A_530 : vector<16xf32>
        %add3A_612 = arith.constant 10 : i32
        %add3A_613 = vector.broadcast %add3A_612 : i32 to vector<16xi32>
        %add3A_614 = arith.addi %mul3A_260, %add3A_613 : vector<16xi32>
        tpu.vector_store_idx %arg16[%broadcast_in_dim3A_459, %add3A_614], %sub3A_611 : memref<48x768xf32, #tpu.memory_space<vmem>>[vector<16xi32>, vector<16xi32>], vector<16xf32>,
        %sub3A_615 = arith.subf %mul3A_522, %mul3A_534 : vector<16xf32>
        %add3A_616 = arith.constant 11 : i32
        %add3A_617 = vector.broadcast %add3A_616 : i32 to vector<16xi32>
        %add3A_618 = arith.addi %mul3A_260, %add3A_617 : vector<16xi32>
        tpu.vector_store_idx %arg16[%broadcast_in_dim3A_459, %add3A_618], %sub3A_615 : memref<48x768xf32, #tpu.memory_space<vmem>>[vector<16xi32>, vector<16xi32>], vector<16xf32>,
        %sub3A_619 = arith.subf %mul3A_478, %mul3A_538 : vector<16xf32>
        %add3A_620 = arith.constant 12 : i32
        %add3A_621 = vector.broadcast %add3A_620 : i32 to vector<16xi32>
        %add3A_622 = arith.addi %mul3A_260, %add3A_621 : vector<16xi32>
        tpu.vector_store_idx %arg16[%broadcast_in_dim3A_459, %add3A_622], %sub3A_619 : memref<48x768xf32, #tpu.memory_space<vmem>>[vector<16xi32>, vector<16xi32>], vector<16xf32>,
        %sub3A_623 = arith.subf %mul3A_482, %mul3A_542 : vector<16xf32>
        %add3A_624 = arith.constant 13 : i32
        %add3A_625 = vector.broadcast %add3A_624 : i32 to vector<16xi32>
        %add3A_626 = arith.addi %mul3A_260, %add3A_625 : vector<16xi32>
        tpu.vector_store_idx %arg16[%broadcast_in_dim3A_459, %add3A_626], %sub3A_623 : memref<48x768xf32, #tpu.memory_space<vmem>>[vector<16xi32>, vector<16xi32>], vector<16xf32>,
        %sub3A_627 = arith.subf %mul3A_486, %mul3A_546 : vector<16xf32>
        %add3A_628 = arith.constant 14 : i32
        %add3A_629 = vector.broadcast %add3A_628 : i32 to vector<16xi32>
        %add3A_630 = arith.addi %mul3A_260, %add3A_629 : vector<16xi32>
        tpu.vector_store_idx %arg16[%broadcast_in_dim3A_459, %add3A_630], %sub3A_627 : memref<48x768xf32, #tpu.memory_space<vmem>>[vector<16xi32>, vector<16xi32>], vector<16xf32>,
        %sub3A_631 = arith.subf %mul3A_490, %mul3A_538 : vector<16xf32>
        %add3A_632 = arith.constant 15 : i32
        %add3A_633 = vector.broadcast %add3A_632 : i32 to vector<16xi32>
        %add3A_634 = arith.addi %mul3A_260, %add3A_633 : vector<16xi32>
        tpu.vector_store_idx %arg16[%broadcast_in_dim3A_459, %add3A_634], %sub3A_631 : memref<48x768xf32, #tpu.memory_space<vmem>>[vector<16xi32>, vector<16xi32>], vector<16xf32>,
        %sub3A_635 = arith.subf %mul3A_494, %mul3A_542 : vector<16xf32>
        %add3A_636 = arith.constant 16 : i32
        %add3A_637 = vector.broadcast %add3A_636 : i32 to vector<16xi32>
        %add3A_638 = arith.addi %mul3A_260, %add3A_637 : vector<16xi32>
        tpu.vector_store_idx %arg16[%broadcast_in_dim3A_459, %add3A_638], %sub3A_635 : memref<48x768xf32, #tpu.memory_space<vmem>>[vector<16xi32>, vector<16xi32>], vector<16xf32>,
        %sub3A_639 = arith.subf %mul3A_498, %mul3A_546 : vector<16xf32>
        %add3A_640 = arith.constant 17 : i32
        %add3A_641 = vector.broadcast %add3A_640 : i32 to vector<16xi32>
        %add3A_642 = arith.addi %mul3A_260, %add3A_641 : vector<16xi32>
        tpu.vector_store_idx %arg16[%broadcast_in_dim3A_459, %add3A_642], %sub3A_639 : memref<48x768xf32, #tpu.memory_space<vmem>>[vector<16xi32>, vector<16xi32>], vector<16xf32>,
        %sub3A_643 = arith.subf %mul3A_502, %mul3A_538 : vector<16xf32>
        %add3A_644 = arith.constant 18 : i32
        %add3A_645 = vector.broadcast %add3A_644 : i32 to vector<16xi32>
        %add3A_646 = arith.addi %mul3A_260, %add3A_645 : vector<16xi32>
        tpu.vector_store_idx %arg16[%broadcast_in_dim3A_459, %add3A_646], %sub3A_643 : memref<48x768xf32, #tpu.memory_space<vmem>>[vector<16xi32>, vector<16xi32>], vector<16xf32>,
        %sub3A_647 = arith.subf %mul3A_506, %mul3A_542 : vector<16xf32>
        %add3A_648 = arith.constant 19 : i32
        %add3A_649 = vector.broadcast %add3A_648 : i32 to vector<16xi32>
        %add3A_650 = arith.addi %mul3A_260, %add3A_649 : vector<16xi32>
        tpu.vector_store_idx %arg16[%broadcast_in_dim3A_459, %add3A_650], %sub3A_647 : memref<48x768xf32, #tpu.memory_space<vmem>>[vector<16xi32>, vector<16xi32>], vector<16xf32>,
        %sub3A_651 = arith.subf %mul3A_510, %mul3A_546 : vector<16xf32>
        %add3A_652 = arith.constant 20 : i32
        %add3A_653 = vector.broadcast %add3A_652 : i32 to vector<16xi32>
        %add3A_654 = arith.addi %mul3A_260, %add3A_653 : vector<16xi32>
        tpu.vector_store_idx %arg16[%broadcast_in_dim3A_459, %add3A_654], %sub3A_651 : memref<48x768xf32, #tpu.memory_space<vmem>>[vector<16xi32>, vector<16xi32>], vector<16xf32>,
        %sub3A_655 = arith.subf %mul3A_514, %mul3A_538 : vector<16xf32>
        %add3A_656 = arith.constant 21 : i32
        %add3A_657 = vector.broadcast %add3A_656 : i32 to vector<16xi32>
        %add3A_658 = arith.addi %mul3A_260, %add3A_657 : vector<16xi32>
        tpu.vector_store_idx %arg16[%broadcast_in_dim3A_459, %add3A_658], %sub3A_655 : memref<48x768xf32, #tpu.memory_space<vmem>>[vector<16xi32>, vector<16xi32>], vector<16xf32>,
        %sub3A_659 = arith.subf %mul3A_518, %mul3A_542 : vector<16xf32>
        %add3A_660 = arith.constant 22 : i32
        %add3A_661 = vector.broadcast %add3A_660 : i32 to vector<16xi32>
        %add3A_662 = arith.addi %mul3A_260, %add3A_661 : vector<16xi32>
        tpu.vector_store_idx %arg16[%broadcast_in_dim3A_459, %add3A_662], %sub3A_659 : memref<48x768xf32, #tpu.memory_space<vmem>>[vector<16xi32>, vector<16xi32>], vector<16xf32>,
        %sub3A_663 = arith.subf %mul3A_522, %mul3A_546 : vector<16xf32>
        %add3A_664 = arith.constant 23 : i32
        %add3A_665 = vector.broadcast %add3A_664 : i32 to vector<16xi32>
        %add3A_666 = arith.addi %mul3A_260, %add3A_665 : vector<16xi32>
        tpu.vector_store_idx %arg16[%broadcast_in_dim3A_459, %add3A_666], %sub3A_663 : memref<48x768xf32, #tpu.memory_space<vmem>>[vector<16xi32>, vector<16xi32>], vector<16xf32>,
        %sub3A_667 = arith.subf %mul3A_478, %mul3A_550 : vector<16xf32>
        %add3A_668 = arith.constant 24 : i32
        %add3A_669 = vector.broadcast %add3A_668 : i32 to vector<16xi32>
        %add3A_670 = arith.addi %mul3A_260, %add3A_669 : vector<16xi32>
        tpu.vector_store_idx %arg16[%broadcast_in_dim3A_459, %add3A_670], %sub3A_667 : memref<48x768xf32, #tpu.memory_space<vmem>>[vector<16xi32>, vector<16xi32>], vector<16xf32>,
        %sub3A_671 = arith.subf %mul3A_482, %mul3A_554 : vector<16xf32>
        %add3A_672 = arith.constant 25 : i32
        %add3A_673 = vector.broadcast %add3A_672 : i32 to vector<16xi32>
        %add3A_674 = arith.addi %mul3A_260, %add3A_673 : vector<16xi32>
        tpu.vector_store_idx %arg16[%broadcast_in_dim3A_459, %add3A_674], %sub3A_671 : memref<48x768xf32, #tpu.memory_space<vmem>>[vector<16xi32>, vector<16xi32>], vector<16xf32>,
        %sub3A_675 = arith.subf %mul3A_486, %mul3A_558 : vector<16xf32>
        %add3A_676 = arith.constant 26 : i32
        %add3A_677 = vector.broadcast %add3A_676 : i32 to vector<16xi32>
        %add3A_678 = arith.addi %mul3A_260, %add3A_677 : vector<16xi32>
        tpu.vector_store_idx %arg16[%broadcast_in_dim3A_459, %add3A_678], %sub3A_675 : memref<48x768xf32, #tpu.memory_space<vmem>>[vector<16xi32>, vector<16xi32>], vector<16xf32>,
        %sub3A_679 = arith.subf %mul3A_490, %mul3A_550 : vector<16xf32>
        %add3A_680 = arith.constant 27 : i32
        %add3A_681 = vector.broadcast %add3A_680 : i32 to vector<16xi32>
        %add3A_682 = arith.addi %mul3A_260, %add3A_681 : vector<16xi32>
        tpu.vector_store_idx %arg16[%broadcast_in_dim3A_459, %add3A_682], %sub3A_679 : memref<48x768xf32, #tpu.memory_space<vmem>>[vector<16xi32>, vector<16xi32>], vector<16xf32>,
        %sub3A_683 = arith.subf %mul3A_494, %mul3A_554 : vector<16xf32>
        %add3A_684 = arith.constant 28 : i32
        %add3A_685 = vector.broadcast %add3A_684 : i32 to vector<16xi32>
        %add3A_686 = arith.addi %mul3A_260, %add3A_685 : vector<16xi32>
        tpu.vector_store_idx %arg16[%broadcast_in_dim3A_459, %add3A_686], %sub3A_683 : memref<48x768xf32, #tpu.memory_space<vmem>>[vector<16xi32>, vector<16xi32>], vector<16xf32>,
        %sub3A_687 = arith.subf %mul3A_498, %mul3A_558 : vector<16xf32>
        %add3A_688 = arith.constant 29 : i32
        %add3A_689 = vector.broadcast %add3A_688 : i32 to vector<16xi32>
        %add3A_690 = arith.addi %mul3A_260, %add3A_689 : vector<16xi32>
        tpu.vector_store_idx %arg16[%broadcast_in_dim3A_459, %add3A_690], %sub3A_687 : memref<48x768xf32, #tpu.memory_space<vmem>>[vector<16xi32>, vector<16xi32>], vector<16xf32>,
        %sub3A_691 = arith.subf %mul3A_502, %mul3A_550 : vector<16xf32>
        %add3A_692 = arith.constant 30 : i32
        %add3A_693 = vector.broadcast %add3A_692 : i32 to vector<16xi32>
        %add3A_694 = arith.addi %mul3A_260, %add3A_693 : vector<16xi32>
        tpu.vector_store_idx %arg16[%broadcast_in_dim3A_459, %add3A_694], %sub3A_691 : memref<48x768xf32, #tpu.memory_space<vmem>>[vector<16xi32>, vector<16xi32>], vector<16xf32>,
        %sub3A_695 = arith.subf %mul3A_506, %mul3A_554 : vector<16xf32>
        %add3A_696 = arith.constant 31 : i32
        %add3A_697 = vector.broadcast %add3A_696 : i32 to vector<16xi32>
        %add3A_698 = arith.addi %mul3A_260, %add3A_697 : vector<16xi32>
        tpu.vector_store_idx %arg16[%broadcast_in_dim3A_459, %add3A_698], %sub3A_695 : memref<48x768xf32, #tpu.memory_space<vmem>>[vector<16xi32>, vector<16xi32>], vector<16xf32>,
        %sub3A_699 = arith.subf %mul3A_510, %mul3A_558 : vector<16xf32>
        %add3A_700 = arith.constant 32 : i32
        %add3A_701 = vector.broadcast %add3A_700 : i32 to vector<16xi32>
        %add3A_702 = arith.addi %mul3A_260, %add3A_701 : vector<16xi32>
        tpu.vector_store_idx %arg16[%broadcast_in_dim3A_459, %add3A_702], %sub3A_699 : memref<48x768xf32, #tpu.memory_space<vmem>>[vector<16xi32>, vector<16xi32>], vector<16xf32>,
        %sub3A_703 = arith.subf %mul3A_514, %mul3A_550 : vector<16xf32>
        %add3A_704 = arith.constant 33 : i32
        %add3A_705 = vector.broadcast %add3A_704 : i32 to vector<16xi32>
        %add3A_706 = arith.addi %mul3A_260, %add3A_705 : vector<16xi32>
        tpu.vector_store_idx %arg16[%broadcast_in_dim3A_459, %add3A_706], %sub3A_703 : memref<48x768xf32, #tpu.memory_space<vmem>>[vector<16xi32>, vector<16xi32>], vector<16xf32>,
        %sub3A_707 = arith.subf %mul3A_518, %mul3A_554 : vector<16xf32>
        %add3A_708 = arith.constant 34 : i32
        %add3A_709 = vector.broadcast %add3A_708 : i32 to vector<16xi32>
        %add3A_710 = arith.addi %mul3A_260, %add3A_709 : vector<16xi32>
        tpu.vector_store_idx %arg16[%broadcast_in_dim3A_459, %add3A_710], %sub3A_707 : memref<48x768xf32, #tpu.memory_space<vmem>>[vector<16xi32>, vector<16xi32>], vector<16xf32>,
        %sub3A_711 = arith.subf %mul3A_522, %mul3A_558 : vector<16xf32>
        %add3A_712 = arith.constant 35 : i32
        %add3A_713 = vector.broadcast %add3A_712 : i32 to vector<16xi32>
        %add3A_714 = arith.addi %mul3A_260, %add3A_713 : vector<16xi32>
        tpu.vector_store_idx %arg16[%broadcast_in_dim3A_459, %add3A_714], %sub3A_711 : memref<48x768xf32, #tpu.memory_space<vmem>>[vector<16xi32>, vector<16xi32>], vector<16xf32>,
        %sub3A_715 = arith.subf %mul3A_478, %mul3A_562 : vector<16xf32>
        %add3A_716 = arith.constant 36 : i32
        %add3A_717 = vector.broadcast %add3A_716 : i32 to vector<16xi32>
        %add3A_718 = arith.addi %mul3A_260, %add3A_717 : vector<16xi32>
        tpu.vector_store_idx %arg16[%broadcast_in_dim3A_459, %add3A_718], %sub3A_715 : memref<48x768xf32, #tpu.memory_space<vmem>>[vector<16xi32>, vector<16xi32>], vector<16xf32>,
        %sub3A_719 = arith.subf %mul3A_482, %mul3A_566 : vector<16xf32>
        %add3A_720 = arith.constant 37 : i32
        %add3A_721 = vector.broadcast %add3A_720 : i32 to vector<16xi32>
        %add3A_722 = arith.addi %mul3A_260, %add3A_721 : vector<16xi32>
        tpu.vector_store_idx %arg16[%broadcast_in_dim3A_459, %add3A_722], %sub3A_719 : memref<48x768xf32, #tpu.memory_space<vmem>>[vector<16xi32>, vector<16xi32>], vector<16xf32>,
        %sub3A_723 = arith.subf %mul3A_486, %mul3A_570 : vector<16xf32>
        %add3A_724 = arith.constant 38 : i32
        %add3A_725 = vector.broadcast %add3A_724 : i32 to vector<16xi32>
        %add3A_726 = arith.addi %mul3A_260, %add3A_725 : vector<16xi32>
        tpu.vector_store_idx %arg16[%broadcast_in_dim3A_459, %add3A_726], %sub3A_723 : memref<48x768xf32, #tpu.memory_space<vmem>>[vector<16xi32>, vector<16xi32>], vector<16xf32>,
        %sub3A_727 = arith.subf %mul3A_490, %mul3A_562 : vector<16xf32>
        %add3A_728 = arith.constant 39 : i32
        %add3A_729 = vector.broadcast %add3A_728 : i32 to vector<16xi32>
        %add3A_730 = arith.addi %mul3A_260, %add3A_729 : vector<16xi32>
        tpu.vector_store_idx %arg16[%broadcast_in_dim3A_459, %add3A_730], %sub3A_727 : memref<48x768xf32, #tpu.memory_space<vmem>>[vector<16xi32>, vector<16xi32>], vector<16xf32>,
        %sub3A_731 = arith.subf %mul3A_494, %mul3A_566 : vector<16xf32>
        %add3A_732 = arith.constant 40 : i32
        %add3A_733 = vector.broadcast %add3A_732 : i32 to vector<16xi32>
        %add3A_734 = arith.addi %mul3A_260, %add3A_733 : vector<16xi32>
        tpu.vector_store_idx %arg16[%broadcast_in_dim3A_459, %add3A_734], %sub3A_731 : memref<48x768xf32, #tpu.memory_space<vmem>>[vector<16xi32>, vector<16xi32>], vector<16xf32>,
        %sub3A_735 = arith.subf %mul3A_498, %mul3A_570 : vector<16xf32>
        %add3A_736 = arith.constant 41 : i32
        %add3A_737 = vector.broadcast %add3A_736 : i32 to vector<16xi32>
        %add3A_738 = arith.addi %mul3A_260, %add3A_737 : vector<16xi32>
        tpu.vector_store_idx %arg16[%broadcast_in_dim3A_459, %add3A_738], %sub3A_735 : memref<48x768xf32, #tpu.memory_space<vmem>>[vector<16xi32>, vector<16xi32>], vector<16xf32>,
        %sub3A_739 = arith.subf %mul3A_502, %mul3A_562 : vector<16xf32>
        %add3A_740 = arith.constant 42 : i32
        %add3A_741 = vector.broadcast %add3A_740 : i32 to vector<16xi32>
        %add3A_742 = arith.addi %mul3A_260, %add3A_741 : vector<16xi32>
        tpu.vector_store_idx %arg16[%broadcast_in_dim3A_459, %add3A_742], %sub3A_739 : memref<48x768xf32, #tpu.memory_space<vmem>>[vector<16xi32>, vector<16xi32>], vector<16xf32>,
        %sub3A_743 = arith.subf %mul3A_506, %mul3A_566 : vector<16xf32>
        %add3A_744 = arith.constant 43 : i32
        %add3A_745 = vector.broadcast %add3A_744 : i32 to vector<16xi32>
        %add3A_746 = arith.addi %mul3A_260, %add3A_745 : vector<16xi32>
        tpu.vector_store_idx %arg16[%broadcast_in_dim3A_459, %add3A_746], %sub3A_743 : memref<48x768xf32, #tpu.memory_space<vmem>>[vector<16xi32>, vector<16xi32>], vector<16xf32>,
        %sub3A_747 = arith.subf %mul3A_510, %mul3A_570 : vector<16xf32>
        %add3A_748 = arith.constant 44 : i32
        %add3A_749 = vector.broadcast %add3A_748 : i32 to vector<16xi32>
        %add3A_750 = arith.addi %mul3A_260, %add3A_749 : vector<16xi32>
        tpu.vector_store_idx %arg16[%broadcast_in_dim3A_459, %add3A_750], %sub3A_747 : memref<48x768xf32, #tpu.memory_space<vmem>>[vector<16xi32>, vector<16xi32>], vector<16xf32>,
        %sub3A_751 = arith.subf %mul3A_514, %mul3A_562 : vector<16xf32>
        %add3A_752 = arith.constant 45 : i32
        %add3A_753 = vector.broadcast %add3A_752 : i32 to vector<16xi32>
        %add3A_754 = arith.addi %mul3A_260, %add3A_753 : vector<16xi32>
        tpu.vector_store_idx %arg16[%broadcast_in_dim3A_459, %add3A_754], %sub3A_751 : memref<48x768xf32, #tpu.memory_space<vmem>>[vector<16xi32>, vector<16xi32>], vector<16xf32>,
        %sub3A_755 = arith.subf %mul3A_518, %mul3A_566 : vector<16xf32>
        %add3A_756 = arith.constant 46 : i32
        %add3A_757 = vector.broadcast %add3A_756 : i32 to vector<16xi32>
        %add3A_758 = arith.addi %mul3A_260, %add3A_757 : vector<16xi32>
        tpu.vector_store_idx %arg16[%broadcast_in_dim3A_459, %add3A_758], %sub3A_755 : memref<48x768xf32, #tpu.memory_space<vmem>>[vector<16xi32>, vector<16xi32>], vector<16xf32>,
        %sub3A_759 = arith.subf %mul3A_522, %mul3A_570 : vector<16xf32>
        %add3A_760 = arith.constant 47 : i32
        %add3A_761 = vector.broadcast %add3A_760 : i32 to vector<16xi32>
        %add3A_762 = arith.addi %mul3A_260, %add3A_761 : vector<16xi32>
        tpu.vector_store_idx %arg16[%broadcast_in_dim3A_459, %add3A_762], %sub3A_759 : memref<48x768xf32, #tpu.memory_space<vmem>>[vector<16xi32>, vector<16xi32>], vector<16xf32>,
        %mul3A_763 = arith.constant 2 : i32
        %mul3A_764 = arith.muli %mul3A_763, %scan3A_454 : i32
        %add3A_765 = arith.constant 1 : i32
        %add3A_766 = arith.addi %mul3A_764, %add3A_765 : i32
        %mul3A_767 = arith.constant 16 : i32
        %mul3A_768 = arith.muli %add3A_766, %mul3A_767 : i32
        %broadcast_in_dim3A_769 = vector.broadcast %add3A_766 : i32 to vector<16xi32>
        %add3A_770 = vector.broadcast %mul3A_768 : i32 to vector<16xi32>
        %add3A_771 = arith.addi %add3A_770, %iota3A : vector<16xi32>
        %gather3A_772 = tpu.vector_load_idx %arg12[%broadcast_in_dim3A_769, %broadcast_in_dim3A_257] : memref<48x16xf32, #tpu.memory_space<vmem>>[vector<16xi32>, vector<16xi32>], vector<16xf32>,
        %gather3A_773 = tpu.vector_load_idx %arg14[%add3A_771, %broadcast_in_dim3A_257] : memref<768x16xf32, #tpu.memory_space<vmem>>[vector<16xi32>, vector<16xi32>], vector<16xf32>,
        %mul3A_774 = arith.mulf %gather3A_772, %gather3A_773 : vector<16xf32>
        %swap3A_775 = arith.index_cast %add3A_766 : i32 to index
        %swap3A_776 = arith.constant 0 : index
        %swap3A_777 = tpu.vector_load %arg18[%swap3A_775, %swap3A_776] {strides = array<i32>} : memref<48x16xf32, #tpu.memory_space<vmem>>, vector<16xf32>,
        tpu.vector_store %arg18[%swap3A_775, %swap3A_776], %mul3A_774 {strides = array<i32>} : memref<48x16xf32, #tpu.memory_space<vmem>>, vector<16xf32>,
        %mul3A_778 = arith.constant 1.000000e-01 : f32
        %mul3A_779 = vector.broadcast %mul3A_778 : f32 to vector<16xf32>
        %mul3A_780 = arith.mulf %mul3A_774, %mul3A_779 : vector<16xf32>
        %gather3A_781 = tpu.vector_load_idx %arg12[%broadcast_in_dim3A_769, %iota3A] : memref<48x16xf32, #tpu.memory_space<vmem>>[vector<16xi32>, vector<16xi32>], vector<16xf32>,
        %mul3A_782 = arith.constant 1.000000e-01 : f32
        %mul3A_783 = vector.broadcast %mul3A_782 : f32 to vector<16xf32>
        %mul3A_784 = arith.mulf %gather3A_772, %mul3A_783 : vector<16xf32>
        %mul3A_785 = arith.mulf %mul3A_784, %gather3A_781 : vector<16xf32>
        tpu.vector_store_idx %arg20[%broadcast_in_dim3A_769, %iota3A], %mul3A_785 masked %lt3A_263 : memref<48x12xf32, #tpu.memory_space<vmem>>[vector<16xi32>, vector<16xi32>], vector<16xf32>, vector<16xi1>
        %broadcast_in_dim3A_786 = arith.constant 0 : i32
        %broadcast_in_dim3A_787 = vector.broadcast %broadcast_in_dim3A_786 : i32 to vector<16xi32>
        %gather3A_788 = tpu.vector_load_idx %arg14[%add3A_771, %broadcast_in_dim3A_787] : memref<768x16xf32, #tpu.memory_space<vmem>>[vector<16xi32>, vector<16xi32>], vector<16xf32>,
        %mul3A_789 = arith.mulf %mul3A_780, %gather3A_788 : vector<16xf32>
        %broadcast_in_dim3A_790 = arith.constant 1 : i32
        %broadcast_in_dim3A_791 = vector.broadcast %broadcast_in_dim3A_790 : i32 to vector<16xi32>
        %gather3A_792 = tpu.vector_load_idx %arg14[%add3A_771, %broadcast_in_dim3A_791] : memref<768x16xf32, #tpu.memory_space<vmem>>[vector<16xi32>, vector<16xi32>], vector<16xf32>,
        %mul3A_793 = arith.mulf %mul3A_780, %gather3A_792 : vector<16xf32>
        %broadcast_in_dim3A_794 = arith.constant 2 : i32
        %broadcast_in_dim3A_795 = vector.broadcast %broadcast_in_dim3A_794 : i32 to vector<16xi32>
        %gather3A_796 = tpu.vector_load_idx %arg14[%add3A_771, %broadcast_in_dim3A_795] : memref<768x16xf32, #tpu.memory_space<vmem>>[vector<16xi32>, vector<16xi32>], vector<16xf32>,
        %mul3A_797 = arith.mulf %mul3A_780, %gather3A_796 : vector<16xf32>
        %broadcast_in_dim3A_798 = arith.constant 3 : i32
        %broadcast_in_dim3A_799 = vector.broadcast %broadcast_in_dim3A_798 : i32 to vector<16xi32>
        %gather3A_800 = tpu.vector_load_idx %arg14[%add3A_771, %broadcast_in_dim3A_799] : memref<768x16xf32, #tpu.memory_space<vmem>>[vector<16xi32>, vector<16xi32>], vector<16xf32>,
        %mul3A_801 = arith.mulf %mul3A_780, %gather3A_800 : vector<16xf32>
        %broadcast_in_dim3A_802 = arith.constant 4 : i32
        %broadcast_in_dim3A_803 = vector.broadcast %broadcast_in_dim3A_802 : i32 to vector<16xi32>
        %gather3A_804 = tpu.vector_load_idx %arg14[%add3A_771, %broadcast_in_dim3A_803] : memref<768x16xf32, #tpu.memory_space<vmem>>[vector<16xi32>, vector<16xi32>], vector<16xf32>,
        %mul3A_805 = arith.mulf %mul3A_780, %gather3A_804 : vector<16xf32>
        %broadcast_in_dim3A_806 = arith.constant 5 : i32
        %broadcast_in_dim3A_807 = vector.broadcast %broadcast_in_dim3A_806 : i32 to vector<16xi32>
        %gather3A_808 = tpu.vector_load_idx %arg14[%add3A_771, %broadcast_in_dim3A_807] : memref<768x16xf32, #tpu.memory_space<vmem>>[vector<16xi32>, vector<16xi32>], vector<16xf32>,
        %mul3A_809 = arith.mulf %mul3A_780, %gather3A_808 : vector<16xf32>
        %broadcast_in_dim3A_810 = arith.constant 6 : i32
        %broadcast_in_dim3A_811 = vector.broadcast %broadcast_in_dim3A_810 : i32 to vector<16xi32>
        %gather3A_812 = tpu.vector_load_idx %arg14[%add3A_771, %broadcast_in_dim3A_811] : memref<768x16xf32, #tpu.memory_space<vmem>>[vector<16xi32>, vector<16xi32>], vector<16xf32>,
        %mul3A_813 = arith.mulf %mul3A_780, %gather3A_812 : vector<16xf32>
        %broadcast_in_dim3A_814 = arith.constant 7 : i32
        %broadcast_in_dim3A_815 = vector.broadcast %broadcast_in_dim3A_814 : i32 to vector<16xi32>
        %gather3A_816 = tpu.vector_load_idx %arg14[%add3A_771, %broadcast_in_dim3A_815] : memref<768x16xf32, #tpu.memory_space<vmem>>[vector<16xi32>, vector<16xi32>], vector<16xf32>,
        %mul3A_817 = arith.mulf %mul3A_780, %gather3A_816 : vector<16xf32>
        %broadcast_in_dim3A_818 = arith.constant 8 : i32
        %broadcast_in_dim3A_819 = vector.broadcast %broadcast_in_dim3A_818 : i32 to vector<16xi32>
        %gather3A_820 = tpu.vector_load_idx %arg14[%add3A_771, %broadcast_in_dim3A_819] : memref<768x16xf32, #tpu.memory_space<vmem>>[vector<16xi32>, vector<16xi32>], vector<16xf32>,
        %mul3A_821 = arith.mulf %mul3A_780, %gather3A_820 : vector<16xf32>
        %broadcast_in_dim3A_822 = arith.constant 9 : i32
        %broadcast_in_dim3A_823 = vector.broadcast %broadcast_in_dim3A_822 : i32 to vector<16xi32>
        %gather3A_824 = tpu.vector_load_idx %arg14[%add3A_771, %broadcast_in_dim3A_823] : memref<768x16xf32, #tpu.memory_space<vmem>>[vector<16xi32>, vector<16xi32>], vector<16xf32>,
        %mul3A_825 = arith.mulf %mul3A_780, %gather3A_824 : vector<16xf32>
        %broadcast_in_dim3A_826 = arith.constant 10 : i32
        %broadcast_in_dim3A_827 = vector.broadcast %broadcast_in_dim3A_826 : i32 to vector<16xi32>
        %gather3A_828 = tpu.vector_load_idx %arg14[%add3A_771, %broadcast_in_dim3A_827] : memref<768x16xf32, #tpu.memory_space<vmem>>[vector<16xi32>, vector<16xi32>], vector<16xf32>,
        %mul3A_829 = arith.mulf %mul3A_780, %gather3A_828 : vector<16xf32>
        %broadcast_in_dim3A_830 = arith.constant 11 : i32
        %broadcast_in_dim3A_831 = vector.broadcast %broadcast_in_dim3A_830 : i32 to vector<16xi32>
        %gather3A_832 = tpu.vector_load_idx %arg14[%add3A_771, %broadcast_in_dim3A_831] : memref<768x16xf32, #tpu.memory_space<vmem>>[vector<16xi32>, vector<16xi32>], vector<16xf32>,
        %mul3A_833 = arith.mulf %mul3A_780, %gather3A_832 : vector<16xf32>
        %broadcast_in_dim3A_834 = arith.constant 0 : i32
        %broadcast_in_dim3A_835 = vector.broadcast %broadcast_in_dim3A_834 : i32 to vector<16xi32>
        %gather3A_836 = tpu.vector_load_idx %arg12[%broadcast_in_dim3A_769, %broadcast_in_dim3A_835] : memref<48x16xf32, #tpu.memory_space<vmem>>[vector<16xi32>, vector<16xi32>], vector<16xf32>,
        %mul3A_837 = arith.mulf %mul3A_780, %gather3A_836 : vector<16xf32>
        %broadcast_in_dim3A_838 = arith.constant 1 : i32
        %broadcast_in_dim3A_839 = vector.broadcast %broadcast_in_dim3A_838 : i32 to vector<16xi32>
        %gather3A_840 = tpu.vector_load_idx %arg12[%broadcast_in_dim3A_769, %broadcast_in_dim3A_839] : memref<48x16xf32, #tpu.memory_space<vmem>>[vector<16xi32>, vector<16xi32>], vector<16xf32>,
        %mul3A_841 = arith.mulf %mul3A_780, %gather3A_840 : vector<16xf32>
        %broadcast_in_dim3A_842 = arith.constant 2 : i32
        %broadcast_in_dim3A_843 = vector.broadcast %broadcast_in_dim3A_842 : i32 to vector<16xi32>
        %gather3A_844 = tpu.vector_load_idx %arg12[%broadcast_in_dim3A_769, %broadcast_in_dim3A_843] : memref<48x16xf32, #tpu.memory_space<vmem>>[vector<16xi32>, vector<16xi32>], vector<16xf32>,
        %mul3A_845 = arith.mulf %mul3A_780, %gather3A_844 : vector<16xf32>
        %broadcast_in_dim3A_846 = arith.constant 3 : i32
        %broadcast_in_dim3A_847 = vector.broadcast %broadcast_in_dim3A_846 : i32 to vector<16xi32>
        %gather3A_848 = tpu.vector_load_idx %arg12[%broadcast_in_dim3A_769, %broadcast_in_dim3A_847] : memref<48x16xf32, #tpu.memory_space<vmem>>[vector<16xi32>, vector<16xi32>], vector<16xf32>,
        %mul3A_849 = arith.mulf %mul3A_780, %gather3A_848 : vector<16xf32>
        %broadcast_in_dim3A_850 = arith.constant 4 : i32
        %broadcast_in_dim3A_851 = vector.broadcast %broadcast_in_dim3A_850 : i32 to vector<16xi32>
        %gather3A_852 = tpu.vector_load_idx %arg12[%broadcast_in_dim3A_769, %broadcast_in_dim3A_851] : memref<48x16xf32, #tpu.memory_space<vmem>>[vector<16xi32>, vector<16xi32>], vector<16xf32>,
        %mul3A_853 = arith.mulf %mul3A_780, %gather3A_852 : vector<16xf32>
        %broadcast_in_dim3A_854 = arith.constant 5 : i32
        %broadcast_in_dim3A_855 = vector.broadcast %broadcast_in_dim3A_854 : i32 to vector<16xi32>
        %gather3A_856 = tpu.vector_load_idx %arg12[%broadcast_in_dim3A_769, %broadcast_in_dim3A_855] : memref<48x16xf32, #tpu.memory_space<vmem>>[vector<16xi32>, vector<16xi32>], vector<16xf32>,
        %mul3A_857 = arith.mulf %mul3A_780, %gather3A_856 : vector<16xf32>
        %broadcast_in_dim3A_858 = arith.constant 6 : i32
        %broadcast_in_dim3A_859 = vector.broadcast %broadcast_in_dim3A_858 : i32 to vector<16xi32>
        %gather3A_860 = tpu.vector_load_idx %arg12[%broadcast_in_dim3A_769, %broadcast_in_dim3A_859] : memref<48x16xf32, #tpu.memory_space<vmem>>[vector<16xi32>, vector<16xi32>], vector<16xf32>,
        %mul3A_861 = arith.mulf %mul3A_780, %gather3A_860 : vector<16xf32>
        %broadcast_in_dim3A_862 = arith.constant 7 : i32
        %broadcast_in_dim3A_863 = vector.broadcast %broadcast_in_dim3A_862 : i32 to vector<16xi32>
        %gather3A_864 = tpu.vector_load_idx %arg12[%broadcast_in_dim3A_769, %broadcast_in_dim3A_863] : memref<48x16xf32, #tpu.memory_space<vmem>>[vector<16xi32>, vector<16xi32>], vector<16xf32>,
        %mul3A_865 = arith.mulf %mul3A_780, %gather3A_864 : vector<16xf32>
        %broadcast_in_dim3A_866 = arith.constant 8 : i32
        %broadcast_in_dim3A_867 = vector.broadcast %broadcast_in_dim3A_866 : i32 to vector<16xi32>
        %gather3A_868 = tpu.vector_load_idx %arg12[%broadcast_in_dim3A_769, %broadcast_in_dim3A_867] : memref<48x16xf32, #tpu.memory_space<vmem>>[vector<16xi32>, vector<16xi32>], vector<16xf32>,
        %mul3A_869 = arith.mulf %mul3A_780, %gather3A_868 : vector<16xf32>
        %broadcast_in_dim3A_870 = arith.constant 9 : i32
        %broadcast_in_dim3A_871 = vector.broadcast %broadcast_in_dim3A_870 : i32 to vector<16xi32>
        %gather3A_872 = tpu.vector_load_idx %arg12[%broadcast_in_dim3A_769, %broadcast_in_dim3A_871] : memref<48x16xf32, #tpu.memory_space<vmem>>[vector<16xi32>, vector<16xi32>], vector<16xf32>,
        %mul3A_873 = arith.mulf %mul3A_780, %gather3A_872 : vector<16xf32>
        %broadcast_in_dim3A_874 = arith.constant 10 : i32
        %broadcast_in_dim3A_875 = vector.broadcast %broadcast_in_dim3A_874 : i32 to vector<16xi32>
        %gather3A_876 = tpu.vector_load_idx %arg12[%broadcast_in_dim3A_769, %broadcast_in_dim3A_875] : memref<48x16xf32, #tpu.memory_space<vmem>>[vector<16xi32>, vector<16xi32>], vector<16xf32>,
        %mul3A_877 = arith.mulf %mul3A_780, %gather3A_876 : vector<16xf32>
        %broadcast_in_dim3A_878 = arith.constant 11 : i32
        %broadcast_in_dim3A_879 = vector.broadcast %broadcast_in_dim3A_878 : i32 to vector<16xi32>
        %gather3A_880 = tpu.vector_load_idx %arg12[%broadcast_in_dim3A_769, %broadcast_in_dim3A_879] : memref<48x16xf32, #tpu.memory_space<vmem>>[vector<16xi32>, vector<16xi32>], vector<16xf32>,
        %mul3A_881 = arith.mulf %mul3A_780, %gather3A_880 : vector<16xf32>
        %sub3A_882 = arith.subf %mul3A_789, %mul3A_837 : vector<16xf32>
        %add3A_883 = arith.constant 0 : i32
        %add3A_884 = vector.broadcast %add3A_883 : i32 to vector<16xi32>
        %add3A_885 = arith.addi %mul3A_260, %add3A_884 : vector<16xi32>
        tpu.vector_store_idx %arg16[%broadcast_in_dim3A_769, %add3A_885], %sub3A_882 : memref<48x768xf32, #tpu.memory_space<vmem>>[vector<16xi32>, vector<16xi32>], vector<16xf32>,
        %sub3A_886 = arith.subf %mul3A_793, %mul3A_841 : vector<16xf32>
        %add3A_887 = arith.constant 1 : i32
        %add3A_888 = vector.broadcast %add3A_887 : i32 to vector<16xi32>
        %add3A_889 = arith.addi %mul3A_260, %add3A_888 : vector<16xi32>
        tpu.vector_store_idx %arg16[%broadcast_in_dim3A_769, %add3A_889], %sub3A_886 : memref<48x768xf32, #tpu.memory_space<vmem>>[vector<16xi32>, vector<16xi32>], vector<16xf32>,
        %sub3A_890 = arith.subf %mul3A_797, %mul3A_845 : vector<16xf32>
        %add3A_891 = arith.constant 2 : i32
        %add3A_892 = vector.broadcast %add3A_891 : i32 to vector<16xi32>
        %add3A_893 = arith.addi %mul3A_260, %add3A_892 : vector<16xi32>
        tpu.vector_store_idx %arg16[%broadcast_in_dim3A_769, %add3A_893], %sub3A_890 : memref<48x768xf32, #tpu.memory_space<vmem>>[vector<16xi32>, vector<16xi32>], vector<16xf32>,
        %sub3A_894 = arith.subf %mul3A_801, %mul3A_837 : vector<16xf32>
        %add3A_895 = arith.constant 3 : i32
        %add3A_896 = vector.broadcast %add3A_895 : i32 to vector<16xi32>
        %add3A_897 = arith.addi %mul3A_260, %add3A_896 : vector<16xi32>
        tpu.vector_store_idx %arg16[%broadcast_in_dim3A_769, %add3A_897], %sub3A_894 : memref<48x768xf32, #tpu.memory_space<vmem>>[vector<16xi32>, vector<16xi32>], vector<16xf32>,
        %sub3A_898 = arith.subf %mul3A_805, %mul3A_841 : vector<16xf32>
        %add3A_899 = arith.constant 4 : i32
        %add3A_900 = vector.broadcast %add3A_899 : i32 to vector<16xi32>
        %add3A_901 = arith.addi %mul3A_260, %add3A_900 : vector<16xi32>
        tpu.vector_store_idx %arg16[%broadcast_in_dim3A_769, %add3A_901], %sub3A_898 : memref<48x768xf32, #tpu.memory_space<vmem>>[vector<16xi32>, vector<16xi32>], vector<16xf32>,
        %sub3A_902 = arith.subf %mul3A_809, %mul3A_845 : vector<16xf32>
        %add3A_903 = arith.constant 5 : i32
        %add3A_904 = vector.broadcast %add3A_903 : i32 to vector<16xi32>
        %add3A_905 = arith.addi %mul3A_260, %add3A_904 : vector<16xi32>
        tpu.vector_store_idx %arg16[%broadcast_in_dim3A_769, %add3A_905], %sub3A_902 : memref<48x768xf32, #tpu.memory_space<vmem>>[vector<16xi32>, vector<16xi32>], vector<16xf32>,
        %sub3A_906 = arith.subf %mul3A_813, %mul3A_837 : vector<16xf32>
        %add3A_907 = arith.constant 6 : i32
        %add3A_908 = vector.broadcast %add3A_907 : i32 to vector<16xi32>
        %add3A_909 = arith.addi %mul3A_260, %add3A_908 : vector<16xi32>
        tpu.vector_store_idx %arg16[%broadcast_in_dim3A_769, %add3A_909], %sub3A_906 : memref<48x768xf32, #tpu.memory_space<vmem>>[vector<16xi32>, vector<16xi32>], vector<16xf32>,
        %sub3A_910 = arith.subf %mul3A_817, %mul3A_841 : vector<16xf32>
        %add3A_911 = arith.constant 7 : i32
        %add3A_912 = vector.broadcast %add3A_911 : i32 to vector<16xi32>
        %add3A_913 = arith.addi %mul3A_260, %add3A_912 : vector<16xi32>
        tpu.vector_store_idx %arg16[%broadcast_in_dim3A_769, %add3A_913], %sub3A_910 : memref<48x768xf32, #tpu.memory_space<vmem>>[vector<16xi32>, vector<16xi32>], vector<16xf32>,
        %sub3A_914 = arith.subf %mul3A_821, %mul3A_845 : vector<16xf32>
        %add3A_915 = arith.constant 8 : i32
        %add3A_916 = vector.broadcast %add3A_915 : i32 to vector<16xi32>
        %add3A_917 = arith.addi %mul3A_260, %add3A_916 : vector<16xi32>
        tpu.vector_store_idx %arg16[%broadcast_in_dim3A_769, %add3A_917], %sub3A_914 : memref<48x768xf32, #tpu.memory_space<vmem>>[vector<16xi32>, vector<16xi32>], vector<16xf32>,
        %sub3A_918 = arith.subf %mul3A_825, %mul3A_837 : vector<16xf32>
        %add3A_919 = arith.constant 9 : i32
        %add3A_920 = vector.broadcast %add3A_919 : i32 to vector<16xi32>
        %add3A_921 = arith.addi %mul3A_260, %add3A_920 : vector<16xi32>
        tpu.vector_store_idx %arg16[%broadcast_in_dim3A_769, %add3A_921], %sub3A_918 : memref<48x768xf32, #tpu.memory_space<vmem>>[vector<16xi32>, vector<16xi32>], vector<16xf32>,
        %sub3A_922 = arith.subf %mul3A_829, %mul3A_841 : vector<16xf32>
        %add3A_923 = arith.constant 10 : i32
        %add3A_924 = vector.broadcast %add3A_923 : i32 to vector<16xi32>
        %add3A_925 = arith.addi %mul3A_260, %add3A_924 : vector<16xi32>
        tpu.vector_store_idx %arg16[%broadcast_in_dim3A_769, %add3A_925], %sub3A_922 : memref<48x768xf32, #tpu.memory_space<vmem>>[vector<16xi32>, vector<16xi32>], vector<16xf32>,
        %sub3A_926 = arith.subf %mul3A_833, %mul3A_845 : vector<16xf32>
        %add3A_927 = arith.constant 11 : i32
        %add3A_928 = vector.broadcast %add3A_927 : i32 to vector<16xi32>
        %add3A_929 = arith.addi %mul3A_260, %add3A_928 : vector<16xi32>
        tpu.vector_store_idx %arg16[%broadcast_in_dim3A_769, %add3A_929], %sub3A_926 : memref<48x768xf32, #tpu.memory_space<vmem>>[vector<16xi32>, vector<16xi32>], vector<16xf32>,
        %sub3A_930 = arith.subf %mul3A_789, %mul3A_849 : vector<16xf32>
        %add3A_931 = arith.constant 12 : i32
        %add3A_932 = vector.broadcast %add3A_931 : i32 to vector<16xi32>
        %add3A_933 = arith.addi %mul3A_260, %add3A_932 : vector<16xi32>
        tpu.vector_store_idx %arg16[%broadcast_in_dim3A_769, %add3A_933], %sub3A_930 : memref<48x768xf32, #tpu.memory_space<vmem>>[vector<16xi32>, vector<16xi32>], vector<16xf32>,
        %sub3A_934 = arith.subf %mul3A_793, %mul3A_853 : vector<16xf32>
        %add3A_935 = arith.constant 13 : i32
        %add3A_936 = vector.broadcast %add3A_935 : i32 to vector<16xi32>
        %add3A_937 = arith.addi %mul3A_260, %add3A_936 : vector<16xi32>
        tpu.vector_store_idx %arg16[%broadcast_in_dim3A_769, %add3A_937], %sub3A_934 : memref<48x768xf32, #tpu.memory_space<vmem>>[vector<16xi32>, vector<16xi32>], vector<16xf32>,
        %sub3A_938 = arith.subf %mul3A_797, %mul3A_857 : vector<16xf32>
        %add3A_939 = arith.constant 14 : i32
        %add3A_940 = vector.broadcast %add3A_939 : i32 to vector<16xi32>
        %add3A_941 = arith.addi %mul3A_260, %add3A_940 : vector<16xi32>
        tpu.vector_store_idx %arg16[%broadcast_in_dim3A_769, %add3A_941], %sub3A_938 : memref<48x768xf32, #tpu.memory_space<vmem>>[vector<16xi32>, vector<16xi32>], vector<16xf32>,
        %sub3A_942 = arith.subf %mul3A_801, %mul3A_849 : vector<16xf32>
        %add3A_943 = arith.constant 15 : i32
        %add3A_944 = vector.broadcast %add3A_943 : i32 to vector<16xi32>
        %add3A_945 = arith.addi %mul3A_260, %add3A_944 : vector<16xi32>
        tpu.vector_store_idx %arg16[%broadcast_in_dim3A_769, %add3A_945], %sub3A_942 : memref<48x768xf32, #tpu.memory_space<vmem>>[vector<16xi32>, vector<16xi32>], vector<16xf32>,
        %sub3A_946 = arith.subf %mul3A_805, %mul3A_853 : vector<16xf32>
        %add3A_947 = arith.constant 16 : i32
        %add3A_948 = vector.broadcast %add3A_947 : i32 to vector<16xi32>
        %add3A_949 = arith.addi %mul3A_260, %add3A_948 : vector<16xi32>
        tpu.vector_store_idx %arg16[%broadcast_in_dim3A_769, %add3A_949], %sub3A_946 : memref<48x768xf32, #tpu.memory_space<vmem>>[vector<16xi32>, vector<16xi32>], vector<16xf32>,
        %sub3A_950 = arith.subf %mul3A_809, %mul3A_857 : vector<16xf32>
        %add3A_951 = arith.constant 17 : i32
        %add3A_952 = vector.broadcast %add3A_951 : i32 to vector<16xi32>
        %add3A_953 = arith.addi %mul3A_260, %add3A_952 : vector<16xi32>
        tpu.vector_store_idx %arg16[%broadcast_in_dim3A_769, %add3A_953], %sub3A_950 : memref<48x768xf32, #tpu.memory_space<vmem>>[vector<16xi32>, vector<16xi32>], vector<16xf32>,
        %sub3A_954 = arith.subf %mul3A_813, %mul3A_849 : vector<16xf32>
        %add3A_955 = arith.constant 18 : i32
        %add3A_956 = vector.broadcast %add3A_955 : i32 to vector<16xi32>
        %add3A_957 = arith.addi %mul3A_260, %add3A_956 : vector<16xi32>
        tpu.vector_store_idx %arg16[%broadcast_in_dim3A_769, %add3A_957], %sub3A_954 : memref<48x768xf32, #tpu.memory_space<vmem>>[vector<16xi32>, vector<16xi32>], vector<16xf32>,
        %sub3A_958 = arith.subf %mul3A_817, %mul3A_853 : vector<16xf32>
        %add3A_959 = arith.constant 19 : i32
        %add3A_960 = vector.broadcast %add3A_959 : i32 to vector<16xi32>
        %add3A_961 = arith.addi %mul3A_260, %add3A_960 : vector<16xi32>
        tpu.vector_store_idx %arg16[%broadcast_in_dim3A_769, %add3A_961], %sub3A_958 : memref<48x768xf32, #tpu.memory_space<vmem>>[vector<16xi32>, vector<16xi32>], vector<16xf32>,
        %sub3A_962 = arith.subf %mul3A_821, %mul3A_857 : vector<16xf32>
        %add3A_963 = arith.constant 20 : i32
        %add3A_964 = vector.broadcast %add3A_963 : i32 to vector<16xi32>
        %add3A_965 = arith.addi %mul3A_260, %add3A_964 : vector<16xi32>
        tpu.vector_store_idx %arg16[%broadcast_in_dim3A_769, %add3A_965], %sub3A_962 : memref<48x768xf32, #tpu.memory_space<vmem>>[vector<16xi32>, vector<16xi32>], vector<16xf32>,
        %sub3A_966 = arith.subf %mul3A_825, %mul3A_849 : vector<16xf32>
        %add3A_967 = arith.constant 21 : i32
        %add3A_968 = vector.broadcast %add3A_967 : i32 to vector<16xi32>
        %add3A_969 = arith.addi %mul3A_260, %add3A_968 : vector<16xi32>
        tpu.vector_store_idx %arg16[%broadcast_in_dim3A_769, %add3A_969], %sub3A_966 : memref<48x768xf32, #tpu.memory_space<vmem>>[vector<16xi32>, vector<16xi32>], vector<16xf32>,
        %sub3A_970 = arith.subf %mul3A_829, %mul3A_853 : vector<16xf32>
        %add3A_971 = arith.constant 22 : i32
        %add3A_972 = vector.broadcast %add3A_971 : i32 to vector<16xi32>
        %add3A_973 = arith.addi %mul3A_260, %add3A_972 : vector<16xi32>
        tpu.vector_store_idx %arg16[%broadcast_in_dim3A_769, %add3A_973], %sub3A_970 : memref<48x768xf32, #tpu.memory_space<vmem>>[vector<16xi32>, vector<16xi32>], vector<16xf32>,
        %sub3A_974 = arith.subf %mul3A_833, %mul3A_857 : vector<16xf32>
        %add3A_975 = arith.constant 23 : i32
        %add3A_976 = vector.broadcast %add3A_975 : i32 to vector<16xi32>
        %add3A_977 = arith.addi %mul3A_260, %add3A_976 : vector<16xi32>
        tpu.vector_store_idx %arg16[%broadcast_in_dim3A_769, %add3A_977], %sub3A_974 : memref<48x768xf32, #tpu.memory_space<vmem>>[vector<16xi32>, vector<16xi32>], vector<16xf32>,
        %sub3A_978 = arith.subf %mul3A_789, %mul3A_861 : vector<16xf32>
        %add3A_979 = arith.constant 24 : i32
        %add3A_980 = vector.broadcast %add3A_979 : i32 to vector<16xi32>
        %add3A_981 = arith.addi %mul3A_260, %add3A_980 : vector<16xi32>
        tpu.vector_store_idx %arg16[%broadcast_in_dim3A_769, %add3A_981], %sub3A_978 : memref<48x768xf32, #tpu.memory_space<vmem>>[vector<16xi32>, vector<16xi32>], vector<16xf32>,
        %sub3A_982 = arith.subf %mul3A_793, %mul3A_865 : vector<16xf32>
        %add3A_983 = arith.constant 25 : i32
        %add3A_984 = vector.broadcast %add3A_983 : i32 to vector<16xi32>
        %add3A_985 = arith.addi %mul3A_260, %add3A_984 : vector<16xi32>
        tpu.vector_store_idx %arg16[%broadcast_in_dim3A_769, %add3A_985], %sub3A_982 : memref<48x768xf32, #tpu.memory_space<vmem>>[vector<16xi32>, vector<16xi32>], vector<16xf32>,
        %sub3A_986 = arith.subf %mul3A_797, %mul3A_869 : vector<16xf32>
        %add3A_987 = arith.constant 26 : i32
        %add3A_988 = vector.broadcast %add3A_987 : i32 to vector<16xi32>
        %add3A_989 = arith.addi %mul3A_260, %add3A_988 : vector<16xi32>
        tpu.vector_store_idx %arg16[%broadcast_in_dim3A_769, %add3A_989], %sub3A_986 : memref<48x768xf32, #tpu.memory_space<vmem>>[vector<16xi32>, vector<16xi32>], vector<16xf32>,
        %sub3A_990 = arith.subf %mul3A_801, %mul3A_861 : vector<16xf32>
        %add3A_991 = arith.constant 27 : i32
        %add3A_992 = vector.broadcast %add3A_991 : i32 to vector<16xi32>
        %add3A_993 = arith.addi %mul3A_260, %add3A_992 : vector<16xi32>
        tpu.vector_store_idx %arg16[%broadcast_in_dim3A_769, %add3A_993], %sub3A_990 : memref<48x768xf32, #tpu.memory_space<vmem>>[vector<16xi32>, vector<16xi32>], vector<16xf32>,
        %sub3A_994 = arith.subf %mul3A_805, %mul3A_865 : vector<16xf32>
        %add3A_995 = arith.constant 28 : i32
        %add3A_996 = vector.broadcast %add3A_995 : i32 to vector<16xi32>
        %add3A_997 = arith.addi %mul3A_260, %add3A_996 : vector<16xi32>
        tpu.vector_store_idx %arg16[%broadcast_in_dim3A_769, %add3A_997], %sub3A_994 : memref<48x768xf32, #tpu.memory_space<vmem>>[vector<16xi32>, vector<16xi32>], vector<16xf32>,
        %sub3A_998 = arith.subf %mul3A_809, %mul3A_869 : vector<16xf32>
        %add3A_999 = arith.constant 29 : i32
        %add3A_1000 = vector.broadcast %add3A_999 : i32 to vector<16xi32>
        %add3A_1001 = arith.addi %mul3A_260, %add3A_1000 : vector<16xi32>
        tpu.vector_store_idx %arg16[%broadcast_in_dim3A_769, %add3A_1001], %sub3A_998 : memref<48x768xf32, #tpu.memory_space<vmem>>[vector<16xi32>, vector<16xi32>], vector<16xf32>,
        %sub3A_1002 = arith.subf %mul3A_813, %mul3A_861 : vector<16xf32>
        %add3A_1003 = arith.constant 30 : i32
        %add3A_1004 = vector.broadcast %add3A_1003 : i32 to vector<16xi32>
        %add3A_1005 = arith.addi %mul3A_260, %add3A_1004 : vector<16xi32>
        tpu.vector_store_idx %arg16[%broadcast_in_dim3A_769, %add3A_1005], %sub3A_1002 : memref<48x768xf32, #tpu.memory_space<vmem>>[vector<16xi32>, vector<16xi32>], vector<16xf32>,
        %sub3A_1006 = arith.subf %mul3A_817, %mul3A_865 : vector<16xf32>
        %add3A_1007 = arith.constant 31 : i32
        %add3A_1008 = vector.broadcast %add3A_1007 : i32 to vector<16xi32>
        %add3A_1009 = arith.addi %mul3A_260, %add3A_1008 : vector<16xi32>
        tpu.vector_store_idx %arg16[%broadcast_in_dim3A_769, %add3A_1009], %sub3A_1006 : memref<48x768xf32, #tpu.memory_space<vmem>>[vector<16xi32>, vector<16xi32>], vector<16xf32>,
        %sub3A_1010 = arith.subf %mul3A_821, %mul3A_869 : vector<16xf32>
        %add3A_1011 = arith.constant 32 : i32
        %add3A_1012 = vector.broadcast %add3A_1011 : i32 to vector<16xi32>
        %add3A_1013 = arith.addi %mul3A_260, %add3A_1012 : vector<16xi32>
        tpu.vector_store_idx %arg16[%broadcast_in_dim3A_769, %add3A_1013], %sub3A_1010 : memref<48x768xf32, #tpu.memory_space<vmem>>[vector<16xi32>, vector<16xi32>], vector<16xf32>,
        %sub3A_1014 = arith.subf %mul3A_825, %mul3A_861 : vector<16xf32>
        %add3A_1015 = arith.constant 33 : i32
        %add3A_1016 = vector.broadcast %add3A_1015 : i32 to vector<16xi32>
        %add3A_1017 = arith.addi %mul3A_260, %add3A_1016 : vector<16xi32>
        tpu.vector_store_idx %arg16[%broadcast_in_dim3A_769, %add3A_1017], %sub3A_1014 : memref<48x768xf32, #tpu.memory_space<vmem>>[vector<16xi32>, vector<16xi32>], vector<16xf32>,
        %sub3A_1018 = arith.subf %mul3A_829, %mul3A_865 : vector<16xf32>
        %add3A_1019 = arith.constant 34 : i32
        %add3A_1020 = vector.broadcast %add3A_1019 : i32 to vector<16xi32>
        %add3A_1021 = arith.addi %mul3A_260, %add3A_1020 : vector<16xi32>
        tpu.vector_store_idx %arg16[%broadcast_in_dim3A_769, %add3A_1021], %sub3A_1018 : memref<48x768xf32, #tpu.memory_space<vmem>>[vector<16xi32>, vector<16xi32>], vector<16xf32>,
        %sub3A_1022 = arith.subf %mul3A_833, %mul3A_869 : vector<16xf32>
        %add3A_1023 = arith.constant 35 : i32
        %add3A_1024 = vector.broadcast %add3A_1023 : i32 to vector<16xi32>
        %add3A_1025 = arith.addi %mul3A_260, %add3A_1024 : vector<16xi32>
        tpu.vector_store_idx %arg16[%broadcast_in_dim3A_769, %add3A_1025], %sub3A_1022 : memref<48x768xf32, #tpu.memory_space<vmem>>[vector<16xi32>, vector<16xi32>], vector<16xf32>,
        %sub3A_1026 = arith.subf %mul3A_789, %mul3A_873 : vector<16xf32>
        %add3A_1027 = arith.constant 36 : i32
        %add3A_1028 = vector.broadcast %add3A_1027 : i32 to vector<16xi32>
        %add3A_1029 = arith.addi %mul3A_260, %add3A_1028 : vector<16xi32>
        tpu.vector_store_idx %arg16[%broadcast_in_dim3A_769, %add3A_1029], %sub3A_1026 : memref<48x768xf32, #tpu.memory_space<vmem>>[vector<16xi32>, vector<16xi32>], vector<16xf32>,
        %sub3A_1030 = arith.subf %mul3A_793, %mul3A_877 : vector<16xf32>
        %add3A_1031 = arith.constant 37 : i32
        %add3A_1032 = vector.broadcast %add3A_1031 : i32 to vector<16xi32>
        %add3A_1033 = arith.addi %mul3A_260, %add3A_1032 : vector<16xi32>
        tpu.vector_store_idx %arg16[%broadcast_in_dim3A_769, %add3A_1033], %sub3A_1030 : memref<48x768xf32, #tpu.memory_space<vmem>>[vector<16xi32>, vector<16xi32>], vector<16xf32>,
        %sub3A_1034 = arith.subf %mul3A_797, %mul3A_881 : vector<16xf32>
        %add3A_1035 = arith.constant 38 : i32
        %add3A_1036 = vector.broadcast %add3A_1035 : i32 to vector<16xi32>
        %add3A_1037 = arith.addi %mul3A_260, %add3A_1036 : vector<16xi32>
        tpu.vector_store_idx %arg16[%broadcast_in_dim3A_769, %add3A_1037], %sub3A_1034 : memref<48x768xf32, #tpu.memory_space<vmem>>[vector<16xi32>, vector<16xi32>], vector<16xf32>,
        %sub3A_1038 = arith.subf %mul3A_801, %mul3A_873 : vector<16xf32>
        %add3A_1039 = arith.constant 39 : i32
        %add3A_1040 = vector.broadcast %add3A_1039 : i32 to vector<16xi32>
        %add3A_1041 = arith.addi %mul3A_260, %add3A_1040 : vector<16xi32>
        tpu.vector_store_idx %arg16[%broadcast_in_dim3A_769, %add3A_1041], %sub3A_1038 : memref<48x768xf32, #tpu.memory_space<vmem>>[vector<16xi32>, vector<16xi32>], vector<16xf32>,
        %sub3A_1042 = arith.subf %mul3A_805, %mul3A_877 : vector<16xf32>
        %add3A_1043 = arith.constant 40 : i32
        %add3A_1044 = vector.broadcast %add3A_1043 : i32 to vector<16xi32>
        %add3A_1045 = arith.addi %mul3A_260, %add3A_1044 : vector<16xi32>
        tpu.vector_store_idx %arg16[%broadcast_in_dim3A_769, %add3A_1045], %sub3A_1042 : memref<48x768xf32, #tpu.memory_space<vmem>>[vector<16xi32>, vector<16xi32>], vector<16xf32>,
        %sub3A_1046 = arith.subf %mul3A_809, %mul3A_881 : vector<16xf32>
        %add3A_1047 = arith.constant 41 : i32
        %add3A_1048 = vector.broadcast %add3A_1047 : i32 to vector<16xi32>
        %add3A_1049 = arith.addi %mul3A_260, %add3A_1048 : vector<16xi32>
        tpu.vector_store_idx %arg16[%broadcast_in_dim3A_769, %add3A_1049], %sub3A_1046 : memref<48x768xf32, #tpu.memory_space<vmem>>[vector<16xi32>, vector<16xi32>], vector<16xf32>,
        %sub3A_1050 = arith.subf %mul3A_813, %mul3A_873 : vector<16xf32>
        %add3A_1051 = arith.constant 42 : i32
        %add3A_1052 = vector.broadcast %add3A_1051 : i32 to vector<16xi32>
        %add3A_1053 = arith.addi %mul3A_260, %add3A_1052 : vector<16xi32>
        tpu.vector_store_idx %arg16[%broadcast_in_dim3A_769, %add3A_1053], %sub3A_1050 : memref<48x768xf32, #tpu.memory_space<vmem>>[vector<16xi32>, vector<16xi32>], vector<16xf32>,
        %sub3A_1054 = arith.subf %mul3A_817, %mul3A_877 : vector<16xf32>
        %add3A_1055 = arith.constant 43 : i32
        %add3A_1056 = vector.broadcast %add3A_1055 : i32 to vector<16xi32>
        %add3A_1057 = arith.addi %mul3A_260, %add3A_1056 : vector<16xi32>
        tpu.vector_store_idx %arg16[%broadcast_in_dim3A_769, %add3A_1057], %sub3A_1054 : memref<48x768xf32, #tpu.memory_space<vmem>>[vector<16xi32>, vector<16xi32>], vector<16xf32>,
        %sub3A_1058 = arith.subf %mul3A_821, %mul3A_881 : vector<16xf32>
        %add3A_1059 = arith.constant 44 : i32
        %add3A_1060 = vector.broadcast %add3A_1059 : i32 to vector<16xi32>
        %add3A_1061 = arith.addi %mul3A_260, %add3A_1060 : vector<16xi32>
        tpu.vector_store_idx %arg16[%broadcast_in_dim3A_769, %add3A_1061], %sub3A_1058 : memref<48x768xf32, #tpu.memory_space<vmem>>[vector<16xi32>, vector<16xi32>], vector<16xf32>,
        %sub3A_1062 = arith.subf %mul3A_825, %mul3A_873 : vector<16xf32>
        %add3A_1063 = arith.constant 45 : i32
        %add3A_1064 = vector.broadcast %add3A_1063 : i32 to vector<16xi32>
        %add3A_1065 = arith.addi %mul3A_260, %add3A_1064 : vector<16xi32>
        tpu.vector_store_idx %arg16[%broadcast_in_dim3A_769, %add3A_1065], %sub3A_1062 : memref<48x768xf32, #tpu.memory_space<vmem>>[vector<16xi32>, vector<16xi32>], vector<16xf32>,
        %sub3A_1066 = arith.subf %mul3A_829, %mul3A_877 : vector<16xf32>
        %add3A_1067 = arith.constant 46 : i32
        %add3A_1068 = vector.broadcast %add3A_1067 : i32 to vector<16xi32>
        %add3A_1069 = arith.addi %mul3A_260, %add3A_1068 : vector<16xi32>
        tpu.vector_store_idx %arg16[%broadcast_in_dim3A_769, %add3A_1069], %sub3A_1066 : memref<48x768xf32, #tpu.memory_space<vmem>>[vector<16xi32>, vector<16xi32>], vector<16xf32>,
        %sub3A_1070 = arith.subf %mul3A_833, %mul3A_881 : vector<16xf32>
        %add3A_1071 = arith.constant 47 : i32
        %add3A_1072 = vector.broadcast %add3A_1071 : i32 to vector<16xi32>
        %add3A_1073 = arith.addi %mul3A_260, %add3A_1072 : vector<16xi32>
        tpu.vector_store_idx %arg16[%broadcast_in_dim3A_769, %add3A_1073], %sub3A_1070 : memref<48x768xf32, #tpu.memory_space<vmem>>[vector<16xi32>, vector<16xi32>], vector<16xf32>,
      }
      %scan3A_436 = arith.constant 24 : i32
      %mul3A_437 = arith.constant 48 : i32
      %mul3A_438 = arith.muli %add3A_405, %mul3A_437 : i32
      %min3A_439 = arith.constant 3077 : i32
      %min3A_440 = arith.minsi %mul3A_438, %min3A_439 : i32
      %add3A_441 = arith.addi %mul3A_2, %min3A_440 : i32
      %dma_start3A_442 = arith.constant 0 : i32
      %dma_start3A_443 = tpu.memref_slice %arg4[%add3A_441, %dma_start3A_442] : memref<100000x768xf32, #tpu.memory_space<hbm>> -> memref<48x768xf32, #tpu.memory_space<hbm>>
      %dma_start3A_444 = arith.constant 0 : i32
      %dma_start3A_445 = tpu.memref_slice %arg4[%add3A_441, %dma_start3A_444] : memref<100000x768xf32, #tpu.memory_space<hbm>> -> memref<48x768xf32, #tpu.memory_space<hbm>>
      tpu.enqueue_dma source(%arg16 : memref<48x768xf32, #tpu.memory_space<vmem>>) target(%dma_start3A_445 : memref<48x768xf32, #tpu.memory_space<hbm>>) target_semaphore(%arg26 : memref<!tpu.dma_semaphore, #tpu.memory_space<semaphore_mem>>)
      %dma_start3A_446 = arith.constant 0 : i32
      %dma_start3A_447 = tpu.memref_slice %arg5[%add3A_441, %dma_start3A_446] : memref<100000x16xf32, #tpu.memory_space<hbm>> -> memref<48x16xf32, #tpu.memory_space<hbm>>
      %dma_start3A_448 = arith.constant 0 : i32
      %dma_start3A_449 = tpu.memref_slice %arg5[%add3A_441, %dma_start3A_448] : memref<100000x16xf32, #tpu.memory_space<hbm>> -> memref<48x16xf32, #tpu.memory_space<hbm>>
      tpu.enqueue_dma source(%arg18 : memref<48x16xf32, #tpu.memory_space<vmem>>) target(%dma_start3A_449 : memref<48x16xf32, #tpu.memory_space<hbm>>) target_semaphore(%arg26 : memref<!tpu.dma_semaphore, #tpu.memory_space<semaphore_mem>>)
      %dma_start3A_450 = arith.constant 0 : i32
      %dma_start3A_451 = tpu.memref_slice %arg6[%add3A_441, %dma_start3A_450] : memref<100000x12xf32, #tpu.memory_space<hbm>> -> memref<48x12xf32, #tpu.memory_space<hbm>>
      %dma_start3A_452 = arith.constant 0 : i32
      %dma_start3A_453 = tpu.memref_slice %arg6[%add3A_441, %dma_start3A_452] : memref<100000x12xf32, #tpu.memory_space<hbm>> -> memref<48x12xf32, #tpu.memory_space<hbm>>
      tpu.enqueue_dma source(%arg20 : memref<48x12xf32, #tpu.memory_space<vmem>>) target(%dma_start3A_453 : memref<48x12xf32, #tpu.memory_space<hbm>>) target_semaphore(%arg26 : memref<!tpu.dma_semaphore, #tpu.memory_space<semaphore_mem>>)
    }
    %scan3A_315 = arith.constant 33 : i32
    %dma_wait3A_316 = arith.constant 0 : i32
    %dma_wait3A_317 = arith.constant 0 : i32
    %dma_wait3A_318 = tpu.memref_slice %arg4[%dma_wait3A_316, %dma_wait3A_317] : memref<100000x768xf32, #tpu.memory_space<hbm>> -> memref<48x768xf32, #tpu.memory_space<hbm>>
    %dma_wait3A_319 = arith.constant 0 : i32
    %dma_wait3A_320 = arith.constant 0 : i32
    %dma_wait3A_321 = tpu.memref_slice %arg4[%dma_wait3A_319, %dma_wait3A_320] : memref<100000x768xf32, #tpu.memory_space<hbm>> -> memref<48x768xf32, #tpu.memory_space<hbm>>
    tpu.wait_dma2 semaphore(%arg25 : memref<!tpu.dma_semaphore, #tpu.memory_space<semaphore_mem>>) src(%arg15 : memref<48x768xf32, #tpu.memory_space<vmem>>) dst(%dma_wait3A_321 : memref<48x768xf32, #tpu.memory_space<hbm>>)
    %dma_wait3A_322 = arith.constant 0 : i32
    %dma_wait3A_323 = arith.constant 0 : i32
    %dma_wait3A_324 = tpu.memref_slice %arg5[%dma_wait3A_322, %dma_wait3A_323] : memref<100000x16xf32, #tpu.memory_space<hbm>> -> memref<48x16xf32, #tpu.memory_space<hbm>>
    %dma_wait3A_325 = arith.constant 0 : i32
    %dma_wait3A_326 = arith.constant 0 : i32
    %dma_wait3A_327 = tpu.memref_slice %arg5[%dma_wait3A_325, %dma_wait3A_326] : memref<100000x16xf32, #tpu.memory_space<hbm>> -> memref<48x16xf32, #tpu.memory_space<hbm>>
    tpu.wait_dma2 semaphore(%arg25 : memref<!tpu.dma_semaphore, #tpu.memory_space<semaphore_mem>>) src(%arg17 : memref<48x16xf32, #tpu.memory_space<vmem>>) dst(%dma_wait3A_327 : memref<48x16xf32, #tpu.memory_space<hbm>>)
    %dma_wait3A_328 = arith.constant 0 : i32
    %dma_wait3A_329 = arith.constant 0 : i32
    %dma_wait3A_330 = tpu.memref_slice %arg6[%dma_wait3A_328, %dma_wait3A_329] : memref<100000x12xf32, #tpu.memory_space<hbm>> -> memref<48x12xf32, #tpu.memory_space<hbm>>
    %dma_wait3A_331 = arith.constant 0 : i32
    %dma_wait3A_332 = arith.constant 0 : i32
    %dma_wait3A_333 = tpu.memref_slice %arg6[%dma_wait3A_331, %dma_wait3A_332] : memref<100000x12xf32, #tpu.memory_space<hbm>> -> memref<48x12xf32, #tpu.memory_space<hbm>>
    tpu.wait_dma2 semaphore(%arg25 : memref<!tpu.dma_semaphore, #tpu.memory_space<semaphore_mem>>) src(%arg19 : memref<48x12xf32, #tpu.memory_space<vmem>>) dst(%dma_wait3A_333 : memref<48x12xf32, #tpu.memory_space<hbm>>)
    %dma_wait3A_334 = arith.constant 0 : i32
    %dma_wait3A_335 = arith.constant 0 : i32
    %dma_wait3A_336 = tpu.memref_slice %arg4[%dma_wait3A_334, %dma_wait3A_335] : memref<100000x768xf32, #tpu.memory_space<hbm>> -> memref<48x768xf32, #tpu.memory_space<hbm>>
    %dma_wait3A_337 = arith.constant 0 : i32
    %dma_wait3A_338 = arith.constant 0 : i32
    %dma_wait3A_339 = tpu.memref_slice %arg4[%dma_wait3A_337, %dma_wait3A_338] : memref<100000x768xf32, #tpu.memory_space<hbm>> -> memref<48x768xf32, #tpu.memory_space<hbm>>
    tpu.wait_dma2 semaphore(%arg26 : memref<!tpu.dma_semaphore, #tpu.memory_space<semaphore_mem>>) src(%arg16 : memref<48x768xf32, #tpu.memory_space<vmem>>) dst(%dma_wait3A_339 : memref<48x768xf32, #tpu.memory_space<hbm>>)
    %dma_wait3A_340 = arith.constant 0 : i32
    %dma_wait3A_341 = arith.constant 0 : i32
    %dma_wait3A_342 = tpu.memref_slice %arg5[%dma_wait3A_340, %dma_wait3A_341] : memref<100000x16xf32, #tpu.memory_space<hbm>> -> memref<48x16xf32, #tpu.memory_space<hbm>>
    %dma_wait3A_343 = arith.constant 0 : i32
    %dma_wait3A_344 = arith.constant 0 : i32
    %dma_wait3A_345 = tpu.memref_slice %arg5[%dma_wait3A_343, %dma_wait3A_344] : memref<100000x16xf32, #tpu.memory_space<hbm>> -> memref<48x16xf32, #tpu.memory_space<hbm>>
    tpu.wait_dma2 semaphore(%arg26 : memref<!tpu.dma_semaphore, #tpu.memory_space<semaphore_mem>>) src(%arg18 : memref<48x16xf32, #tpu.memory_space<vmem>>) dst(%dma_wait3A_345 : memref<48x16xf32, #tpu.memory_space<hbm>>)
    %dma_wait3A_346 = arith.constant 0 : i32
    %dma_wait3A_347 = arith.constant 0 : i32
    %dma_wait3A_348 = tpu.memref_slice %arg6[%dma_wait3A_346, %dma_wait3A_347] : memref<100000x12xf32, #tpu.memory_space<hbm>> -> memref<48x12xf32, #tpu.memory_space<hbm>>
    %dma_wait3A_349 = arith.constant 0 : i32
    %dma_wait3A_350 = arith.constant 0 : i32
    %dma_wait3A_351 = tpu.memref_slice %arg6[%dma_wait3A_349, %dma_wait3A_350] : memref<100000x12xf32, #tpu.memory_space<hbm>> -> memref<48x12xf32, #tpu.memory_space<hbm>>
    tpu.wait_dma2 semaphore(%arg26 : memref<!tpu.dma_semaphore, #tpu.memory_space<semaphore_mem>>) src(%arg20 : memref<48x12xf32, #tpu.memory_space<vmem>>) dst(%dma_wait3A_351 : memref<48x12xf32, #tpu.memory_space<hbm>>)
    return
  }
}

</mosaic_0001>

<sc_bundles>
// kernel: kernel.3.cloned.1.call-start
scs
__scs_entry_jumppad:
0x0: {  	(pc) =	sbr.rel $0x88, $3  }
0x1: {  	(tag) =	ssettag $0x0;
	lr =	simm.s32 $0x1  }
0x2: {  	[smem:$0x3F9E] =	sst lr;
	_ =	strace $0xD0000000  }
0x3: {  	_ = 	snop  }
0x4: {  	_ = 	snop  }
0x5: {  	_ = 	snop  }
0x6: {  	_ = 	snop  }
0x7: {  	_ = 	snop  }
__scs_overlays_trampoline_lowered:
0x8: {  	[smem:$0x3FAD] =	sst s0  }
0x9: {  	[smem:$0x3FAE] =	sst s1  }
0xa: {  	[smem:$0x3FAF] =	sst s2  }
0xb: {  	[smem:$0x3FB0] =	sst s3  }
0xc: {  	[smem:$0x3FB1] =	sst s4  }
0xd: {  	[smem:$0x3FB2] =	sst s5  }
0xe: {  	[smem:$0x3FB3] =	sst s6  }
0xf: {  	[smem:$0x3FB4] =	sst s7  }
0x10: {  	[smem:$0x3FB5] =	sst s8  }
0x11: {  	[smem:$0x3FB6] =	sst s9;
	s0 =	simm.s32 @!p0 $0x0  }
0x12: {  	s1 =	sld [smem:$0x3F9C];
	s0 =	simm.s32 @p0 $0x1  }
0x13: {  	[smem:$0x3FB7] =	sst s0;
	s0 =	simm.s32 @!p1 $0x0  }
0x14: {  	s2 =	sld [smem:$0x3F9B];
	s0 =	simm.s32 @p1 $0x1  }
0x15: {  	[smem:$0x3FB8] =	sst s0;
	s0 =	simm.s32 @!p2 $0x0  }
0x16: {  	s3 =	sld [smem:$0x3FDB];
	s0 =	simm.s32 @p2 $0x1  }
0x17: {  	s4 =	simm.s32 $0x1BF5;
	[smem:$0x3FBA] =	sst s0  }
0x18: {  	s0 =	sld [smem:$0x3F9D];
	_ =	swait.ge [sflag:s4], $0x0  }
0x19: {  	s7 =	sld [smem:$0x3F9E]  }
0x1a: {  	s8 =	sadd.s32 $0xFFFFE003, lr  }
0x1b: {  	s9 =	sadd.s32 $0xFFFFFEF7, lr;
	s5 =	simm.s32 $0xFFFFFFFF;
	p2 =	slt.u32 s8, $0xFFFFF086  }
0x1c: {  	p1 =	slt.u32 s9, $0xF7A;
	s5 =	simm.s32 @!p2 $0x0  }
0x1d: {  	s5 =	simm.s32 @p1 $0x1;
	p0 =	seq.s32 s7, s2  }
0x1e: {  	s7 =	smul.u32 @!p0 $0xF7A, s2;
	p2 =	seq.s32 @!p0 s5, $0x0  }
0x1f: {  	s9 =	smul.u32 $0xF7A, s1;
	s8 =	simm.s32 @!p0 $0x1BF5;
	p2 =	por !p2, p0  }
0x20: {  	[sflag:s8] =	ssyncset.s32 @!p0 $0xFFFFF086;
	s6 =	sadd.s32 @!p0 s3, s7;
	s7 =	simm.s32 @!p0 $0x108  }
0x21: {  	s3 =	sadd.s32 s3, s9;
	s6 =	sadd.s32 @!p0 $0x88, s6;
	s7 =	simm.s32 @p2 $0x1082  }
0x22: {  	[simem:s7], [sflag:s8] =	dma.local @!p0 [hbm:s6], $0xF7A  }
0x23: {  	s9 =	sor.u32 $0xD0000000, s2;
	s6 =	simm.s32 $0x108;
	_ =	swait.ge @!p0 [sflag:s8], $0x0  }
0x24: {  	s3 =	sadd.s32 $0x88, s3;
	s6 =	simm.s32 @!p1 $0x1082;
	[sflag:s4] =	ssyncset.s32 $0xFFFFF086  }
0x25: {  	[simem:s6], [sflag:s4] =	dma.local [hbm:s3], $0xF7A  }
0x26: {  	[smem:$0x3F9E] =	sst s1;
	(tag) =	ssettag s2;
	_ =	strace s9  }
0x27: {  	s1 =	sld [smem:$0x3FAE]  }
0x28: {  	s2 =	sld [smem:$0x3FAF]  }
0x29: {  	s4 =	sld [smem:$0x3FB1]  }
0x2a: {  	p0 =	seq.s32 s5, $0x0;
	s5 =	sld [smem:$0x3FB2]  }
0x2b: {  	s6 =	sld [smem:$0x3FB3]  }
0x2c: {  	s7 =	sld [smem:$0x3FB4]  }
0x2d: {  	s3 =	simm.s32 $0x108;
	s8 =	sld [smem:$0x3FB5]  }
0x2e: {  	s3 =	simm.s32 @!p0 $0x1082;
	s9 =	sld [smem:$0x3FB6]  }
0x2f: {  	lr =	sadd.s32 s0, s3;
	s0 =	sld [smem:$0x3FAD]  }
0x30: {  	s3 =	sld [smem:$0x3FB0]  }
0x31: {  	[smem:$0x3FB9] =	sst s10  }
0x32: {  	s10 =	sld [smem:$0x3FB7];
	_ =	sdelay $0x3  }
0x33: {  	p0 =	seq.s32 s10, $0x1;
	s10 =	sld [smem:$0x3FB9];
	_ =	sdelay $0x3  }
0x34: {  	[smem:$0x3FB9] =	sst s10  }
0x35: {  	s10 =	sld [smem:$0x3FB8];
	_ =	sdelay $0x3  }
0x36: {  	p1 =	seq.s32 s10, $0x1;
	s10 =	sld [smem:$0x3FB9];
	_ =	sdelay $0x3  }
0x37: {  	[smem:$0x3FB9] =	sst s10  }
0x38: {  	s10 =	sld [smem:$0x3FBA]  }
0x39: {  	_ = 	snop;
	(pc) =	sbr.ind lr, $3  }
0x3a: {  	_ = 	snop  }
0x3b: {  	_ = 	snop  }
0x3c: {  	p2 =	seq.s32 s10, $0x1;
	s10 =	sld [smem:$0x3FB9]  }
0x3d: {  	_ =	shalt  }
0x3e: {  	_ =	shalt  }
0x3f: {  	_ =	shalt  }
0x40: {  	_ =	shalt  }
0x41: {  	_ =	shalt  }
0x42: {  	_ =	shalt  }
0x43: {  	_ =	shalt  }
0x44: {  	_ =	shalt  }
0x45: {  	_ =	shalt  }
0x46: {  	_ =	shalt  }
0x47: {  	_ =	shalt  }
0x48: {  	_ =	shalt  }
0x49: {  	_ =	shalt  }
0x4a: {  	_ =	shalt  }
0x4b: {  	_ =	shalt  }
0x4c: {  	_ =	shalt  }
0x4d: {  	_ =	shalt  }
0x4e: {  	_ =	shalt  }
0x4f: {  	_ =	shalt  }
0x50: {  	_ =	shalt  }
0x51: {  	_ =	shalt  }
0x52: {  	_ =	shalt  }
0x53: {  	_ =	shalt  }
0x54: {  	_ =	shalt  }
0x55: {  	_ =	shalt  }
0x56: {  	_ =	shalt  }
0x57: {  	_ =	shalt  }
0x58: {  	_ =	shalt  }
0x59: {  	_ =	shalt  }
0x5a: {  	_ =	shalt  }
0x5b: {  	_ =	shalt  }
0x5c: {  	_ =	shalt  }
0x5d: {  	_ =	shalt  }
0x5e: {  	_ =	shalt  }
0x5f: {  	_ =	shalt  }
0x60: {  	_ =	shalt  }
0x61: {  	_ =	shalt  }
0x62: {  	_ =	shalt  }
0x63: {  	_ =	shalt  }
0x64: {  	_ =	shalt  }
0x65: {  	_ =	shalt  }
0x66: {  	_ =	shalt  }
0x67: {  	_ =	shalt  }
0x68: {  	_ =	shalt  }
0x69: {  	_ =	shalt  }
0x6a: {  	_ =	shalt  }
0x6b: {  	_ =	shalt  }
0x6c: {  	_ =	shalt  }
0x6d: {  	_ =	shalt  }
0x6e: {  	_ =	shalt  }
0x6f: {  	_ =	shalt  }
0x70: {  	_ =	shalt  }
0x71: {  	_ =	shalt  }
0x72: {  	_ =	shalt  }
0x73: {  	_ =	shalt  }
0x74: {  	_ =	shalt  }
0x75: {  	_ =	shalt  }
0x76: {  	_ =	shalt  }
0x77: {  	_ =	shalt  }
0x78: {  	_ =	shalt  }
0x79: {  	_ =	shalt  }
0x7a: {  	_ =	shalt  }
0x7b: {  	_ =	shalt  }
0x7c: {  	_ =	shalt  }
0x7d: {  	_ =	shalt  }
0x7e: {  	_ =	shalt  }
0x7f: {  	_ =	shalt  }
0x80: {  	_ =	shalt  }
0x81: {  	_ =	shalt  }
0x82: {  	_ =	shalt  }
0x83: {  	_ =	shalt  }
0x84: {  	_ =	shalt  }
0x85: {  	_ =	shalt  }
0x86: {  	_ =	shalt  }
0x87: {  	_ =	shalt  }
.Lfunc_end0:
.L_simem_size_0:
called_computation.1_lowered:
.L_overlay_start_0:
0x88: {  	s2 =	sld [smem:$0x3FD9]  }
0x89: {  	s3 =	sld [smem:$0x3FFE];
	_ =	sdelay $0x1  }
0x8a: {  	s1 =	srdreg.scid  }
0x8b: {  	s0 =	sand.u32 $0x1, s1  }
0x8c: {  	s14 =	sshll.u32 s0, $0xA;
	s2 =	sadd.s32 s3, s2  }
0x8d: {  	s2 =	sadd.s32 s2, s14  }
0x8e: {  	[smem:$0x3FC5] =	sst s2  }
0x8f: {  	_ = 	snop  }
0x90: {  	s2 =	sld [smem:$0x3FD0];
	_ =	sdelay $0x2  }
0x91: {  	s15 =	simm.s32 $0xA;
	s4 =	simm.s32 $0x10  }
0x92: {  	[smem:s4], [sflag:s15] =	dma.local [hbm:s2], $0x1  }
0x93: {  	_ =	swait.eq [sflag:s15], $0x1  }
0x94: {  	[sflag:s15] =	ssyncset.done $0x0  }
0x95: {  	s16 =	sld [smem:$0x11];
	[sflag:s15] =	ssyncadd.s32 $0xFFFFFFFF  }
0x96: {  	s17 =	sld [smem:$0x12];
	(tm) =	ssettm $0x1  }
0x97: {  	s18 =	sld [smem:$0x3FFB];
	_ =	sdelay $0x3  }
0x98: {  	_ =	strace s18  }
0x99: {  	s4 =	sld [smem:$0x3FFC];
	_ =	sdelay $0x3  }
0x9a: {  	_ =	strace s4  }
0x9b: {  	s4 =	sld [smem:$0x3FFD];
	_ =	sdelay $0x3  }
0x9c: {  	_ =	strace s4  }
0x9d: {  	_ =	strace $0x8FFFFFFF  }
0x9e: {  	s19 =	sld [smem:$0x3FDB];
	_ =	sdelay $0x1  }
0x9f: {  	s5 =	simm.s32 $_scs_section_size  }
0xa0: {  	s6 =	simm.s32 $_size__tile_overlayer_lowered;
	s7 =	simm.s32 $_tile_overlayer_lowered  }
0xa1: {  	s22 =	simm.s32 $0x1BFF;
	s21 =	sshll.u32 s7, $0x1;
	s4 =	sadd.s32 s5, s19  }
0xa2: {  	s8 =	simm.s32 $0x0;
	s20 =	sshll.u32 s6, $0x1;
	s6 =	sadd.s32 s21, s4  }
0xa3: {  	[timem:s8], [sflag:s22] =	dma.local [hbm:s6], s20  }
0xa4: {  	_ =	swait.ge [sflag:s22], s20  }
0xa5: {  	s5 =	ssub.s32 $0x0, s20;
	[sflag:s22] =	ssyncset.done $0x0  }
0xa6: {  	[sflag:s22] =	ssyncadd.s32 s5;
	_ =	sdelay $0x1  }
0xa7: {  	s23 =	simm.s32 $0x1B8B  }
0xa8: {  	_ =	swait.ge [sflag:s23], $0x1  }
0xa9: {  	[sflag:s23] =	ssyncset.done $0x0  }
0xaa: {  	s25 =	simm.s32 $0x1B8E;
	s24 =	sld [smem:$0x3FFE];
	[sflag:s23] =	ssyncadd.s32 $0xFFFFFFFF  }
0xab: {  	s26 =	simm.s32 $execute0_lowered;
	[smem:$0x3FD2] =	sst s25  }
0xac: {  	s6 =	sshll.u32 s26, $0x1;
	_ =	strace $0x80000046;
	[dreg:$0x1] =	wrdreg $0xFFFFFFFF  }
0xad: {  	s28 =	simm.s32 $_size_execute0_lowered;
	s4 =	sadd.s32 s4, s6;
	[dreg:$0x0] =	wrdreg $0x0  }
0xae: {  	s6 =	sshll.u32 s28, $0x1;
	[dreg:$0x2] =	wrdreg s4  }
0xaf: {  	[dreg:$0x3] =	wrdreg s6  }
0xb0: {  	[dreg:$0x4] =	wrdreg $0xC0  }
0xb1: {  	_ =	task [dreg:s8], $0x5FFFF  }
0xb2: {  	[dreg:$0x1] =	wrdreg $0xFFFFFFFF  }
0xb3: {  	[dreg:$0x0] =	wrdreg $0x60  }
0xb4: {  	[dreg:$0x2] =	wrdreg s17  }
0xb5: {  	[dreg:$0x3] =	wrdreg s24  }
0xb6: {  	[dreg:$0x4] =	wrdreg s16  }
0xb7: {  	[dreg:$0x5] =	wrdreg $0x9  }
0xb8: {  	_ =	task.clear_ibuf [dreg:s8], $0x6FFFF;
	_ =	strace $0x90000046  }
0xb9: {  	s29 =	simm.s32 $0x9;
	_ =	strace $0x80000048  }
0xba: {  	_ =	swait.ge [sflag:s29], $0x1  }
0xbb: {  	[sflag:s29] =	ssyncadd.s32 $0xFFFFFFFF  }
0xbc: {  	_ =	strace $0x90000048  }
0xbd: {  	_ =	sfence  }
0xbe: {  	s30 =	sld [smem:$0x0];
	_ =	sdelay $0x2  }
0xbf: {  	s31 =	sshll.u32 s1, $0xD;
	s1 =	sshrl.u32 s1, $0x2  }
0xc0: {  	s3 =	sand.u32 $0x4000, s31;
	s1 =	sadd.s32 s1, s30  }
0xc1: {  	s0 =	sor.u32 s3, s0;
	s1 =	sshll.u32 s1, $0x11  }
0xc2: {  	s0 =	sor.u32 s1, s0  }
0xc3: {  	s0 =	sadd.s32 $0x8F2B, s0  }
0xc4: {  	[sflag:s0] =	ssyncadd.remote.s32 $0x1  }
0xc5: {  	_ =	sfence.sel $0xFFFF  }
0xc6: {  	[dreg:$0x0] =	wrdreg $0xFFFFFFFF;
	(pc) =	sbr.abs _section_cstart, $3  }
0xc7: {  	[dreg:$0x1] =	wrdreg $0xFFFFFFFF  }
0xc8: {  	_ =	task.clear_ibuf [dreg:s8], $0x2FFFF;
	_ =	strace $0x9FFFFFFF  }
0xc9: {  	(tm) =	ssettm $0x7FFFFFFF  }
tec
execute0_lowered:
.L_overlay_start_1:
0x0: {  	(tag) =	ssettag $0x1  }
0x1: {  	v0 =	vlaneseq.u32  }
0x2: {  	v1 =	vor.u32 $0x10, v0  }
0x3: {  	v2 =	vor.u32 $0x20, v0;
	v3 =	vmul.u32 $0x30, v0;
	[tilespmem:$0x1FCC0] =	vst v1  }
0x4: {  	[tilespmem:$0x1FCE0] =	vst v2  }
0x5: {  	[tilespmem:$0x1FCA0] =	vst v3;
	v17 =	vor.u32 $0x1, v3  }
0x6: {  	v18 =	vor.u32 $0x2, v3;
	[tilespmem:$0x1FD10] =	vst v17  }
0x7: {  	v19 =	vor.u32 $0x3, v3;
	[tilespmem:$0x1FD20] =	vst v18  }
0x8: {  	s0 =	srdreg.scid;
	s1 =	stileid.u32;
	v20 =	vor.u32 $0x4, v3;
	[tilespmem:$0x1FD30] =	vst v19  }
0x9: {  	s0 =	sand.u32 $0x1, s0;
	s1 =	sshll.u32 s1, $0x1;
	v21 =	vor.u32 $0x5, v3;
	[tilespmem:$0x1FD40] =	vst v20  }
0xa: {  	s3 =	sor.u32 s0, s1;
	v22 =	vor.u32 $0x6, v3;
	[tilespmem:$0x1FD50] =	vst v21  }
0xb: {  	s1 =	smul.u32 $0xC35, s3;
	v23 =	vor.u32 $0x7, v3;
	[tilespmem:$0x1FD60] =	vst v22  }
0xc: {  	v24 =	vor.u32 $0x8, v3;
	[tilespmem:$0x1FD70] =	vst v23  }
0xd: {  	[tilespmem:$0x1FD80] =	vst v24;
	v4 =	vadd.s32 s1, v0  }
0xe: {  	v1 =	vadd.s32 s1, v1;
	[tilespmem:$0x1FCB0] =	vst v4  }
0xf: {  	s2 =	rddreg [dreg:$0x0];
	v16 =	vadd.s32 s1, v2;
	v0 =	vmul.u32 $0x10, v0;
	[tilespmem:$0x1FCD0] =	vst v1  }
0x10: {  	s8 =	rddreg [dreg:$0x1];
	s5 =	simm.s32 $0x0;
	[tilespmem:$0x1FCF0] =	vst v16  }
0x11: {  	[smem:$0x7FF] =	sst s5;
	v25 =	vor.u32 $0x9, v3;
	[tilespmem:$0x1FD00] =	vst v0  }
0x12: {  	s4 =	rddreg [dreg:$0x2];
	v26 =	vor.u32 $0xA, v3;
	_ =	strace $0x80000047;
	[tilespmem:$0x1FD90] =	vst v25  }
0x13: {  	v27 =	vor.u32 $0xB, v3;
	[tilespmem:$0x1FDA0] =	vst v26  }
0x14: {  	v28 =	vor.u32 $0xC, v3;
	[tilespmem:$0x1FDB0] =	vst v27  }
0x15: {  	v29 =	vor.u32 $0xD, v3;
	[tilespmem:$0x1FDC0] =	vst v28  }
0x16: {  	v30 =	vor.u32 $0xE, v3;
	[tilespmem:$0x1FDD0] =	vst v29  }
0x17: {  	v31 =	vor.u32 $0xF, v3;
	[tilespmem:$0x1FDE0] =	vst v30  }
0x18: {  	v32 =	vadd.s32 $0x10, v3;
	[tilespmem:$0x1FDF0] =	vst v31  }
0x19: {  	v33 =	vadd.s32 $0x11, v3;
	[tilespmem:$0x1FE00] =	vst v32  }
0x1a: {  	v34 =	vadd.s32 $0x12, v3;
	[tilespmem:$0x1FE10] =	vst v33  }
0x1b: {  	v35 =	vadd.s32 $0x13, v3;
	[tilespmem:$0x1FE20] =	vst v34  }
0x1c: {  	v36 =	vadd.s32 $0x14, v3;
	[tilespmem:$0x1FE30] =	vst v35  }
0x1d: {  	v37 =	vadd.s32 $0x15, v3;
	[tilespmem:$0x1FE40] =	vst v36  }
0x1e: {  	v38 =	vadd.s32 $0x16, v3;
	[tilespmem:$0x1FE50] =	vst v37  }
0x1f: {  	v39 =	vadd.s32 $0x17, v3;
	[tilespmem:$0x1FE60] =	vst v38  }
0x20: {  	v40 =	vadd.s32 $0x18, v3;
	[tilespmem:$0x1FE70] =	vst v39  }
0x21: {  	v41 =	vadd.s32 $0x19, v3;
	[tilespmem:$0x1FE80] =	vst v40  }
0x22: {  	v42 =	vadd.s32 $0x1A, v3;
	[tilespmem:$0x1FE90] =	vst v41  }
0x23: {  	v43 =	vadd.s32 $0x1B, v3;
	[tilespmem:$0x1FEA0] =	vst v42  }
0x24: {  	v44 =	vadd.s32 $0x1C, v3;
	[tilespmem:$0x1FEB0] =	vst v43  }
0x25: {  	v45 =	vadd.s32 $0x1D, v3;
	[tilespmem:$0x1FEC0] =	vst v44  }
0x26: {  	v46 =	vadd.s32 $0x1E, v3;
	[tilespmem:$0x1FED0] =	vst v45  }
0x27: {  	v47 =	vadd.s32 $0x1F, v3;
	[tilespmem:$0x1FEE0] =	vst v46  }
0x28: {  	v48 =	vadd.s32 $0x20, v3;
	[tilespmem:$0x1FEF0] =	vst v47  }
0x29: {  	v49 =	vadd.s32 $0x21, v3;
	[tilespmem:$0x1FF00] =	vst v48  }
0x2a: {  	v50 =	vadd.s32 $0x22, v3;
	[tilespmem:$0x1FF10] =	vst v49  }
0x2b: {  	v51 =	vadd.s32 $0x23, v3;
	[tilespmem:$0x1FF20] =	vst v50  }
0x2c: {  	v52 =	vadd.s32 $0x24, v3;
	[tilespmem:$0x1FF30] =	vst v51  }
0x2d: {  	v53 =	vadd.s32 $0x25, v3;
	[tilespmem:$0x1FF40] =	vst v52  }
0x2e: {  	s17 =	simm.s32 $0x660;
	s18 =	simm.s32 $0x300;
	s19 =	simm.s32 $0xC60;
	v54 =	vadd.s32 $0x26, v3;
	[tilespmem:$0x1FF50] =	vst v53  }
0x2f: {  	s20 =	simm.s32 $0x3;
	s21 =	simm.s32 $0x2;
	s23 =	simm.s32 $0x960;
	v55 =	vadd.s32 $0x27, v3;
	[tilespmem:$0x1FF60] =	vst v54  }
0x30: {  	s24 =	simm.s32 $0x3C60;
	s25 =	simm.s32 $0x19260;
	s26 =	simm.s32 $0x6C60;
	v56 =	vadd.s32 $0x28, v3;
	[tilespmem:$0x1FF70] =	vst v55  }
0x31: {  	s29 =	simm.s32 $0x4;
	s30 =	simm.s32 $0x19560;
	s31 =	simm.s32 $0xFC60;
	v57 =	vadd.s32 $0x29, v3;
	[tilespmem:$0x1FF80] =	vst v56  }
0x32: {  	s16 =	simm.s32 $0x6;
	s6 =	sadd.s32 $0x1600, s8;
	s9 =	smul.u32 $0xC350, s3;
	v58 =	vadd.s32 $0x2A, v3;
	[tilespmem:$0x1FF90] =	vst v57  }
0x33: {  	s7 =	sadd.s32 $0x63200, s8;
	s0 =	ssub.s32 $0x2, s0;
	s3 =	smul.u32 $0x186A, s3;
	v59 =	vadd.s32 $0x2B, v3;
	[tilespmem:$0x1FFA0] =	vst v58  }
0x34: {  	s8 =	sadd.s32 $0x32400, s8;
	s10 =	sshrl.u32 s0, $0x1;
	v60 =	vadd.s32 $0x2C, v3;
	s9 =	sshrl.u32 s9, $0x3;
	[tilespmem:$0x1FFB0] =	vst v59  }
0x35: {  	v61 =	vadd.s32 $0x2D, v3;
	s0 =	ssub.s32 s0, s10;
	s3 =	sadd.s32 s6, s3;
	s9 =	sadd.s32 s6, s9;
	[tilespmem:$0x1FFC0] =	vst v60  }
0x36: {  	v62 =	vadd.s32 $0x2E, v3;
	s11 =	sadd.s32 $0x30, s1;
	s28 =	sadd.s32 $0x60, s9;
	[dreg:$0x4] =	wrdreg s3;
	[tilespmem:$0x1FFD0] =	vst v61  }
0x37: {  	v63 =	vadd.s32 $0x2F, v3;
	s12 =	sadd.s32 $0x90, s1;
	s0 =	smax.u32 s0, $0x1;
	[dreg:$0x5] =	wrdreg s28;
	[tilespmem:$0x1FFE0] =	vst v62  }
0x38: {  	s9 =	simm.s32 $0x0;
	[dreg:$0x6] =	wrdreg s0;
	[tilespmem:$0x1FFF0] =	vst v63;
	s0 =	simm.s32 $0x5  }
.LBB2_1:
0x39: {  	[dreg:$0x7] =	wrdreg s9  }
0x3a: {  	s3 =	rddreg [dreg:$0x4];
	s14 =	simm.s32 $0x1  }
0x3b: {  	[tilespmem:s5], [sflag:$0x1] =	stream.linear.gather [hbm4b:s3+s5], $0x300, $0x38;
	[tilespmem:$0x19860] =	vst v63  }
0x3c: {  	_ =	swait.ge [sflag:s14], $0x300  }
0x3d: {  	v0 =	vld [tilespmem:$0x1FCB0]  }
0x3e: {  	v62 =	vld [tilespmem:$0x1FCD0]  }
0x3f: {  	v63 =	vld [tilespmem:$0x1FCF0]  }
0x40: {  	[sflag:s14] =	ssyncset.done $0x0  }
0x41: {  	[sflag:s14] =	ssyncadd.s32 $0xFFFFFD00  }
0x42: {  	[tilespmem:$0x600] =	vst v0  }
0x43: {  	[tilespmem:$0x610] =	vst v62  }
0x44: {  	s15 =	simm.s32 $0x30;
	s22 =	simm.s32 $0x600;
	[tilespmem:$0x620] =	vst v63  }
0x45: {  	[tilespmem:s17], [sflag:$0x3] =	stream.indirect.gather [hbm4b:s2+s15], $0x10, s22, s15, $0xb8;
	[tilespmem:$0x19860] =	vst v63  }
0x46: {  	_ = 	snop  }
0x47: {  	[tilespmem:s19], [sflag:$0x3] =	stream.indirect.gather [hbm4b:s2+s18], $0x10, s5, s18, $0xb8;
	[tilespmem:$0x19860] =	vst v63  }
0x48: {  	s10 =	simm.s32 $0x0;
	s28 =	rddreg [dreg:$0x5]  }
0x49: {  	[tilespmem:s18], [sflag:$0x2] =	stream.linear.gather [hbm4b:s28+s5], $0x300, $0x38;
	[tilespmem:$0x19860] =	vst v63  }
.LBB2_2:
0x4a: {  	_ =	swait.ge [sflag:s20], $0x300  }
0x4b: {  	[sflag:s20] =	ssyncset.done $0x0  }
0x4c: {  	[sflag:s20] =	ssyncadd.s32 $0xFFFFFD00  }
0x4d: {  	_ =	swait.ge [sflag:s20], $0x3000  }
0x4e: {  	[sflag:s20] =	ssyncset.done $0x0  }
0x4f: {  	[sflag:s20] =	ssyncadd.s32 $0xFFFFD000  }
0x50: {  	_ =	swait.ge [sflag:s21], $0x300  }
0x51: {  	s14 =	smul.u32 $0x60, s10;
	v62 =	vld [tilespmem:$0x1FCC0]  }
0x52: {  	v63 =	vld [tilespmem:$0x1FCE0]  }
0x53: {  	s3 =	smin.u32 s14, $0xBD5  }
0x54: {  	v0 =	vlaneseq.u32;
	s28 =	sshll.u32 s10, $0x1;
	s13 =	sadd.s32 s3, s11;
	[sflag:s21] =	ssyncset.done $0x0  }
0x55: {  	p0 =	seq.s32 s10, $0x20;
	s3 =	sadd.s32 $0x2, s28;
	v0 =	vadd.s32 s13, v0;
	[sflag:s21] =	ssyncadd.s32 $0xFFFFFD00  }
0x56: {  	s3 =	smul.u32 @!p0 $0x30, s3;
	[tilespmem:$0x630] =	vst v0;
	v0 =	vadd.s32 s13, v62  }
0x57: {  	s9 =	simm.s32 $0x30;
	p1 =	seq.s32 @!p0 s10, $0x0;
	[tilespmem:$0x640] =	vst v0;
	v0 =	vadd.s32 s13, v63  }
0x58: {  	s15 =	simm.s32 $0x630;
	p1 =	por p0, !p1;
	s3 =	smin.u32 @!p0 s3, $0xC05;
	[tilespmem:$0x650] =	vst v0  }
0x59: {  	[tilespmem:s23], [sflag:$0x4] =	stream.indirect.gather [hbm4b:s2+s9], $0x10, s15, s9, $0xb8;
	[tilespmem:$0x19860] =	vst v63  }
.Ltmp0:
0x5a: {  	s9 =	sadd.s32 @!p0 s1, s3;
	(pc) =	sbr.rel @!p1 .LBB2_3-.Ltmp0, $4  }
0x5b: {  	s3 =	sshll.u32 @!p0 s9, $0x1  }
0x5c: {  	[tilespmem:s24], [sflag:$0x4] =	stream.indirect.gather [hbm4b:s2+s18], $0x10, s18, s18, $0xb8;
	[tilespmem:$0x19860] =	vst v63  }
0x5d: {  	s22 =	simm.s32 @!p0 $0x0;
	s3 =	sadd.s32 @!p0 s6, s3  }
0x5e: {  	[tilespmem:s22], [sflag:$0x1] =	stream.linear.gather @!p0 [hbm4b:s3+s22], $0x300, $0x38;
	[tilespmem:$0x19860] =	vst v63  }
0x5f: {  	_ =	swait.ge [sflag:s0], $0x9000  }
0x60: {  	[sflag:s0] =	ssyncset.done $0x0  }
0x61: {  	[sflag:s0] =	ssyncadd.s32 $0xFFFF7000  }
0x62: {  	_ =	swait.ge [sflag:s0], $0x300  }
.Ltmp1:
0x63: {  	[sflag:s0] =	ssyncset.done $0x0;
	(pc) =	sbr.rel .LBB2_5-.Ltmp1, $4  }
0x64: {  	[sflag:s0] =	ssyncadd.s32 $0xFFFFFD00  }
0x65: {  	_ =	swait.ge [sflag:s0], $0x300  }
0x66: {  	[sflag:s0] =	ssyncset.done $0x0  }
0x67: {  	p1 =	por $0x0, $0x0;
	[sflag:s0] =	ssyncadd.s32 $0xFFFFFD00  }
.LBB2_3:
0x68: {  	p1 =	por @!p0 $0x1, $0x1  }
.LBB2_5:
0x69: {  	s22 =	simm.s32 $0x1;
	s28 =	simm.s32 $0x18C70;
	s3 =	simm.s32 $0x0  }
.LBB2_6:
0x6a: {  	v43 =	vld [tilespmem:$0x1FD00];
	_ =	sdelay $0x1  }
0x6b: {  	s15 =	sadd.s32 $0xFFFFFFFF, s22  }
0x6c: {  	v1 =	vmov s3;
	v0 =	vmov s15  }
0x6d: {  	v1 =	vshll.u32 v1, $0x4;
	v2 =	vshll.u32 v0, $0x4  }
0x6e: {  	v3 =	vor.u32 $0xC, v2;
	v1 =	vor.u32 v43, v1  }
0x6f: {  	v4 =	vor.u32 $0xC, v1;
	_ =	sdelay $0x3  }
0x70: {  	v3 =	vld.idx.msk [tilespmem:v3+s17+$0x0], $0xffff  }
0x71: {  	v4 =	vld.idx.msk [tilespmem:v4+s19+$0x0], $0xffff;
	_ =	sdelay $0x1  }
0x72: {  	v23 =	vlaneseq.u32  }
0x73: {  	v5 =	vor.u32 v23, v2;
	_ =	sdelay $0x1  }
0x74: {  	v4 =	vmul.f32 v4, v3;
	_ =	sdelay $0x1  }
0x75: {  	v42 =	vld [tilespmem:$0x1FCA0];
	[tilespmem:s28+$0xFFFFFFF0] =	vst v4  }
0x76: {  	v6 =	vld.idx.msk [tilespmem:v5+s17+$0x0], $0xffff  }
0x77: {  	v44 =	vld [tilespmem:$0x1FD10]  }
0x78: {  	v45 =	vld [tilespmem:$0x1FD20]  }
0x79: {  	v46 =	vld [tilespmem:$0x1FD30];
	v3 =	vmul.f32 $1.000000010e-01, v3  }
0x7a: {  	v47 =	vld [tilespmem:$0x1FD40];
	v55 =	vor.u32 $0x1, v1  }
0x7b: {  	v48 =	vld [tilespmem:$0x1FD50];
	v29 =	vor.u32 $0x2, v1;
	v3 =	vmul.f32 v6, v3  }
0x7c: {  	v49 =	vld [tilespmem:$0x1FD60];
	v56 =	vor.u32 $0x3, v1  }
0x7d: {  	v50 =	vld [tilespmem:$0x1FD70];
	v30 =	vor.u32 $0x4, v1;
	[tilespmem:v5+s25+$0x0] =	vst.idx.msk $0xfff, v3  }
0x7e: {  	v57 =	vor.u32 $0x5, v1;
	v5 =	vld.idx.msk [tilespmem:v1+s19+$0x0], $0xffff  }
0x7f: {  	v58 =	vor.u32 $0x6, v1;
	v55 =	vld.idx.msk [tilespmem:v55+s19+$0x0], $0xffff  }
0x80: {  	v59 =	vor.u32 $0x7, v1;
	v6 =	vld.idx.msk [tilespmem:v29+s19+$0x0], $0xffff  }
0x81: {  	v60 =	vor.u32 $0x8, v1;
	v56 =	vld.idx.msk [tilespmem:v56+s19+$0x0], $0xffff  }
0x82: {  	v61 =	vor.u32 $0x9, v1;
	v3 =	vld.idx.msk [tilespmem:v30+s19+$0x0], $0xffff  }
0x83: {  	v62 =	vor.u32 $0xA, v1;
	v57 =	vld.idx.msk [tilespmem:v57+s19+$0x0], $0xffff  }
0x84: {  	v7 =	vld.idx.msk [tilespmem:v58+s19+$0x0], $0xffff  }
0x85: {  	v31 =	vor.u32 $0x1, v2;
	v59 =	vld.idx.msk [tilespmem:v59+s19+$0x0], $0xffff  }
0x86: {  	v32 =	vor.u32 $0x2, v2;
	v8 =	vld.idx.msk [tilespmem:v60+s19+$0x0], $0xffff  }
0x87: {  	v1 =	vor.u32 $0xB, v1;
	v9 =	vld.idx.msk [tilespmem:v61+s19+$0x0], $0xffff  }
0x88: {  	v33 =	vor.u32 $0x3, v2;
	v62 =	vld.idx.msk [tilespmem:v62+s19+$0x0], $0xffff  }
0x89: {  	v63 =	vor.u32 $0x4, v2;
	v11 =	vld.idx.msk [tilespmem:v2+s17+$0x0], $0xffff  }
0x8a: {  	v12 =	vor.u32 $0x5, v2;
	v15 =	vmul.f32 $1.000000010e-01, v4;
	v13 =	vld.idx.msk [tilespmem:v31+s17+$0x0], $0xffff  }
0x8b: {  	v14 =	vor.u32 $0x6, v2;
	v17 =	vor.u32 $0x7, v2;
	v16 =	vld.idx.msk [tilespmem:v32+s17+$0x0], $0xffff  }
0x8c: {  	v18 =	vor.u32 $0x8, v2;
	v21 =	vor.u32 $0x9, v2;
	v10 =	vld.idx.msk [tilespmem:v1+s19+$0x0], $0xffff;
	v1 =	vmul.f32 v5, v15  }
0x8d: {  	v22 =	vor.u32 $0xA, v2;
	v19 =	vld.idx.msk [tilespmem:v33+s17+$0x0], $0xffff;
	v4 =	vmul.f32 v55, v15;
	v5 =	vmul.f32 v6, v15  }
0x8e: {  	v20 =	vld.idx.msk [tilespmem:v63+s17+$0x0], $0xffff;
	v63 =	vmul.f32 v56, v15;
	v56 =	vmul.f32 v62, v15;
	v62 =	vmul.u32 $0x300, v0  }
0x8f: {  	v12 =	vld.idx.msk [tilespmem:v12+s17+$0x0], $0xffff;
	v2 =	vor.u32 $0xB, v2;
	v6 =	vmul.f32 v3, v15;
	v58 =	vmul.f32 v57, v15  }
0x90: {  	v34 =	vld.idx.msk [tilespmem:v14+s17+$0x0], $0xffff;
	v60 =	vmul.f32 v7, v15;
	v59 =	vmul.f32 v59, v15;
	v40 =	vadd.s32 v42, v62  }
0x91: {  	v35 =	vld.idx.msk [tilespmem:v17+s17+$0x0], $0xffff;
	v41 =	vadd.s32 v44, v62;
	v55 =	vmul.f32 v10, v15;
	v10 =	vmul.f32 v11, v15  }
0x92: {  	v36 =	vld.idx.msk [tilespmem:v18+s17+$0x0], $0xffff;
	v61 =	vmul.f32 v8, v15;
	v52 =	vadd.s32 v45, v62;
	v11 =	vmul.f32 v13, v15  }
0x93: {  	v37 =	vld.idx.msk [tilespmem:v21+s17+$0x0], $0xffff;
	v57 =	vmul.f32 v9, v15;
	v14 =	vmul.f32 v16, v15;
	v53 =	vsub.f32 v1, v10  }
0x94: {  	v38 =	vld.idx.msk [tilespmem:v22+s17+$0x0], $0xffff;
	v16 =	vmul.f32 v19, v15;
	v54 =	vadd.s32 v46, v62;
	v24 =	vsub.f32 v4, v11  }
0x95: {  	v39 =	vld.idx.msk [tilespmem:v2+s17+$0x0], $0xffff;
	v17 =	vmul.f32 v20, v15;
	v26 =	vsub.f32 v5, v14;
	[tilespmem:v40+s26+$0x0] =	vst.idx.msk $0xffff, v53  }
0x96: {  	v51 =	vld [tilespmem:$0x1FD80];
	v12 =	vmul.f32 v12, v15;
	v25 =	vadd.s32 v47, v62;
	[tilespmem:v41+s26+$0x0] =	vst.idx.msk $0xffff, v24  }
0x97: {  	v19 =	vmul.f32 v34, v15;
	v28 =	vsub.f32 v63, v10;
	[tilespmem:v52+s26+$0x0] =	vst.idx.msk $0xffff, v26;
	v52 =	vld [tilespmem:$0x1FD90]  }
0x98: {  	v7 =	vmul.f32 v35, v15;
	v8 =	vmul.f32 v36, v15;
	v27 =	vadd.s32 v48, v62;
	v53 =	vld [tilespmem:$0x1FDA0]  }
0x99: {  	v29 =	vadd.s32 v49, v62;
	v30 =	vsub.f32 v6, v11;
	[tilespmem:v54+s26+$0x0] =	vst.idx.msk $0xffff, v28;
	v54 =	vld [tilespmem:$0x1FDB0]  }
0x9a: {  	v3 =	vmul.f32 v37, v15;
	v2 =	vmul.f32 v38, v15;
	v31 =	vadd.s32 v50, v62;
	v24 =	vld [tilespmem:$0x1FDC0]  }
0x9b: {  	v32 =	vsub.f32 v58, v14;
	v33 =	vadd.s32 v51, v62;
	[tilespmem:v25+s26+$0x0] =	vst.idx.msk $0xffff, v30;
	v25 =	vld [tilespmem:$0x1FDD0]  }
0x9c: {  	v38 =	vsub.f32 v61, v14;
	v34 =	vsub.f32 v60, v10;
	v26 =	vld [tilespmem:$0x1FDE0];
	v35 =	vadd.s32 v52, v62  }
0x9d: {  	v36 =	vsub.f32 v59, v11;
	[tilespmem:v27+s26+$0x0] =	vst.idx.msk $0xffff, v32;
	v37 =	vadd.s32 v53, v62;
	v27 =	vld [tilespmem:$0x1FDF0]  }
0x9e: {  	v0 =	vmul.f32 v39, v15;
	v28 =	vld [tilespmem:$0x1FE00];
	[tilespmem:v29+s26+$0x0] =	vst.idx.msk $0xffff, v34;
	v39 =	vadd.s32 v54, v62  }
0x9f: {  	v10 =	vsub.f32 v57, v10;
	v40 =	vadd.s32 v24, v62;
	v29 =	vld [tilespmem:$0x1FE10];
	[tilespmem:v31+s26+$0x0] =	vst.idx.msk $0xffff, v36  }
0xa0: {  	v41 =	vsub.f32 v56, v11;
	v30 =	vld [tilespmem:$0x1FE20];
	[tilespmem:v33+s26+$0x0] =	vst.idx.msk $0xffff, v38;
	v21 =	vadd.s32 v25, v62  }
0xa1: {  	v32 =	vsub.f32 v55, v14;
	v31 =	vld [tilespmem:$0x1FE30];
	v33 =	vadd.s32 v26, v62;
	[tilespmem:v35+s26+$0x0] =	vst.idx.msk $0xffff, v10  }
0xa2: {  	v34 =	vsub.f32 v1, v16;
	v35 =	vadd.s32 v27, v62;
	[tilespmem:v37+s26+$0x0] =	vst.idx.msk $0xffff, v41  }
0xa3: {  	v38 =	vsub.f32 v4, v17;
	[tilespmem:v39+s26+$0x0] =	vst.idx.msk $0xffff, v32;
	v39 =	vadd.s32 v28, v62  }
0xa4: {  	v41 =	vadd.s32 v29, v62;
	[tilespmem:v40+s26+$0x0] =	vst.idx.msk $0xffff, v34;
	v40 =	vsub.f32 v5, v12  }
0xa5: {  	v22 =	vadd.s32 v30, v62;
	v32 =	vld [tilespmem:$0x1FE40];
	[tilespmem:v21+s26+$0x0] =	vst.idx.msk $0xffff, v38;
	v21 =	vsub.f32 v63, v16  }
0xa6: {  	v36 =	vsub.f32 v6, v17;
	v37 =	vadd.s32 v31, v62;
	[tilespmem:v33+s26+$0x0] =	vst.idx.msk $0xffff, v40;
	v33 =	vld [tilespmem:$0x1FE50]  }
0xa7: {  	v20 =	vld [tilespmem:$0x1FE60];
	v38 =	vsub.f32 v58, v12;
	[tilespmem:v35+s26+$0x0] =	vst.idx.msk $0xffff, v21  }
0xa8: {  	[tilespmem:v39+s26+$0x0] =	vst.idx.msk $0xffff, v36;
	v39 =	vsub.f32 v60, v16  }
0xa9: {  	v35 =	vld [tilespmem:$0x1FE70];
	[tilespmem:v41+s26+$0x0] =	vst.idx.msk $0xffff, v38;
	v41 =	vsub.f32 v59, v17  }
0xaa: {  	v15 =	vadd.s32 v32, v62;
	v36 =	vld [tilespmem:$0x1FE80];
	[tilespmem:v22+s26+$0x0] =	vst.idx.msk $0xffff, v39  }
0xab: {  	v40 =	vadd.s32 v33, v62;
	[tilespmem:v37+s26+$0x0] =	vst.idx.msk $0xffff, v41;
	v37 =	vld [tilespmem:$0x1FE90]  }
0xac: {  	v13 =	vadd.s32 v20, v62  }
0xad: {  	v21 =	vsub.f32 v61, v12  }
0xae: {  	v38 =	vld [tilespmem:$0x1FEA0];
	v22 =	vsub.f32 v57, v16;
	v11 =	vadd.s32 v35, v62  }
0xaf: {  	v39 =	vld [tilespmem:$0x1FEB0];
	v41 =	vsub.f32 v56, v17;
	v34 =	vadd.s32 v36, v62;
	[tilespmem:v15+s26+$0x0] =	vst.idx.msk $0xffff, v21  }
0xb0: {  	v15 =	vadd.s32 v37, v62;
	[tilespmem:v40+s26+$0x0] =	vst.idx.msk $0xffff, v22;
	v40 =	vld [tilespmem:$0x1FEC0]  }
0xb1: {  	v20 =	vsub.f32 v55, v12;
	[tilespmem:v13+s26+$0x0] =	vst.idx.msk $0xffff, v41;
	v41 =	vld [tilespmem:$0x1FED0]  }
0xb2: {  	v21 =	vsub.f32 v1, v19  }
0xb3: {  	v12 =	vadd.s32 v38, v62;
	v22 =	vsub.f32 v4, v7;
	[tilespmem:v11+s26+$0x0] =	vst.idx.msk $0xffff, v20  }
0xb4: {  	v13 =	vadd.s32 v39, v62;
	v20 =	vld [tilespmem:$0x1FEE0];
	[tilespmem:v34+s26+$0x0] =	vst.idx.msk $0xffff, v21  }
0xb5: {  	v11 =	vadd.s32 v40, v62;
	[tilespmem:v15+s26+$0x0] =	vst.idx.msk $0xffff, v22;
	v22 =	vld [tilespmem:$0x1FEF0]  }
0xb6: {  	v34 =	vsub.f32 v5, v8;
	v14 =	vadd.s32 v41, v62  }
0xb7: {  	v18 =	vsub.f32 v63, v19  }
0xb8: {  	v16 =	vld [tilespmem:$0x1FF00];
	v21 =	vsub.f32 v6, v7;
	[tilespmem:v12+s26+$0x0] =	vst.idx.msk $0xffff, v34  }
0xb9: {  	v34 =	vsub.f32 v58, v8;
	v15 =	vadd.s32 v20, v62;
	[tilespmem:v13+s26+$0x0] =	vst.idx.msk $0xffff, v18;
	v18 =	vld [tilespmem:$0x1FF10]  }
0xba: {  	v12 =	vadd.s32 v22, v62;
	[tilespmem:v11+s26+$0x0] =	vst.idx.msk $0xffff, v21;
	v21 =	vld [tilespmem:$0x1FF20]  }
0xbb: {  	[tilespmem:v14+s26+$0x0] =	vst.idx.msk $0xffff, v34;
	v34 =	vld [tilespmem:$0x1FF30]  }
0xbc: {  	v17 =	vsub.f32 v60, v19  }
0xbd: {  	v13 =	vadd.s32 v16, v62;
	v20 =	vsub.f32 v59, v7  }
0xbe: {  	v11 =	vadd.s32 v18, v62;
	[tilespmem:v15+s26+$0x0] =	vst.idx.msk $0xffff, v17;
	v18 =	vsub.f32 v57, v19;
	v19 =	vld [tilespmem:$0x1FF40]  }
0xbf: {  	v14 =	vadd.s32 v21, v62;
	[tilespmem:v12+s26+$0x0] =	vst.idx.msk $0xffff, v20;
	v20 =	vld [tilespmem:$0x1FF50]  }
0xc0: {  	v22 =	vsub.f32 v61, v8;
	v15 =	vadd.s32 v34, v62;
	v34 =	vld [tilespmem:$0x1FF80]  }
0xc1: {  	v21 =	vld [tilespmem:$0x1FF60]  }
0xc2: {  	v7 =	vsub.f32 v56, v7;
	[tilespmem:v13+s26+$0x0] =	vst.idx.msk $0xffff, v22;
	v22 =	vld [tilespmem:$0x1FF70]  }
0xc3: {  	v8 =	vsub.f32 v55, v8;
	[tilespmem:v11+s26+$0x0] =	vst.idx.msk $0xffff, v18  }
0xc4: {  	v12 =	vadd.s32 v19, v62;
	[tilespmem:v14+s26+$0x0] =	vst.idx.msk $0xffff, v7  }
0xc5: {  	v9 =	vadd.s32 v20, v62;
	[tilespmem:v15+s26+$0x0] =	vst.idx.msk $0xffff, v8;
	v8 =	vadd.s32 v34, v62;
	v34 =	vld [tilespmem:$0x1FF90]  }
0xc6: {  	v16 =	vld [tilespmem:$0x1FFA0];
	v10 =	vadd.s32 v21, v62  }
0xc7: {  	v1 =	vsub.f32 v1, v3;
	v4 =	vsub.f32 v4, v2;
	v17 =	vld [tilespmem:$0x1FFB0];
	v7 =	vadd.s32 v22, v62  }
0xc8: {  	v13 =	vsub.f32 v63, v3;
	v18 =	vsub.f32 v58, v0;
	v20 =	vld [tilespmem:$0x1FFC0]  }
0xc9: {  	v58 =	vld [tilespmem:$0x1FFD0];
	v14 =	vsub.f32 v6, v2;
	[tilespmem:v12+s26+$0x0] =	vst.idx.msk $0xffff, v1;
	v12 =	vsub.f32 v5, v0  }
0xca: {  	v21 =	vsub.f32 v59, v2;
	v59 =	vld [tilespmem:$0x1FFE0];
	[tilespmem:v9+s26+$0x0] =	vst.idx.msk $0xffff, v4;
	v15 =	vadd.s32 v34, v62  }
0xcb: {  	v22 =	vsub.f32 v61, v0;
	v61 =	vld [tilespmem:$0x1FFF0];
	v4 =	vadd.s32 v16, v62;
	[tilespmem:v10+s26+$0x0] =	vst.idx.msk $0xffff, v12  }
0xcc: {  	v1 =	vadd.s32 v17, v62;
	[tilespmem:v7+s26+$0x0] =	vst.idx.msk $0xffff, v13  }
0xcd: {  	[tilespmem:v8+s26+$0x0] =	vst.idx.msk $0xffff, v14;
	v8 =	vadd.s32 v20, v62  }
0xce: {  	s15 =	sadd.s32 $0x10, s3;
	v19 =	vsub.f32 v60, v3;
	v11 =	vadd.s32 v58, v62  }
0xcf: {  	v60 =	vmov s15;
	v6 =	vmov s22;
	v5 =	vadd.s32 v59, v62;
	[tilespmem:v15+s26+$0x0] =	vst.idx.msk $0xffff, v18  }
0xd0: {  	v63 =	vshll.u32 v60, $0x4;
	v12 =	vshll.u32 v6, $0x4;
	[tilespmem:v4+s26+$0x0] =	vst.idx.msk $0xffff, v19;
	v4 =	vadd.s32 v61, v62  }
0xd1: {  	v16 =	vor.u32 $0xC, v12;
	v7 =	vor.u32 v43, v63;
	v15 =	vsub.f32 v57, v3;
	[tilespmem:v1+s26+$0x0] =	vst.idx.msk $0xffff, v21  }
0xd2: {  	v2 =	vsub.f32 v56, v2;
	v17 =	vor.u32 $0xC, v7;
	[tilespmem:v8+s26+$0x0] =	vst.idx.msk $0xffff, v22  }
0xd3: {  	v0 =	vsub.f32 v55, v0;
	[tilespmem:v11+s26+$0x0] =	vst.idx.msk $0xffff, v15  }
0xd4: {  	[tilespmem:v5+s26+$0x0] =	vst.idx.msk $0xffff, v2  }
0xd5: {  	[tilespmem:v4+s26+$0x0] =	vst.idx.msk $0xffff, v0  }
0xd6: {  	v0 =	vld.idx.msk [tilespmem:v16+s17+$0x0], $0xffff  }
0xd7: {  	v1 =	vld.idx.msk [tilespmem:v17+s19+$0x0], $0xffff;
	_ =	sdelay $0x2  }
0xd8: {  	v18 =	vor.u32 v23, v12;
	_ =	sdelay $0x1  }
0xd9: {  	v1 =	vmul.f32 v1, v0;
	_ =	sdelay $0x1  }
0xda: {  	[tilespmem:s28+$0x0] =	vst v1  }
0xdb: {  	v19 =	vld.idx.msk [tilespmem:v18+s17+$0x0], $0xffff;
	_ =	sdelay $0x2  }
0xdc: {  	v0 =	vmul.f32 $1.000000010e-01, v0  }
0xdd: {  	v20 =	vor.u32 $0x1, v7  }
0xde: {  	v21 =	vor.u32 $0x2, v7;
	v0 =	vmul.f32 v19, v0  }
0xdf: {  	v22 =	vor.u32 $0x3, v7  }
0xe0: {  	v23 =	vor.u32 $0x4, v7;
	[tilespmem:v18+s25+$0x0] =	vst.idx.msk $0xfff, v0  }
0xe1: {  	v43 =	vor.u32 $0x5, v7;
	v2 =	vld.idx.msk [tilespmem:v7+s19+$0x0], $0xffff  }
0xe2: {  	v55 =	vor.u32 $0x6, v7;
	v4 =	vld.idx.msk [tilespmem:v20+s19+$0x0], $0xffff  }
0xe3: {  	v56 =	vor.u32 $0x7, v7;
	v10 =	vld.idx.msk [tilespmem:v21+s19+$0x0], $0xffff  }
0xe4: {  	v57 =	vor.u32 $0x8, v7;
	v13 =	vld.idx.msk [tilespmem:v22+s19+$0x0], $0xffff  }
0xe5: {  	v58 =	vor.u32 $0x9, v7;
	v14 =	vld.idx.msk [tilespmem:v23+s19+$0x0], $0xffff  }
0xe6: {  	v59 =	vor.u32 $0xA, v7;
	v8 =	vld.idx.msk [tilespmem:v43+s19+$0x0], $0xffff  }
0xe7: {  	v9 =	vld.idx.msk [tilespmem:v55+s19+$0x0], $0xffff  }
0xe8: {  	v60 =	vor.u32 $0x1, v12;
	v15 =	vld.idx.msk [tilespmem:v56+s19+$0x0], $0xffff  }
0xe9: {  	v61 =	vor.u32 $0x2, v12;
	v11 =	vld.idx.msk [tilespmem:v57+s19+$0x0], $0xffff  }
0xea: {  	v63 =	vor.u32 $0x4, v12;
	v16 =	vld.idx.msk [tilespmem:v58+s19+$0x0], $0xffff  }
0xeb: {  	v62 =	vor.u32 $0x3, v12;
	v17 =	vld.idx.msk [tilespmem:v59+s19+$0x0], $0xffff  }
0xec: {  	v19 =	vld.idx.msk [tilespmem:v12+s17+$0x0], $0xffff;
	v43 =	vor.u32 $0x5, v12  }
0xed: {  	v1 =	vmul.f32 $1.000000010e-01, v1;
	v21 =	vld.idx.msk [tilespmem:v60+s17+$0x0], $0xffff;
	v55 =	vmul.u32 $0x300, v6  }
0xee: {  	v7 =	vor.u32 $0xB, v7;
	v22 =	vor.u32 $0x6, v12;
	v56 =	vld.idx.msk [tilespmem:v61+s17+$0x0], $0xffff;
	v57 =	vor.u32 $0x7, v12  }
0xef: {  	v58 =	vor.u32 $0x8, v12;
	v18 =	vld.idx.msk [tilespmem:v63+s17+$0x0], $0xffff;
	v60 =	vor.u32 $0x9, v12;
	v63 =	vadd.s32 v46, v55  }
0xf0: {  	v59 =	vld.idx.msk [tilespmem:v62+s17+$0x0], $0xffff;
	v49 =	vadd.s32 v49, v55;
	v62 =	vadd.s32 v26, v55;
	v26 =	vadd.s32 v28, v55  }
0xf1: {  	v28 =	vadd.s32 v29, v55;
	v30 =	vadd.s32 v30, v55;
	v20 =	vld.idx.msk [tilespmem:v43+s17+$0x0], $0xffff;
	v43 =	vor.u32 $0xA, v12  }
0xf2: {  	v6 =	vmul.f32 v2, v1;
	v3 =	vmul.f32 v4, v1;
	v12 =	vor.u32 $0xB, v12  }
0xf3: {  	v7 =	vld.idx.msk [tilespmem:v7+s19+$0x0], $0xffff;
	v5 =	vmul.f32 v10, v1;
	v0 =	vmul.f32 v13, v1;
	v13 =	vadd.s32 v42, v55  }
0xf4: {  	v10 =	vld.idx.msk [tilespmem:v57+s17+$0x0], $0xffff;
	v2 =	vmul.f32 v14, v1;
	v14 =	vmul.f32 v19, v1;
	v57 =	vadd.s32 v44, v55  }
0xf5: {  	v22 =	vld.idx.msk [tilespmem:v22+s17+$0x0], $0xffff;
	v4 =	vmul.f32 v8, v1;
	v8 =	vmul.f32 v21, v1;
	v42 =	vadd.s32 v45, v55  }
0xf6: {  	v21 =	vld.idx.msk [tilespmem:v60+s17+$0x0], $0xffff;
	v60 =	vmul.f32 v56, v1;
	v56 =	vmul.f32 v9, v1;
	v45 =	vadd.s32 v47, v55  }
0xf7: {  	v19 =	vld.idx.msk [tilespmem:v58+s17+$0x0], $0xffff;
	v47 =	vadd.s32 v48, v55;
	v11 =	vmul.f32 v11, v1;
	v16 =	vmul.f32 v16, v1  }
0xf8: {  	v17 =	vmul.f32 v17, v1;
	v18 =	vmul.f32 v18, v1;
	v44 =	vsub.f32 v3, v8  }
0xf9: {  	v58 =	vadd.s32 v38, v55;
	v46 =	vsub.f32 v5, v60;
	v61 =	vld.idx.msk [tilespmem:v43+s17+$0x0], $0xffff;
	v43 =	vsub.f32 v6, v14  }
0xfa: {  	v48 =	vsub.f32 v0, v14;
	v9 =	vld.idx.msk [tilespmem:v12+s17+$0x0], $0xffff;
	v12 =	vmul.f32 v15, v1;
	v7 =	vmul.f32 v7, v1  }
0xfb: {  	v22 =	vmul.f32 v22, v1;
	v10 =	vmul.f32 v10, v1;
	[tilespmem:v13+s26+$0x0] =	vst.idx.msk $0xffff, v43  }
0xfc: {  	v19 =	vmul.f32 v19, v1;
	v43 =	vadd.s32 v50, v55;
	[tilespmem:v57+s26+$0x0] =	vst.idx.msk $0xffff, v44  }
0xfd: {  	v50 =	vadd.s32 v53, v55;
	[tilespmem:v42+s26+$0x0] =	vst.idx.msk $0xffff, v46;
	v42 =	vsub.f32 v2, v8  }
0xfe: {  	v44 =	vsub.f32 v4, v60;
	v46 =	vadd.s32 v51, v55;
	[tilespmem:v63+s26+$0x0] =	vst.idx.msk $0xffff, v48  }
0xff: {  	v48 =	vadd.s32 v52, v55;
	[tilespmem:v45+s26+$0x0] =	vst.idx.msk $0xffff, v42;
	v45 =	vsub.f32 v56, v14  }
0x100: {  	v53 =	vadd.s32 v24, v55;
	[tilespmem:v47+s26+$0x0] =	vst.idx.msk $0xffff, v44;
	v47 =	vsub.f32 v12, v8  }
0x101: {  	v51 =	vadd.s32 v54, v55;
	[tilespmem:v49+s26+$0x0] =	vst.idx.msk $0xffff, v45;
	v49 =	vsub.f32 v11, v60  }
0x102: {  	v54 =	vadd.s32 v25, v55;
	v14 =	vsub.f32 v16, v14;
	[tilespmem:v43+s26+$0x0] =	vst.idx.msk $0xffff, v47  }
0x103: {  	v52 =	vmul.f32 v59, v1;
	v8 =	vsub.f32 v17, v8;
	[tilespmem:v46+s26+$0x0] =	vst.idx.msk $0xffff, v49  }
0x104: {  	v24 =	vadd.s32 v27, v55;
	v60 =	vsub.f32 v7, v60;
	[tilespmem:v48+s26+$0x0] =	vst.idx.msk $0xffff, v14  }
0x105: {  	v63 =	vsub.f32 v6, v52;
	v14 =	vmul.f32 v20, v1;
	[tilespmem:v50+s26+$0x0] =	vst.idx.msk $0xffff, v8  }
0x106: {  	v38 =	vsub.f32 v16, v22;
	v25 =	vsub.f32 v3, v18;
	[tilespmem:v51+s26+$0x0] =	vst.idx.msk $0xffff, v60  }
0x107: {  	v57 =	vadd.s32 v37, v55;
	v50 =	vld [tilespmem:$0x1FE60];
	v27 =	vsub.f32 v5, v14;
	[tilespmem:v53+s26+$0x0] =	vst.idx.msk $0xffff, v63  }
0x108: {  	v42 =	vsub.f32 v2, v18;
	v29 =	vsub.f32 v0, v52;
	[tilespmem:v54+s26+$0x0] =	vst.idx.msk $0xffff, v25  }
0x109: {  	v45 =	vadd.s32 v32, v55;
	v43 =	vadd.s32 v31, v55;
	[tilespmem:v62+s26+$0x0] =	vst.idx.msk $0xffff, v27  }
0x10a: {  	v47 =	vsub.f32 v12, v18;
	v44 =	vsub.f32 v4, v14;
	[tilespmem:v24+s26+$0x0] =	vst.idx.msk $0xffff, v29  }
0x10b: {  	v46 =	vsub.f32 v56, v52;
	v48 =	vadd.s32 v33, v55;
	[tilespmem:v26+s26+$0x0] =	vst.idx.msk $0xffff, v42  }
0x10c: {  	v49 =	vsub.f32 v11, v14;
	v13 =	vadd.s32 v50, v55;
	[tilespmem:v28+s26+$0x0] =	vst.idx.msk $0xffff, v44  }
0x10d: {  	v51 =	vsub.f32 v16, v52;
	v52 =	vadd.s32 v35, v55;
	[tilespmem:v30+s26+$0x0] =	vst.idx.msk $0xffff, v46  }
0x10e: {  	v37 =	vsub.f32 v11, v19;
	v53 =	vadd.s32 v36, v55;
	[tilespmem:v43+s26+$0x0] =	vst.idx.msk $0xffff, v47  }
0x10f: {  	v59 =	vsub.f32 v6, v22;
	v54 =	vsub.f32 v17, v18;
	v27 =	vld [tilespmem:$0x1FEE0];
	[tilespmem:v45+s26+$0x0] =	vst.idx.msk $0xffff, v49  }
0x110: {  	v32 =	vsub.f32 v56, v22;
	v14 =	vsub.f32 v7, v14;
	v29 =	vld [tilespmem:$0x1FEF0];
	[tilespmem:v48+s26+$0x0] =	vst.idx.msk $0xffff, v51  }
0x111: {  	v31 =	vld [tilespmem:$0x1FF00];
	v60 =	vadd.s32 v39, v55;
	v35 =	vsub.f32 v12, v10;
	[tilespmem:v13+s26+$0x0] =	vst.idx.msk $0xffff, v54  }
0x112: {  	v33 =	vld [tilespmem:$0x1FF10];
	v63 =	vadd.s32 v40, v55;
	v62 =	vsub.f32 v3, v10;
	[tilespmem:v52+s26+$0x0] =	vst.idx.msk $0xffff, v14  }
0x113: {  	v36 =	vld [tilespmem:$0x1FF20];
	v25 =	vadd.s32 v41, v55;
	v24 =	vsub.f32 v5, v19;
	[tilespmem:v53+s26+$0x0] =	vst.idx.msk $0xffff, v59  }
0x114: {  	v40 =	vld [tilespmem:$0x1FF30];
	v26 =	vsub.f32 v0, v22;
	v18 =	vadd.s32 v27, v55;
	[tilespmem:v57+s26+$0x0] =	vst.idx.msk $0xffff, v62  }
0x115: {  	v41 =	vld [tilespmem:$0x1FF40];
	v28 =	vsub.f32 v2, v10;
	v20 =	vadd.s32 v29, v55;
	[tilespmem:v58+s26+$0x0] =	vst.idx.msk $0xffff, v24  }
0x116: {  	v30 =	vsub.f32 v4, v19;
	v43 =	vld [tilespmem:$0x1FF50];
	v14 =	vadd.s32 v31, v55;
	[tilespmem:v60+s26+$0x0] =	vst.idx.msk $0xffff, v26  }
0x117: {  	v39 =	vsub.f32 v17, v10;
	v15 =	vadd.s32 v33, v55;
	v46 =	vld [tilespmem:$0x1FF60];
	[tilespmem:v63+s26+$0x0] =	vst.idx.msk $0xffff, v28  }
0x118: {  	v42 =	vmul.f32 v21, v1;
	v23 =	vadd.s32 v36, v55;
	v47 =	vld [tilespmem:$0x1FF70];
	[tilespmem:v25+s26+$0x0] =	vst.idx.msk $0xffff, v30  }
0x119: {  	v10 =	vadd.s32 v40, v55;
	v44 =	vmul.f32 v61, v1;
	v48 =	vld [tilespmem:$0x1FF80];
	[tilespmem:v18+s26+$0x0] =	vst.idx.msk $0xffff, v32  }
0x11a: {  	v1 =	vmul.f32 v9, v1;
	v13 =	vadd.s32 v41, v55;
	[tilespmem:v20+s26+$0x0] =	vst.idx.msk $0xffff, v35  }
0x11b: {  	v50 =	vld [tilespmem:$0x1FFA0];
	v6 =	vsub.f32 v6, v42;
	v8 =	vadd.s32 v43, v55;
	[tilespmem:v14+s26+$0x0] =	vst.idx.msk $0xffff, v37  }
0x11c: {  	v45 =	vsub.f32 v7, v19;
	v51 =	vld [tilespmem:$0x1FFB0];
	v19 =	vadd.s32 v46, v55;
	[tilespmem:v15+s26+$0x0] =	vst.idx.msk $0xffff, v38  }
0x11d: {  	v3 =	vsub.f32 v3, v44;
	v9 =	vadd.s32 v47, v55;
	v53 =	vld [tilespmem:$0x1FFC0];
	[tilespmem:v23+s26+$0x0] =	vst.idx.msk $0xffff, v39  }
0x11e: {  	v54 =	vsub.f32 v56, v42;
	v56 =	vld [tilespmem:$0x1FFD0];
	[tilespmem:v10+s26+$0x0] =	vst.idx.msk $0xffff, v45;
	v10 =	vadd.s32 v48, v55  }
0x11f: {  	v5 =	vsub.f32 v5, v1;
	v49 =	vadd.s32 v34, v55;
	v58 =	vld [tilespmem:$0x1FFE0];
	[tilespmem:v13+s26+$0x0] =	vst.idx.msk $0xffff, v6  }
0x120: {  	v0 =	vsub.f32 v0, v42;
	v60 =	vld [tilespmem:$0x1FFF0];
	[tilespmem:v8+s26+$0x0] =	vst.idx.msk $0xffff, v3;
	v3 =	vadd.s32 v50, v55  }
0x121: {  	v2 =	vsub.f32 v2, v44;
	[tilespmem:v19+s26+$0x0] =	vst.idx.msk $0xffff, v5;
	v5 =	vadd.s32 v51, v55  }
0x122: {  	v52 =	vsub.f32 v4, v1;
	v4 =	vadd.s32 v53, v55;
	[tilespmem:v9+s26+$0x0] =	vst.idx.msk $0xffff, v0  }
0x123: {  	v8 =	vadd.s32 v56, v55;
	[tilespmem:v10+s26+$0x0] =	vst.idx.msk $0xffff, v2  }
0x124: {  	v57 =	vsub.f32 v12, v44;
	v6 =	vadd.s32 v58, v55;
	[tilespmem:v49+s26+$0x0] =	vst.idx.msk $0xffff, v52  }
0x125: {  	p2 =	sne.s32 s22, $0x2F;
	v59 =	vsub.f32 v11, v1;
	[tilespmem:v3+s26+$0x0] =	vst.idx.msk $0xffff, v54;
	v3 =	vadd.s32 v60, v55  }
.Ltmp2:
0x126: {  	v61 =	vsub.f32 v16, v42;
	[tilespmem:v5+s26+$0x0] =	vst.idx.msk $0xffff, v57;
	(pc) =	sbr.rel @p2 .LBB2_6-.Ltmp2, $4  }
0x127: {  	v62 =	vsub.f32 v17, v44;
	[tilespmem:v4+s26+$0x0] =	vst.idx.msk $0xffff, v59  }
0x128: {  	v63 =	vsub.f32 v7, v1;
	[tilespmem:v8+s26+$0x0] =	vst.idx.msk $0xffff, v61  }
0x129: {  	[tilespmem:v6+s26+$0x0] =	vst.idx.msk $0xffff, v62  }
0x12a: {  	s3 =	sadd.s32 $0x20, s3;
	s22 =	sadd.s32 $0x2, s22;
	s28 =	sadd.s32 $0x20, s28;
	[tilespmem:v3+s26+$0x0] =	vst.idx.msk $0xffff, v63  }
0x12b: {  	s3 =	sadd.s32 s1, s14  }
0x12c: {  	s15 =	smul.u32 $0x60, s3;
	_ =	sdelay $0x1  }
0x12d: {  	s3 =	sshll.u32 s3, $0x1;
	s15 =	sadd.s32 s4, s15  }
0x12e: {  	[hbm4b:s15+s5] =	stream.linear.scatter [tilespmem:s26], [sflag:$0x5], $0x9000, $0x38;
	[tilespmem:$0x19860] =	vst v63  }
0x12f: {  	s22 =	simm.s32 $0x18C60;
	s28 =	sadd.s32 s7, s3  }
0x130: {  	[hbm4b:s28+s5] =	stream.linear.scatter [tilespmem:s22], [sflag:$0x5], $0x300, $0x38;
	[tilespmem:$0x19860] =	vst v63  }
0x131: {  	s3 =	sadd.s32 s8, s3  }
0x132: {  	[hbm4b:s3+s5] =	stream.linear.scatter [tilespmem:s25], [sflag:$0x5], $0x300, $0x38;
	[tilespmem:$0x19860] =	vst v63  }
0x133: {  	_ =	swait.ge [sflag:s29], $0x300  }
0x134: {  	[sflag:s29] =	ssyncset.done $0x0  }
0x135: {  	[sflag:s29] =	ssyncadd.s32 $0xFFFFFD00  }
0x136: {  	_ =	swait.ge [sflag:s29], $0x3000  }
0x137: {  	[sflag:s29] =	ssyncset.done $0x0  }
0x138: {  	s3 =	simm.s32 @!p0 $0x1;
	[sflag:s29] =	ssyncadd.s32 $0xFFFFD000  }
0x139: {  	_ =	swait.ge @!p0 [sflag:s3], $0x300  }
0x13a: {  	v0 =	vlaneseq.u32 @!p0;
	[sflag:s3] =	ssyncset.done @!p0 $0x0  }
0x13b: {  	s14 =	smin.u32 @!p0 s14, $0xB75;
	v1 =	vadd.s32 @!p0 s9, v0;
	v2 =	vor.u32 @!p0 $0x10, v0;
	v0 =	vor.u32 @!p0 $0x20, v0;
	[sflag:s3] =	ssyncadd.s32 @!p0 $0xFFFFFD00  }
0x13c: {  	s14 =	sadd.s32 @!p0 s14, s12;
	v0 =	vadd.s32 @!p0 s9, v0;
	[tilespmem:$0x600] =	vst @!p0 v1  }
0x13d: {  	s14 =	sshll.u32 @!p0 s14, $0x1;
	v1 =	vadd.s32 @!p0 s9, v2;
	[tilespmem:$0x620] =	vst @!p0 v0  }
0x13e: {  	s15 =	simm.s32 @!p0 $0x660;
	s3 =	simm.s32 @!p0 $0x30;
	s9 =	simm.s32 @!p0 $0x600;
	[tilespmem:$0x610] =	vst @!p0 v1  }
0x13f: {  	[tilespmem:s15], [sflag:$0x3] =	stream.indirect.gather @!p0 [hbm4b:s2+s3], $0x10, s9, s3, $0xb8;
	[tilespmem:$0x19860] =	vst v63  }
0x140: {  	s3 =	simm.s32 @!p0 $0x300;
	s9 =	simm.s32 @!p0 $0x0;
	s15 =	simm.s32 @!p0 $0xC60  }
0x141: {  	[tilespmem:s15], [sflag:$0x3] =	stream.indirect.gather @!p0 [hbm4b:s2+s3], $0x10, s9, s3, $0xb8;
	[tilespmem:$0x19860] =	vst v63  }
0x142: {  	s14 =	sadd.s32 @!p0 s6, s14  }
0x143: {  	[tilespmem:s3], [sflag:$0x2] =	stream.linear.gather @!p0 [hbm4b:s14+s9], $0x300, $0x38;
	[tilespmem:$0x19860] =	vst v63  }
0x144: {  	p0 =	por p0, !p1  }
0x145: {  	_ =	swait.ge @p0 [sflag:s16], $0x9000  }
0x146: {  	[sflag:s16] =	ssyncset.done @p0 $0x0  }
0x147: {  	[sflag:s16] =	ssyncadd.s32 @p0 $0xFFFF7000  }
0x148: {  	_ =	swait.ge @p0 [sflag:s16], $0x300  }
0x149: {  	[sflag:s16] =	ssyncset.done @p0 $0x0  }
0x14a: {  	[sflag:s16] =	ssyncadd.s32 @p0 $0xFFFFFD00  }
0x14b: {  	_ =	swait.ge @p0 [sflag:s16], $0x300  }
0x14c: {  	s9 =	simm.s32 $0x1;
	[sflag:s16] =	ssyncset.done @p0 $0x0  }
0x14d: {  	s14 =	simm.s32 $0x18F70;
	s3 =	simm.s32 $0x0;
	[sflag:s16] =	ssyncadd.s32 @p0 $0xFFFFFD00  }
.LBB2_8:
0x14e: {  	v44 =	vld [tilespmem:$0x1FD00];
	_ =	sdelay $0x1  }
0x14f: {  	s15 =	sadd.s32 $0xFFFFFFFF, s9  }
0x150: {  	v1 =	vmov s3;
	v0 =	vmov s15  }
0x151: {  	v1 =	vshll.u32 v1, $0x4;
	v2 =	vshll.u32 v0, $0x4  }
0x152: {  	v3 =	vor.u32 $0xC, v2;
	v1 =	vor.u32 v44, v1  }
0x153: {  	v4 =	vor.u32 $0xC, v1;
	_ =	sdelay $0x3  }
0x154: {  	v3 =	vld.idx.msk [tilespmem:v3+s23+$0x0], $0xffff  }
0x155: {  	v4 =	vld.idx.msk [tilespmem:v4+s24+$0x0], $0xffff;
	_ =	sdelay $0x1  }
0x156: {  	v5 =	vlaneseq.u32  }
0x157: {  	v5 =	vor.u32 v5, v2;
	_ =	sdelay $0x1  }
0x158: {  	v4 =	vmul.f32 v4, v3;
	_ =	sdelay $0x1  }
0x159: {  	[tilespmem:s14+$0xFFFFFFF0] =	vst v4  }
0x15a: {  	v6 =	vld.idx.msk [tilespmem:v5+s23+$0x0], $0xffff;
	_ =	sdelay $0x2  }
0x15b: {  	v3 =	vmul.f32 $1.000000010e-01, v3  }
0x15c: {  	v7 =	vor.u32 $0x1, v1  }
0x15d: {  	v40 =	vor.u32 $0x2, v1;
	v3 =	vmul.f32 v6, v3  }
0x15e: {  	v8 =	vor.u32 $0x3, v1  }
0x15f: {  	v41 =	vor.u32 $0x4, v1;
	[tilespmem:v5+s30+$0x0] =	vst.idx.msk $0xfff, v3  }
0x160: {  	v9 =	vor.u32 $0x5, v1;
	v5 =	vld.idx.msk [tilespmem:v1+s24+$0x0], $0xffff  }
0x161: {  	v10 =	vor.u32 $0x6, v1;
	v7 =	vld.idx.msk [tilespmem:v7+s24+$0x0], $0xffff  }
0x162: {  	v11 =	vor.u32 $0x7, v1;
	v6 =	vld.idx.msk [tilespmem:v40+s24+$0x0], $0xffff  }
0x163: {  	v12 =	vor.u32 $0x8, v1;
	v8 =	vld.idx.msk [tilespmem:v8+s24+$0x0], $0xffff  }
0x164: {  	v13 =	vor.u32 $0x9, v1;
	v3 =	vld.idx.msk [tilespmem:v41+s24+$0x0], $0xffff  }
0x165: {  	v14 =	vor.u32 $0xA, v1;
	v9 =	vld.idx.msk [tilespmem:v9+s24+$0x0], $0xffff  }
0x166: {  	v10 =	vld.idx.msk [tilespmem:v10+s24+$0x0], $0xffff  }
0x167: {  	v15 =	vor.u32 $0x1, v2;
	v11 =	vld.idx.msk [tilespmem:v11+s24+$0x0], $0xffff  }
0x168: {  	v16 =	vor.u32 $0x2, v2;
	v12 =	vld.idx.msk [tilespmem:v12+s24+$0x0], $0xffff  }
0x169: {  	v17 =	vor.u32 $0x3, v2;
	v13 =	vld.idx.msk [tilespmem:v13+s24+$0x0], $0xffff  }
0x16a: {  	v21 =	vor.u32 $0x5, v2;
	v14 =	vld.idx.msk [tilespmem:v14+s24+$0x0], $0xffff  }
0x16b: {  	v22 =	vor.u32 $0x6, v2;
	v20 =	vld.idx.msk [tilespmem:v2+s23+$0x0], $0xffff  }
0x16c: {  	v55 =	vor.u32 $0x7, v2;
	v15 =	vld.idx.msk [tilespmem:v15+s23+$0x0], $0xffff  }
0x16d: {  	v56 =	vor.u32 $0x8, v2;
	v16 =	vld.idx.msk [tilespmem:v16+s23+$0x0], $0xffff  }
0x16e: {  	v43 =	vor.u32 $0x9, v2;
	v17 =	vld.idx.msk [tilespmem:v17+s23+$0x0], $0xffff  }
0x16f: {  	v46 =	vor.u32 $0xA, v2;
	v45 =	vld.idx.msk [tilespmem:v21+s23+$0x0], $0xffff  }
0x170: {  	v1 =	vor.u32 $0xB, v1;
	v47 =	vld.idx.msk [tilespmem:v22+s23+$0x0], $0xffff  }
0x171: {  	v48 =	vld.idx.msk [tilespmem:v55+s23+$0x0], $0xffff  }
0x172: {  	v49 =	vld.idx.msk [tilespmem:v56+s23+$0x0], $0xffff  }
0x173: {  	v50 =	vld.idx.msk [tilespmem:v43+s23+$0x0], $0xffff  }
0x174: {  	v19 =	vor.u32 $0x4, v2;
	v23 =	vmul.f32 $1.000000010e-01, v4;
	v51 =	vld.idx.msk [tilespmem:v46+s23+$0x0], $0xffff  }
0x175: {  	v18 =	vld.idx.msk [tilespmem:v1+s24+$0x0], $0xffff  }
0x176: {  	v2 =	vor.u32 $0xB, v2;
	v43 =	vld [tilespmem:$0x1FCA0];
	v1 =	vmul.f32 v5, v23;
	v4 =	vmul.f32 v7, v23  }
0x177: {  	v63 =	vmul.f32 v8, v23;
	v8 =	vmul.f32 v45, v23;
	v45 =	vld [tilespmem:$0x1FD10]  }
0x178: {  	v46 =	vld [tilespmem:$0x1FD20];
	v5 =	vmul.f32 v6, v23;
	v6 =	vmul.f32 v3, v23  }
0x179: {  	v62 =	vmul.u32 $0x300, v0;
	v42 =	vld.idx.msk [tilespmem:v19+s23+$0x0], $0xffff;
	v58 =	vmul.f32 v9, v23;
	v60 =	vmul.f32 v10, v23  }
0x17a: {  	v55 =	vmul.f32 v18, v23;
	v18 =	vmul.f32 v47, v23;
	v47 =	vld [tilespmem:$0x1FD30]  }
0x17b: {  	v61 =	vmul.f32 v12, v23;
	v57 =	vmul.f32 v13, v23;
	v2 =	vld.idx.msk [tilespmem:v2+s23+$0x0], $0xffff;
	v52 =	vadd.s32 v43, v62  }
0x17c: {  	v12 =	vmul.f32 v20, v23;
	v9 =	vmul.f32 v48, v23;
	v48 =	vld [tilespmem:$0x1FD40];
	v53 =	vadd.s32 v45, v62  }
0x17d: {  	v13 =	vmul.f32 v15, v23;
	v10 =	vmul.f32 v49, v23;
	v54 =	vadd.s32 v46, v62;
	v49 =	vld [tilespmem:$0x1FD50]  }
0x17e: {  	v15 =	vmul.f32 v16, v23;
	v3 =	vmul.f32 v50, v23;
	v50 =	vld [tilespmem:$0x1FD60];
	v24 =	vsub.f32 v1, v12  }
0x17f: {  	v0 =	vmul.f32 v51, v23;
	v51 =	vld [tilespmem:$0x1FD70];
	v26 =	vsub.f32 v4, v13;
	v25 =	vadd.s32 v47, v62  }
0x180: {  	v59 =	vmul.f32 v11, v23;
	v28 =	vsub.f32 v5, v15;
	[tilespmem:v52+s31+$0x0] =	vst.idx.msk $0xffff, v24;
	v52 =	vld [tilespmem:$0x1FD80]  }
0x181: {  	v56 =	vmul.f32 v14, v23;
	v27 =	vadd.s32 v48, v62;
	[tilespmem:v53+s31+$0x0] =	vst.idx.msk $0xffff, v26;
	v53 =	vld [tilespmem:$0x1FD90]  }
0x182: {  	v30 =	vsub.f32 v63, v12;
	v29 =	vadd.s32 v49, v62;
	[tilespmem:v54+s31+$0x0] =	vst.idx.msk $0xffff, v28;
	v54 =	vld [tilespmem:$0x1FDA0]  }
0x183: {  	v16 =	vmul.f32 v17, v23;
	v7 =	vmul.f32 v42, v23;
	v31 =	vadd.s32 v50, v62;
	v24 =	vld [tilespmem:$0x1FDB0]  }
0x184: {  	v32 =	vsub.f32 v6, v13;
	v33 =	vadd.s32 v51, v62;
	[tilespmem:v25+s31+$0x0] =	vst.idx.msk $0xffff, v30;
	v25 =	vld [tilespmem:$0x1FDC0]  }
0x185: {  	v34 =	vsub.f32 v58, v15;
	v36 =	vsub.f32 v60, v12;
	v35 =	vadd.s32 v52, v62;
	v26 =	vld [tilespmem:$0x1FDD0]  }
0x186: {  	v38 =	vsub.f32 v59, v13;
	v37 =	vadd.s32 v53, v62;
	[tilespmem:v27+s31+$0x0] =	vst.idx.msk $0xffff, v32;
	v27 =	vld [tilespmem:$0x1FDE0]  }
0x187: {  	v40 =	vsub.f32 v61, v15;
	v28 =	vld [tilespmem:$0x1FDF0];
	v39 =	vadd.s32 v54, v62;
	[tilespmem:v29+s31+$0x0] =	vst.idx.msk $0xffff, v34  }
0x188: {  	v12 =	vsub.f32 v57, v12;
	v41 =	vadd.s32 v24, v62;
	[tilespmem:v31+s31+$0x0] =	vst.idx.msk $0xffff, v36  }
0x189: {  	v20 =	vsub.f32 v56, v13;
	[tilespmem:v33+s31+$0x0] =	vst.idx.msk $0xffff, v38;
	v42 =	vadd.s32 v25, v62  }
0x18a: {  	v2 =	vmul.f32 v2, v23;
	v23 =	vadd.s32 v26, v62;
	v29 =	vld [tilespmem:$0x1FE00];
	[tilespmem:v35+s31+$0x0] =	vst.idx.msk $0xffff, v40  }
0x18b: {  	v33 =	vsub.f32 v55, v15;
	[tilespmem:v37+s31+$0x0] =	vst.idx.msk $0xffff, v12;
	v34 =	vadd.s32 v27, v62  }
0x18c: {  	v30 =	vld [tilespmem:$0x1FE10];
	v36 =	vadd.s32 v28, v62;
	v35 =	vsub.f32 v1, v16;
	[tilespmem:v39+s31+$0x0] =	vst.idx.msk $0xffff, v20  }
0x18d: {  	v31 =	vld [tilespmem:$0x1FE20];
	v37 =	vsub.f32 v4, v7;
	[tilespmem:v41+s31+$0x0] =	vst.idx.msk $0xffff, v33  }
0x18e: {  	v32 =	vld [tilespmem:$0x1FE30];
	v39 =	vsub.f32 v5, v8;
	[tilespmem:v42+s31+$0x0] =	vst.idx.msk $0xffff, v35  }
0x18f: {  	v38 =	vadd.s32 v29, v62;
	v41 =	vsub.f32 v63, v16;
	v33 =	vld [tilespmem:$0x1FE40];
	[tilespmem:v23+s31+$0x0] =	vst.idx.msk $0xffff, v37  }
0x190: {  	[tilespmem:v34+s31+$0x0] =	vst.idx.msk $0xffff, v39;
	v34 =	vld [tilespmem:$0x1FE50]  }
0x191: {  	v40 =	vadd.s32 v30, v62;
	[tilespmem:v36+s31+$0x0] =	vst.idx.msk $0xffff, v41;
	v41 =	vld [tilespmem:$0x1FE60]  }
0x192: {  	v20 =	vsub.f32 v6, v7;
	v42 =	vadd.s32 v31, v62;
	v36 =	vld [tilespmem:$0x1FE70]  }
0x193: {  	v21 =	vadd.s32 v32, v62;
	v37 =	vld [tilespmem:$0x1FE80]  }
0x194: {  	v22 =	vsub.f32 v58, v8;
	v17 =	vadd.s32 v33, v62;
	[tilespmem:v38+s31+$0x0] =	vst.idx.msk $0xffff, v20;
	v38 =	vld [tilespmem:$0x1FE90]  }
0x195: {  	v23 =	vsub.f32 v60, v16;
	v35 =	vadd.s32 v34, v62  }
0x196: {  	[tilespmem:v40+s31+$0x0] =	vst.idx.msk $0xffff, v22;
	v40 =	vsub.f32 v59, v7;
	v14 =	vadd.s32 v41, v62  }
0x197: {  	[tilespmem:v42+s31+$0x0] =	vst.idx.msk $0xffff, v23;
	v42 =	vsub.f32 v61, v8;
	v20 =	vadd.s32 v36, v62  }
0x198: {  	v22 =	vadd.s32 v37, v62;
	[tilespmem:v21+s31+$0x0] =	vst.idx.msk $0xffff, v40;
	v21 =	vsub.f32 v57, v16  }
0x199: {  	v7 =	vsub.f32 v56, v7;
	[tilespmem:v17+s31+$0x0] =	vst.idx.msk $0xffff, v42;
	v23 =	vadd.s32 v38, v62  }
0x19a: {  	v39 =	vld [tilespmem:$0x1FEA0];
	v8 =	vsub.f32 v55, v8;
	[tilespmem:v35+s31+$0x0] =	vst.idx.msk $0xffff, v21  }
0x19b: {  	v40 =	vld [tilespmem:$0x1FEB0];
	v17 =	vsub.f32 v1, v18;
	[tilespmem:v14+s31+$0x0] =	vst.idx.msk $0xffff, v7  }
0x19c: {  	v19 =	vsub.f32 v4, v9;
	v41 =	vld [tilespmem:$0x1FEC0];
	[tilespmem:v20+s31+$0x0] =	vst.idx.msk $0xffff, v8  }
0x19d: {  	v42 =	vld [tilespmem:$0x1FED0];
	[tilespmem:v22+s31+$0x0] =	vst.idx.msk $0xffff, v17  }
0x19e: {  	[tilespmem:v23+s31+$0x0] =	vst.idx.msk $0xffff, v19;
	v23 =	vld [tilespmem:$0x1FEE0]  }
0x19f: {  	v16 =	vld [tilespmem:$0x1FEF0];
	v35 =	vadd.s32 v39, v62  }
0x1a0: {  	v14 =	vadd.s32 v40, v62;
	v19 =	vld [tilespmem:$0x1FF00]  }
0x1a1: {  	v20 =	vadd.s32 v41, v62  }
0x1a2: {  	v21 =	vsub.f32 v5, v10;
	v15 =	vadd.s32 v42, v62  }
0x1a3: {  	v22 =	vsub.f32 v63, v18;
	v11 =	vadd.s32 v23, v62  }
0x1a4: {  	v12 =	vadd.s32 v16, v62;
	[tilespmem:v35+s31+$0x0] =	vst.idx.msk $0xffff, v21;
	v35 =	vsub.f32 v6, v9  }
0x1a5: {  	v16 =	vld [tilespmem:$0x1FF30];
	v17 =	vsub.f32 v58, v10;
	[tilespmem:v14+s31+$0x0] =	vst.idx.msk $0xffff, v22;
	v14 =	vadd.s32 v19, v62  }
0x1a6: {  	v21 =	vld [tilespmem:$0x1FF10];
	[tilespmem:v20+s31+$0x0] =	vst.idx.msk $0xffff, v35;
	v20 =	vsub.f32 v60, v18  }
0x1a7: {  	v22 =	vsub.f32 v59, v9;
	[tilespmem:v15+s31+$0x0] =	vst.idx.msk $0xffff, v17;
	v23 =	vld [tilespmem:$0x1FF20]  }
0x1a8: {  	v35 =	vsub.f32 v61, v10;
	v17 =	vsub.f32 v57, v18;
	v18 =	vld [tilespmem:$0x1FF40];
	[tilespmem:v11+s31+$0x0] =	vst.idx.msk $0xffff, v20  }
0x1a9: {  	v20 =	vld [tilespmem:$0x1FF50];
	[tilespmem:v12+s31+$0x0] =	vst.idx.msk $0xffff, v22  }
0x1aa: {  	[tilespmem:v14+s31+$0x0] =	vst.idx.msk $0xffff, v35;
	v35 =	vld [tilespmem:$0x1FF80]  }
0x1ab: {  	v13 =	vadd.s32 v21, v62;
	v22 =	vld [tilespmem:$0x1FF60]  }
0x1ac: {  	v15 =	vadd.s32 v23, v62;
	v23 =	vld [tilespmem:$0x1FF70]  }
0x1ad: {  	v11 =	vadd.s32 v16, v62  }
0x1ae: {  	v4 =	vsub.f32 v4, v0;
	v12 =	vadd.s32 v18, v62  }
0x1af: {  	v19 =	vsub.f32 v56, v9;
	v9 =	vadd.s32 v20, v62;
	v8 =	vadd.s32 v35, v62;
	v35 =	vld [tilespmem:$0x1FF90]  }
0x1b0: {  	v21 =	vsub.f32 v55, v10;
	[tilespmem:v13+s31+$0x0] =	vst.idx.msk $0xffff, v17;
	v17 =	vld [tilespmem:$0x1FFA0];
	v10 =	vadd.s32 v22, v62  }
0x1b1: {  	v1 =	vsub.f32 v1, v3;
	v18 =	vld [tilespmem:$0x1FFB0];
	[tilespmem:v15+s31+$0x0] =	vst.idx.msk $0xffff, v19;
	v7 =	vadd.s32 v23, v62  }
0x1b2: {  	v14 =	vsub.f32 v63, v3;
	v13 =	vsub.f32 v5, v2;
	[tilespmem:v11+s31+$0x0] =	vst.idx.msk $0xffff, v21;
	v21 =	vld [tilespmem:$0x1FFC0]  }
0x1b3: {  	v15 =	vsub.f32 v6, v0;
	v19 =	vsub.f32 v58, v2;
	v58 =	vld [tilespmem:$0x1FFD0];
	[tilespmem:v12+s31+$0x0] =	vst.idx.msk $0xffff, v1  }
0x1b4: {  	v22 =	vsub.f32 v59, v0;
	v59 =	vld [tilespmem:$0x1FFE0];
	[tilespmem:v9+s31+$0x0] =	vst.idx.msk $0xffff, v4;
	v16 =	vadd.s32 v35, v62  }
0x1b5: {  	v23 =	vsub.f32 v61, v2;
	v61 =	vld [tilespmem:$0x1FFF0];
	v4 =	vadd.s32 v17, v62;
	[tilespmem:v10+s31+$0x0] =	vst.idx.msk $0xffff, v13  }
0x1b6: {  	v1 =	vadd.s32 v18, v62;
	[tilespmem:v7+s31+$0x0] =	vst.idx.msk $0xffff, v14  }
0x1b7: {  	[tilespmem:v8+s31+$0x0] =	vst.idx.msk $0xffff, v15;
	v8 =	vadd.s32 v21, v62  }
0x1b8: {  	s28 =	sadd.s32 $0x10, s3;
	v20 =	vsub.f32 v60, v3;
	v11 =	vadd.s32 v58, v62  }
0x1b9: {  	v6 =	vmov s9;
	v60 =	vmov s28;
	v5 =	vadd.s32 v59, v62;
	[tilespmem:v16+s31+$0x0] =	vst.idx.msk $0xffff, v19  }
0x1ba: {  	v63 =	vshll.u32 v60, $0x4;
	v12 =	vshll.u32 v6, $0x4;
	[tilespmem:v4+s31+$0x0] =	vst.idx.msk $0xffff, v20;
	v4 =	vadd.s32 v61, v62  }
0x1bb: {  	v13 =	vsub.f32 v57, v3;
	v14 =	vor.u32 $0xC, v12;
	v7 =	vor.u32 v44, v63;
	[tilespmem:v1+s31+$0x0] =	vst.idx.msk $0xffff, v22  }
0x1bc: {  	v0 =	vsub.f32 v56, v0;
	v15 =	vor.u32 $0xC, v7;
	[tilespmem:v8+s31+$0x0] =	vst.idx.msk $0xffff, v23  }
0x1bd: {  	v16 =	vsub.f32 v55, v2;
	[tilespmem:v11+s31+$0x0] =	vst.idx.msk $0xffff, v13  }
0x1be: {  	[tilespmem:v5+s31+$0x0] =	vst.idx.msk $0xffff, v0  }
0x1bf: {  	[tilespmem:v4+s31+$0x0] =	vst.idx.msk $0xffff, v16  }
0x1c0: {  	v0 =	vld.idx.msk [tilespmem:v14+s23+$0x0], $0xffff  }
0x1c1: {  	v1 =	vld.idx.msk [tilespmem:v15+s24+$0x0], $0xffff;
	_ =	sdelay $0x1  }
0x1c2: {  	v17 =	vlaneseq.u32  }
0x1c3: {  	v2 =	vor.u32 v17, v12;
	_ =	sdelay $0x1  }
0x1c4: {  	v1 =	vmul.f32 v1, v0;
	_ =	sdelay $0x1  }
0x1c5: {  	[tilespmem:s14+$0x0] =	vst v1  }
0x1c6: {  	v18 =	vld.idx.msk [tilespmem:v2+s23+$0x0], $0xffff;
	_ =	sdelay $0x2  }
0x1c7: {  	v0 =	vmul.f32 $1.000000010e-01, v0  }
0x1c8: {  	v19 =	vor.u32 $0x1, v7  }
0x1c9: {  	v20 =	vor.u32 $0x2, v7;
	v0 =	vmul.f32 v18, v0  }
0x1ca: {  	v21 =	vor.u32 $0x3, v7  }
0x1cb: {  	v22 =	vor.u32 $0x4, v7;
	[tilespmem:v2+s30+$0x0] =	vst.idx.msk $0xfff, v0  }
0x1cc: {  	v23 =	vor.u32 $0x5, v7;
	v2 =	vld.idx.msk [tilespmem:v7+s24+$0x0], $0xffff  }
0x1cd: {  	v44 =	vor.u32 $0x6, v7;
	v4 =	vld.idx.msk [tilespmem:v19+s24+$0x0], $0xffff  }
0x1ce: {  	v55 =	vor.u32 $0x7, v7;
	v10 =	vld.idx.msk [tilespmem:v20+s24+$0x0], $0xffff  }
0x1cf: {  	v56 =	vor.u32 $0x8, v7;
	v13 =	vld.idx.msk [tilespmem:v21+s24+$0x0], $0xffff  }
0x1d0: {  	v57 =	vor.u32 $0x9, v7;
	v14 =	vld.idx.msk [tilespmem:v22+s24+$0x0], $0xffff  }
0x1d1: {  	v58 =	vor.u32 $0xA, v7;
	v8 =	vld.idx.msk [tilespmem:v23+s24+$0x0], $0xffff  }
0x1d2: {  	v9 =	vld.idx.msk [tilespmem:v44+s24+$0x0], $0xffff  }
0x1d3: {  	v59 =	vor.u32 $0x1, v12;
	v15 =	vld.idx.msk [tilespmem:v55+s24+$0x0], $0xffff  }
0x1d4: {  	v60 =	vor.u32 $0x2, v12;
	v11 =	vld.idx.msk [tilespmem:v56+s24+$0x0], $0xffff  }
0x1d5: {  	v62 =	vor.u32 $0x4, v12;
	v16 =	vld.idx.msk [tilespmem:v57+s24+$0x0], $0xffff  }
0x1d6: {  	v61 =	vor.u32 $0x3, v12;
	v17 =	vld.idx.msk [tilespmem:v58+s24+$0x0], $0xffff  }
0x1d7: {  	v63 =	vor.u32 $0x5, v12;
	v1 =	vmul.f32 $1.000000010e-01, v1;
	v7 =	vor.u32 $0xB, v7;
	v19 =	vld.idx.msk [tilespmem:v12+s23+$0x0], $0xffff  }
0x1d8: {  	v21 =	vld.idx.msk [tilespmem:v59+s23+$0x0], $0xffff;
	v22 =	vor.u32 $0x6, v12;
	v57 =	vor.u32 $0x8, v12;
	v55 =	vmul.u32 $0x300, v6  }
0x1d9: {  	v23 =	vld.idx.msk [tilespmem:v60+s23+$0x0], $0xffff;
	v56 =	vor.u32 $0x7, v12;
	v59 =	vor.u32 $0x9, v12;
	v44 =	vor.u32 $0xA, v12  }
0x1da: {  	v18 =	vld.idx.msk [tilespmem:v62+s23+$0x0], $0xffff;
	v12 =	vor.u32 $0xB, v12;
	v62 =	vadd.s32 v47, v55;
	v6 =	vmul.f32 v2, v1  }
0x1db: {  	v58 =	vld.idx.msk [tilespmem:v61+s23+$0x0], $0xffff;
	v50 =	vadd.s32 v50, v55;
	v3 =	vmul.f32 v4, v1;
	v5 =	vmul.f32 v10, v1  }
0x1dc: {  	v7 =	vld.idx.msk [tilespmem:v7+s24+$0x0], $0xffff;
	v0 =	vmul.f32 v13, v1;
	v13 =	vadd.s32 v43, v55;
	v2 =	vmul.f32 v14, v1  }
0x1dd: {  	v14 =	vmul.f32 v19, v1;
	v19 =	vld.idx.msk [tilespmem:v57+s23+$0x0], $0xffff;
	v57 =	vadd.s32 v45, v55;
	v4 =	vmul.f32 v8, v1  }
0x1de: {  	v10 =	vld.idx.msk [tilespmem:v56+s23+$0x0], $0xffff;
	v8 =	vmul.f32 v21, v1;
	v43 =	vadd.s32 v46, v55;
	v23 =	vmul.f32 v23, v1  }
0x1df: {  	v56 =	vmul.f32 v9, v1;
	v9 =	vld.idx.msk [tilespmem:v12+s23+$0x0], $0xffff;
	v46 =	vadd.s32 v48, v55;
	v12 =	vmul.f32 v15, v1  }
0x1e0: {  	v22 =	vld.idx.msk [tilespmem:v22+s23+$0x0], $0xffff;
	v48 =	vadd.s32 v49, v55;
	v11 =	vmul.f32 v11, v1;
	v16 =	vmul.f32 v16, v1  }
0x1e1: {  	v60 =	vld.idx.msk [tilespmem:v44+s23+$0x0], $0xffff;
	v17 =	vmul.f32 v17, v1;
	v58 =	vmul.f32 v58, v1;
	v44 =	vsub.f32 v6, v14  }
0x1e2: {  	v20 =	vld.idx.msk [tilespmem:v63+s23+$0x0], $0xffff;
	v18 =	vmul.f32 v18, v1;
	v45 =	vsub.f32 v3, v8;
	v47 =	vsub.f32 v5, v23  }
0x1e3: {  	v21 =	vld.idx.msk [tilespmem:v59+s23+$0x0], $0xffff;
	v49 =	vsub.f32 v0, v14;
	v63 =	vsub.f32 v6, v58;
	[tilespmem:v13+s31+$0x0] =	vst.idx.msk $0xffff, v44  }
0x1e4: {  	v44 =	vadd.s32 v51, v55;
	v7 =	vmul.f32 v7, v1;
	v51 =	vadd.s32 v54, v55  }
0x1e5: {  	v54 =	vadd.s32 v26, v55;
	v26 =	vadd.s32 v29, v55;
	v29 =	vsub.f32 v0, v58  }
0x1e6: {  	v22 =	vmul.f32 v22, v1;
	v10 =	vmul.f32 v10, v1;
	[tilespmem:v57+s31+$0x0] =	vst.idx.msk $0xffff, v45  }
0x1e7: {  	v19 =	vmul.f32 v19, v1;
	[tilespmem:v43+s31+$0x0] =	vst.idx.msk $0xffff, v47;
	v43 =	vsub.f32 v2, v8  }
0x1e8: {  	v45 =	vsub.f32 v4, v23;
	v47 =	vadd.s32 v52, v55;
	[tilespmem:v62+s31+$0x0] =	vst.idx.msk $0xffff, v49  }
0x1e9: {  	v49 =	vadd.s32 v53, v55;
	[tilespmem:v46+s31+$0x0] =	vst.idx.msk $0xffff, v43;
	v46 =	vsub.f32 v56, v14  }
0x1ea: {  	v57 =	vadd.s32 v38, v55;
	[tilespmem:v48+s31+$0x0] =	vst.idx.msk $0xffff, v45;
	v48 =	vsub.f32 v12, v8  }
0x1eb: {  	v52 =	vadd.s32 v24, v55;
	[tilespmem:v50+s31+$0x0] =	vst.idx.msk $0xffff, v46;
	v50 =	vsub.f32 v11, v23  }
0x1ec: {  	v53 =	vadd.s32 v25, v55;
	v14 =	vsub.f32 v16, v14;
	[tilespmem:v44+s31+$0x0] =	vst.idx.msk $0xffff, v48  }
0x1ed: {  	v61 =	vsub.f32 v7, v23;
	v8 =	vsub.f32 v17, v8;
	[tilespmem:v47+s31+$0x0] =	vst.idx.msk $0xffff, v50  }
0x1ee: {  	v24 =	vadd.s32 v28, v55;
	v62 =	vadd.s32 v27, v55;
	[tilespmem:v49+s31+$0x0] =	vst.idx.msk $0xffff, v14  }
0x1ef: {  	v28 =	vadd.s32 v30, v55;
	v14 =	vmul.f32 v20, v1;
	[tilespmem:v51+s31+$0x0] =	vst.idx.msk $0xffff, v8  }
0x1f0: {  	v30 =	vadd.s32 v31, v55;
	v25 =	vsub.f32 v3, v18;
	[tilespmem:v52+s31+$0x0] =	vst.idx.msk $0xffff, v61  }
0x1f1: {  	v31 =	vsub.f32 v2, v18;
	v50 =	vld [tilespmem:$0x1FE60];
	v27 =	vsub.f32 v5, v14;
	[tilespmem:v53+s31+$0x0] =	vst.idx.msk $0xffff, v63  }
0x1f2: {  	v59 =	vsub.f32 v6, v22;
	v38 =	vsub.f32 v16, v22;
	[tilespmem:v54+s31+$0x0] =	vst.idx.msk $0xffff, v25  }
0x1f3: {  	v43 =	vadd.s32 v32, v55;
	v32 =	vsub.f32 v56, v22;
	[tilespmem:v62+s31+$0x0] =	vst.idx.msk $0xffff, v27  }
0x1f4: {  	v45 =	vadd.s32 v33, v55;
	v44 =	vsub.f32 v4, v14;
	[tilespmem:v24+s31+$0x0] =	vst.idx.msk $0xffff, v29  }
0x1f5: {  	v46 =	vsub.f32 v56, v58;
	v48 =	vadd.s32 v34, v55;
	[tilespmem:v26+s31+$0x0] =	vst.idx.msk $0xffff, v31  }
0x1f6: {  	v33 =	vld [tilespmem:$0x1FF10];
	v47 =	vsub.f32 v12, v18;
	v13 =	vadd.s32 v50, v55;
	[tilespmem:v28+s31+$0x0] =	vst.idx.msk $0xffff, v44  }
0x1f7: {  	v49 =	vsub.f32 v11, v14;
	v52 =	vadd.s32 v36, v55;
	[tilespmem:v30+s31+$0x0] =	vst.idx.msk $0xffff, v46  }
0x1f8: {  	v51 =	vsub.f32 v16, v58;
	v53 =	vadd.s32 v37, v55;
	[tilespmem:v43+s31+$0x0] =	vst.idx.msk $0xffff, v47  }
0x1f9: {  	v34 =	vsub.f32 v12, v10;
	v54 =	vsub.f32 v17, v18;
	v27 =	vld [tilespmem:$0x1FEE0];
	[tilespmem:v45+s31+$0x0] =	vst.idx.msk $0xffff, v49  }
0x1fa: {  	v58 =	vadd.s32 v39, v55;
	v14 =	vsub.f32 v7, v14;
	v29 =	vld [tilespmem:$0x1FEF0];
	[tilespmem:v48+s31+$0x0] =	vst.idx.msk $0xffff, v51  }
0x1fb: {  	v15 =	vadd.s32 v33, v55;
	v61 =	vadd.s32 v40, v55;
	v31 =	vld [tilespmem:$0x1FF00];
	[tilespmem:v13+s31+$0x0] =	vst.idx.msk $0xffff, v54  }
0x1fc: {  	v63 =	vadd.s32 v41, v55;
	v62 =	vsub.f32 v3, v10;
	[tilespmem:v52+s31+$0x0] =	vst.idx.msk $0xffff, v14  }
0x1fd: {  	v36 =	vld [tilespmem:$0x1FF20];
	v25 =	vadd.s32 v42, v55;
	v24 =	vsub.f32 v5, v19;
	[tilespmem:v53+s31+$0x0] =	vst.idx.msk $0xffff, v59  }
0x1fe: {  	v40 =	vld [tilespmem:$0x1FF30];
	v26 =	vsub.f32 v0, v22;
	v18 =	vadd.s32 v27, v55;
	[tilespmem:v57+s31+$0x0] =	vst.idx.msk $0xffff, v62  }
0x1ff: {  	v41 =	vld [tilespmem:$0x1FF40];
	v28 =	vsub.f32 v2, v10;
	v20 =	vadd.s32 v29, v55;
	[tilespmem:v58+s31+$0x0] =	vst.idx.msk $0xffff, v24  }
0x200: {  	v30 =	vsub.f32 v4, v19;
	v43 =	vld [tilespmem:$0x1FF50];
	v14 =	vadd.s32 v31, v55;
	[tilespmem:v61+s31+$0x0] =	vst.idx.msk $0xffff, v26  }
0x201: {  	v39 =	vsub.f32 v17, v10;
	v42 =	vmul.f32 v21, v1;
	v46 =	vld [tilespmem:$0x1FF60];
	[tilespmem:v63+s31+$0x0] =	vst.idx.msk $0xffff, v28  }
0x202: {  	v37 =	vsub.f32 v11, v19;
	v23 =	vadd.s32 v36, v55;
	v47 =	vld [tilespmem:$0x1FF70];
	[tilespmem:v25+s31+$0x0] =	vst.idx.msk $0xffff, v30  }
0x203: {  	v6 =	vsub.f32 v6, v42;
	v10 =	vadd.s32 v40, v55;
	v48 =	vld [tilespmem:$0x1FF80];
	[tilespmem:v18+s31+$0x0] =	vst.idx.msk $0xffff, v32  }
0x204: {  	v44 =	vmul.f32 v60, v1;
	v13 =	vadd.s32 v41, v55;
	[tilespmem:v20+s31+$0x0] =	vst.idx.msk $0xffff, v34  }
0x205: {  	v50 =	vld [tilespmem:$0x1FFA0];
	v1 =	vmul.f32 v9, v1;
	v8 =	vadd.s32 v43, v55;
	[tilespmem:v14+s31+$0x0] =	vst.idx.msk $0xffff, v37  }
0x206: {  	v45 =	vsub.f32 v7, v19;
	v51 =	vld [tilespmem:$0x1FFB0];
	v19 =	vadd.s32 v46, v55;
	[tilespmem:v15+s31+$0x0] =	vst.idx.msk $0xffff, v38  }
0x207: {  	v3 =	vsub.f32 v3, v44;
	v9 =	vadd.s32 v47, v55;
	v53 =	vld [tilespmem:$0x1FFC0];
	[tilespmem:v23+s31+$0x0] =	vst.idx.msk $0xffff, v39  }
0x208: {  	v54 =	vsub.f32 v56, v42;
	v56 =	vld [tilespmem:$0x1FFD0];
	[tilespmem:v10+s31+$0x0] =	vst.idx.msk $0xffff, v45;
	v10 =	vadd.s32 v48, v55  }
0x209: {  	v5 =	vsub.f32 v5, v1;
	v49 =	vadd.s32 v35, v55;
	v58 =	vld [tilespmem:$0x1FFE0];
	[tilespmem:v13+s31+$0x0] =	vst.idx.msk $0xffff, v6  }
0x20a: {  	v0 =	vsub.f32 v0, v42;
	v60 =	vld [tilespmem:$0x1FFF0];
	[tilespmem:v8+s31+$0x0] =	vst.idx.msk $0xffff, v3;
	v3 =	vadd.s32 v50, v55  }
0x20b: {  	v2 =	vsub.f32 v2, v44;
	[tilespmem:v19+s31+$0x0] =	vst.idx.msk $0xffff, v5;
	v5 =	vadd.s32 v51, v55  }
0x20c: {  	v52 =	vsub.f32 v4, v1;
	v4 =	vadd.s32 v53, v55;
	[tilespmem:v9+s31+$0x0] =	vst.idx.msk $0xffff, v0  }
0x20d: {  	v8 =	vadd.s32 v56, v55;
	[tilespmem:v10+s31+$0x0] =	vst.idx.msk $0xffff, v2  }
0x20e: {  	v57 =	vsub.f32 v12, v44;
	v6 =	vadd.s32 v58, v55;
	[tilespmem:v49+s31+$0x0] =	vst.idx.msk $0xffff, v52  }
0x20f: {  	p0 =	sne.s32 s9, $0x2F;
	v59 =	vsub.f32 v11, v1;
	[tilespmem:v3+s31+$0x0] =	vst.idx.msk $0xffff, v54;
	v3 =	vadd.s32 v60, v55  }
.Ltmp3:
0x210: {  	v61 =	vsub.f32 v16, v42;
	[tilespmem:v5+s31+$0x0] =	vst.idx.msk $0xffff, v57;
	(pc) =	sbr.rel @p0 .LBB2_8-.Ltmp3, $4  }
0x211: {  	v62 =	vsub.f32 v17, v44;
	[tilespmem:v4+s31+$0x0] =	vst.idx.msk $0xffff, v59  }
0x212: {  	v63 =	vsub.f32 v7, v1;
	[tilespmem:v8+s31+$0x0] =	vst.idx.msk $0xffff, v61  }
0x213: {  	[tilespmem:v6+s31+$0x0] =	vst.idx.msk $0xffff, v62  }
0x214: {  	s3 =	sadd.s32 $0x20, s3;
	s9 =	sadd.s32 $0x2, s9;
	s14 =	sadd.s32 $0x20, s14;
	[tilespmem:v3+s31+$0x0] =	vst.idx.msk $0xffff, v63  }
0x215: {  	s3 =	smul.u32 $0x60, s13  }
0x216: {  	s10 =	sadd.s32 $0x1, s10  }
0x217: {  	p0 =	sne.s32 s10, $0x21;
	s3 =	sadd.s32 s4, s3  }
0x218: {  	[hbm4b:s3+s5] =	stream.linear.scatter [tilespmem:s31], [sflag:$0x6], $0x9000, $0x38;
	[tilespmem:$0x19860] =	vst v63  }
.Ltmp4:
0x219: {  	s22 =	sshll.u32 s13, $0x1;
	(pc) =	sbr.rel @p0 .LBB2_2-.Ltmp4, $4  }
0x21a: {  	s28 =	simm.s32 $0x18F60;
	s9 =	sadd.s32 s7, s22  }
0x21b: {  	[hbm4b:s9+s5] =	stream.linear.scatter [tilespmem:s28], [sflag:$0x6], $0x300, $0x38;
	[tilespmem:$0x19860] =	vst v63  }
0x21c: {  	s3 =	sadd.s32 s8, s22  }
0x21d: {  	[hbm4b:s3+s5] =	stream.linear.scatter [tilespmem:s30], [sflag:$0x6], $0x300, $0x38;
	[tilespmem:$0x19860] =	vst v63  }
0x21e: {  	_ =	swait.ge [sflag:s0], $0x9000  }
0x21f: {  	[sflag:s0] =	ssyncset.done $0x0  }
0x220: {  	[sflag:s0] =	ssyncadd.s32 $0xFFFF7000  }
0x221: {  	_ =	swait.ge [sflag:s0], $0x300  }
0x222: {  	[sflag:s0] =	ssyncset.done $0x0  }
0x223: {  	[sflag:s0] =	ssyncadd.s32 $0xFFFFFD00  }
0x224: {  	_ =	swait.ge [sflag:s0], $0x300  }
0x225: {  	[sflag:s0] =	ssyncset.done $0x0  }
0x226: {  	[sflag:s0] =	ssyncadd.s32 $0xFFFFFD00  }
0x227: {  	_ =	swait.ge [sflag:s16], $0x9000  }
0x228: {  	[sflag:s16] =	ssyncset.done $0x0  }
0x229: {  	[sflag:s16] =	ssyncadd.s32 $0xFFFF7000  }
0x22a: {  	_ =	swait.ge [sflag:s16], $0x300  }
0x22b: {  	[sflag:s16] =	ssyncset.done $0x0  }
0x22c: {  	[sflag:s16] =	ssyncadd.s32 $0xFFFFFD00  }
0x22d: {  	_ =	swait.ge [sflag:s16], $0x300  }
0x22e: {  	s9 =	rddreg [dreg:$0x7]  }
0x22f: {  	s3 =	rddreg [dreg:$0x6];
	s9 =	sadd.s32 $0x1, s9  }
0x230: {  	p0 =	sne.s32 s9, s3  }
.Ltmp5:
0x231: {  	_ = 	snop;
	(pc) =	sbr.rel @p0 .LBB2_1-.Ltmp5, $3  }
0x232: {  	_ =	sdelay $0x1  }
0x233: {  	[sflag:s16] =	ssyncset.done $0x0  }
0x234: {  	[sflag:s16] =	ssyncadd.s32 $0xFFFFFD00  }
0x235: {  	_ =	sfence.sel $0x180000  }
0x236: {  	[bflag:$0x0] =	sbarrier.arrive $0xFFFF  }
0x237: {  	_ =	strace $0x90000047  }
0x238: {  	s0 =	stileid.u32;
	[bflag:$0x2] =	sbarrier.arrive $0xFFFF  }
0x239: {  	p0 =	sne.s32 s0, $0x0;
	s0 =	rddreg [dreg:$0x3]  }
0x23a: {  	s0 =	sadd.s32 @!p0 $0x100000, s0  }
0x23b: {  	[sflag:s0] =	ssyncadd.tile.s32 @!p0 $0x1;
	_ =	shalt  }
.Lfunc_end2:
_tile_overlayer_lowered:
.L_overlay_start_2:
0x23c: {  	(tag) =	ssettag $0x2  }
0x23d: {  	s0 =	rddreg [dreg:$0x0];
	s2 =	stileid.u32  }
0x23e: {  	s1 =	rddreg [dreg:$0x1];
	p0 =	sne.s32 s2, $0x0  }
0x23f: {  	s3 =	rddreg [dreg:$0x2];
	[bflag:$0x3] =	sbarrier.arrive $0xFFFF;
	s2 =	simm.s32 @!p0 $0x1C07  }
0x240: {  	[timem:s3], [sflag:s2] =	dma.local @!p0 [hbm:s0], s1  }
0x241: {  	s0 =	simm.s32 @!p0 $0x7  }
0x242: {  	_ =	swait.ge @!p0 [sflag:s0], s1  }
0x243: {  	s1 =	ssub.s32 @!p0 $0x0, s1;
	[sflag:s0] =	ssyncset.done @!p0 $0x0  }
0x244: {  	[sflag:s0] =	ssyncadd.s32 @!p0 s1  }
0x245: {  	[bflag:$0x3] =	sbarrier.arrive $0xFFFF  }
0x246: {  	_ =	shalt  }

// kernel: sparse-core-data-format-call.cloned.1.call-start
scs
called_computation_lowered:
.L_overlay_start_0:
0x0: {  	s2 =	sld [smem:$0x3FD9]  }
0x1: {  	s3 =	sld [smem:$0x3FFE];
	_ =	sdelay $0x1  }
0x2: {  	s1 =	srdreg.scid  }
0x3: {  	s0 =	sand.u32 $0x1, s1  }
0x4: {  	s15 =	sshll.u32 s0, $0xA;
	s2 =	sadd.s32 s3, s2  }
0x5: {  	s2 =	sadd.s32 s2, s15  }
0x6: {  	[smem:$0x3FC5] =	sst s2  }
0x7: {  	_ = 	snop  }
0x8: {  	s2 =	sld [smem:$0x3FD0];
	_ =	sdelay $0x2  }
0x9: {  	s16 =	simm.s32 $0xA;
	s4 =	simm.s32 $0x10  }
0xa: {  	[smem:s4], [sflag:s16] =	dma.local [hbm:s2], $0x1  }
0xb: {  	_ =	swait.eq [sflag:s16], $0x1  }
0xc: {  	[sflag:s16] =	ssyncset.done $0x0  }
0xd: {  	[sflag:s16] =	ssyncadd.s32 $0xFFFFFFFF  }
0xe: {  	s17 =	sld [smem:$0x11];
	(tm) =	ssettm $0x1  }
0xf: {  	s18 =	sld [smem:$0x3FFB];
	_ =	sdelay $0x3  }
0x10: {  	_ =	strace s18  }
0x11: {  	s3 =	sld [smem:$0x3FFC];
	_ =	sdelay $0x3  }
0x12: {  	_ =	strace s3  }
0x13: {  	s3 =	sld [smem:$0x3FFD];
	_ =	sdelay $0x3  }
0x14: {  	_ =	strace s3  }
0x15: {  	_ =	strace $0x8FFFFFFF  }
0x16: {  	s19 =	sld [smem:$0x3FDB];
	_ =	sdelay $0x1  }
0x17: {  	s20 =	simm.s32 $_scs_section_size  }
0x18: {  	s5 =	simm.s32 $_size__tile_overlayer_lowered;
	s6 =	simm.s32 $_tile_overlayer_lowered  }
0x19: {  	s23 =	simm.s32 $0x1BFF;
	s22 =	sshll.u32 s6, $0x1;
	s3 =	sadd.s32 s20, s19  }
0x1a: {  	s7 =	simm.s32 $0x0;
	s21 =	sshll.u32 s5, $0x1;
	s5 =	sadd.s32 s22, s3  }
0x1b: {  	[timem:s7], [sflag:s23] =	dma.local [hbm:s5], s21  }
0x1c: {  	_ =	swait.ge [sflag:s23], s21  }
0x1d: {  	s4 =	ssub.s32 $0x0, s21;
	[sflag:s23] =	ssyncset.done $0x0  }
0x1e: {  	[sflag:s23] =	ssyncadd.s32 s4;
	_ =	sdelay $0x1  }
0x1f: {  	s24 =	simm.s32 $0x1B8B  }
0x20: {  	_ =	swait.ge [sflag:s24], $0x1  }
0x21: {  	[sflag:s24] =	ssyncset.done $0x0  }
0x22: {  	s26 =	simm.s32 $0x1B8E;
	s25 =	sld [smem:$0x3FFE];
	[sflag:s24] =	ssyncadd.s32 $0xFFFFFFFF  }
0x23: {  	s27 =	simm.s32 $execute0_lowered;
	[smem:$0x3FD2] =	sst s26  }
0x24: {  	s5 =	sshll.u32 s27, $0x1;
	_ =	strace $0x80000049;
	[dreg:$0x1] =	wrdreg $0xFFFFFFFF  }
0x25: {  	s28 =	simm.s32 $_size_execute0_lowered;
	s3 =	sadd.s32 s3, s5;
	[dreg:$0x0] =	wrdreg $0x0  }
0x26: {  	s5 =	sshll.u32 s28, $0x1;
	[dreg:$0x2] =	wrdreg s3  }
0x27: {  	[dreg:$0x3] =	wrdreg s5  }
0x28: {  	[dreg:$0x4] =	wrdreg $0xC0  }
0x29: {  	_ =	task [dreg:s7], $0x5FFFF  }
0x2a: {  	[dreg:$0x1] =	wrdreg $0xFFFFFFFF  }
0x2b: {  	[dreg:$0x0] =	wrdreg $0x60  }
0x2c: {  	[dreg:$0x2] =	wrdreg s25  }
0x2d: {  	[dreg:$0x3] =	wrdreg s17  }
0x2e: {  	[dreg:$0x4] =	wrdreg $0x9  }
0x2f: {  	_ =	task.clear_ibuf [dreg:s7], $0x5FFFF;
	_ =	strace $0x90000049  }
0x30: {  	s29 =	simm.s32 $0x9;
	_ =	strace $0x8000004B  }
0x31: {  	_ =	swait.ge [sflag:s29], $0x1  }
0x32: {  	[sflag:s29] =	ssyncadd.s32 $0xFFFFFFFF  }
0x33: {  	_ =	strace $0x9000004B  }
0x34: {  	_ =	sfence  }
0x35: {  	s30 =	sld [smem:$0x0];
	_ =	sdelay $0x2  }
0x36: {  	s31 =	sshll.u32 s1, $0xD;
	s1 =	sshrl.u32 s1, $0x2  }
0x37: {  	s3 =	sand.u32 $0x4000, s31;
	s1 =	sadd.s32 s1, s30  }
0x38: {  	s0 =	sor.u32 s3, s0;
	s1 =	sshll.u32 s1, $0x11  }
0x39: {  	s0 =	sor.u32 s1, s0  }
0x3a: {  	s0 =	sadd.s32 $0x8F2B, s0  }
0x3b: {  	[sflag:s0] =	ssyncadd.remote.s32 $0x1  }
0x3c: {  	_ =	sfence.sel $0xFFFF  }
0x3d: {  	[dreg:$0x0] =	wrdreg $0xFFFFFFFF;
	(pc) =	sbr.abs _section_cstart, $3  }
0x3e: {  	[dreg:$0x1] =	wrdreg $0xFFFFFFFF  }
0x3f: {  	_ =	task.clear_ibuf [dreg:s7], $0x2FFFF;
	_ =	strace $0x9FFFFFFF  }
0x40: {  	(tm) =	ssettm $0x7FFFFFFF  }
0x41: {  	_ =	shalt  }
tec
execute0_lowered:
.L_overlay_start_1:
0x0: {  	(tag) =	ssettag $0x1  }
0x1: {  	s0 =	srdreg.scid;
	s5 =	rddreg [dreg:$0x0]  }
0x2: {  	s3 =	rddreg [dreg:$0x1];
	s1 =	sshll.u32 s0, $0x4  }
0x3: {  	s31 =	simm.s32 $0x2;
	s0 =	stileid.u32;
	s1 =	sand.u32 $0x10, s1  }
0x4: {  	s13 =	simm.s32 $0x0;
	p0 =	por $0x0, $0x0;
	s1 =	sor.u32 s0, s1  }
0x5: {  	s8 =	simm.s32 $0xC3800;
	s12 =	simm.s32 $0x0;
	s2 =	sshll.u32 s1, $0x7  }
.Ltmp0:
0x6: {  	s9 =	simm.s32 $0x0;
	s4 =	ssub.s32 $0x18680, s2;
	(pc) =	sbr.rel .LBB1_1-.Ltmp0, $4  }
0x7: {  	s11 =	simm.s32 $0x0;
	s1 =	rddreg [dreg:$0x2];
	s6 =	sshrl.u32 s4, $0xC  }
0x8: {  	_ =	strace $0x8000004A;
	s4 =	simm.s32 $0x1;
	s7 =	smul.u32 $0x6, s6  }
0x9: {  	s5 =	sadd.s32 $0x21AA00, s5;
	s10 =	smov.u32 s2;
	[sflag:s4] =	ssyncpa.u1 $0x0  }
0xa: {  	[sflag:s31] =	ssyncpa.u1 $0x0;
	s6 =	sadd.s32 $0x6, s7;
	s7 =	sadd.s32 $0x7, s7  }
.LBB1_5:
0xb: {  	s14 =	sadd.s32 $0x80, s9  }
0xc: {  	s12 =	sadd.s32 $0x1000, s10;
	s16 =	smov.u32 s10;
	p2 =	sgt.s32 s14, $0x2FF  }
0xd: {  	s16 =	smov.u32 @p2 s12  }
0xe: {  	s14 =	simm.s32 @p2 $0x0;
	p2 =	sgt.s32 s16, $0x1869F  }
0xf: {  	s16 =	smov.u32 @p2 s2;
	p2 =	sne.s32 s11, s7  }
.Ltmp1:
0x10: {  	p1 =	slt.u32 s11, $0x2;
	(pc) =	sbr.rel @!p2 .LBB1_6-.Ltmp1, $4  }
0x11: {  	s15 =	simm.s32 @!p1 $0x2  }
0x12: {  	s13 =	smov.u32 s9;
	p0 =	por !p0, !p0;
	_ =	swait.ge @!p1 [sflag:s15], $0x4000  }
0x13: {  	s12 =	smov.u32 s10;
	[sflag:s15] =	ssyncset.done @!p1 $0x0;
	s9 =	smov.u32 s14  }
0x14: {  	s11 =	sadd.s32 $0x1, s11;
	[sflag:s15] =	ssyncadd.s32 @!p1 $0xFFFFC000;
	s10 =	smov.u32 s16  }
.LBB1_1:
0x15: {  	p1 =	sge.u32 s11, s6  }
0x16: {  	s17 =	smov.u32 s10;
	s19 =	smov.u32 s9;
	s14 =	sshrl.u32 @!p1 s10, $0x3  }
0x17: {  	s15 =	sshll.u32 @!p1 s9, $0x3;
	s16 =	sshll.u32 @!p1 s10, $0x7;
	s14 =	smul.u32 @!p1 $0x1800, s14  }
0x18: {  	p2 =	sgt.s32 @!p1 s10, $0x18620;
	s18 =	sshra.s32 @!p1 s10, $0x1F;
	s15 =	sand.u32 @!p1 $0xFFFFFC00, s15  }
0x19: {  	s20 =	sshra.s32 @!p1 s9, $0x1F;
	s14 =	sadd.s32 @!p1 s14, s15;
	s15 =	sand.u32 @!p1 $0x380, s16  }
0x1a: {  	p2 =	por !p2, p1;
	s16 =	sand.u32 @!p1 $0x7F, s9;
	s14 =	sor.u32 @!p1 s15, s14  }
0x1b: {  	s17 =	simm.s32 @p2 $0x18620;
	p2 =	sgt.s32 @!p1 s9, $0x280;
	s15 =	sor.u32 @!p1 s16, s14  }
0x1c: {  	s18 =	sand.u32 @!p1 s18, s10;
	p2 =	por !p2, p1;
	s16 =	smulhi.u32 @!p1 $0xAAAAAAAB, s15  }
0x1d: {  	s20 =	sand.u32 @!p1 s20, s9;
	s19 =	simm.s32 @p2 $0x280;
	s14 =	smulhi.u32 @!p1 $0xAAAAAAAB, s14  }
0x1e: {  	s17 =	ssub.s32 @!p1 s17, s18;
	s19 =	ssub.s32 @!p1 s19, s20;
	s16 =	sshrl.u32 @!p1 s16, $0x9  }
0x1f: {  	s20 =	sadd.s32 @!p1 $0xFFFFFD80, s19;
	s14 =	sshrl.u32 @!p1 s14, $0x9;
	s16 =	smul.u32 @!p1 $0x300, s16  }
0x20: {  	s19 =	ssub.s32 @!p1 $0x300, s19;
	p3 =	sgt.s32 @!p1 s20, $0x7F;
	s18 =	smulhi.u32 @!p1 $0xA7C5AD, s14  }
0x21: {  	p3 =	por !p3, p1;
	s15 =	ssub.s32 @!p1 s15, s16;
	s16 =	sadd.s32 @!p1 $0xFFFE79E0, s17  }
0x22: {  	s17 =	ssub.s32 @!p1 $0x186A0, s17;
	p2 =	sgt.s32 @!p1 s16, $0x7F;
	s16 =	sshrl.u32 @!p1 s18, $0x8  }
0x23: {  	s18 =	sxor.u32 @!p1 $0xFFFFFFFF, s11;
	s16 =	smul.u32 @!p1 $0x186A0, s16;
	p2 =	por !p2, p1  }
0x24: {  	s19 =	simm.s32 @!p3 $0x0;
	s18 =	sshll.u32 @!p1 s18, $0xE;
	s17 =	simm.s32 @!p2 $0x0  }
0x25: {  	s18 =	sand.u32 @!p1 $0x4000, s18;
	s14 =	ssub.s32 @!p1 s14, s16;
	s16 =	smul.u32 @!p1 s17, s19  }
0x26: {  	s17 =	sshrl.u32 @!p1 s15, $0x3;
	s15 =	sand.u32 @!p1 $0x7, s15;
	s14 =	smul.u32 @!p1 $0x60, s14  }
0x27: {  	s17 =	sadd.s32 @!p1 s5, s17;
	s15 =	sshll.u32 @!p1 s15, $0x12;
	s16 =	sand.u32 @!p1 $0x3FFFFFFF, s16  }
0x28: {  	s15 =	sor.u32 @!p1 $0x400, s15;
	s14 =	sadd.s32 @!p1 s14, s17;
	s17 =	simm.s32 @!p1 $0x1800  }
0x29: {  	[tilespmem:s18], [sflag:$0x1] =	stream.strided.gather @!p1 [hbm4b:s14+s15], s16, s17, s15, $0x38;
	[tilespmem:$0x10100] =	vst v63  }
0x2a: {  	p1 =	seq.s32 s11, $0x0  }
0x2b: {  	p2 =	sge.u32 @!p1 s11, s7  }
0x2c: {  	p1 =	por p1, p2  }
.Ltmp2:
0x2d: {  	_ = 	snop;
	(pc) =	sbr.rel @p1 .LBB1_5-.Ltmp2, $1  }
0x2e: {  	_ =	sdelay $0x3  }
0x2f: {  	p1 =	sgt.s32 s12, $0x18620  }
0x30: {  	s14 =	smov.u32 s12;
	s15 =	sshra.s32 s12, $0x1F;
	s16 =	smov.u32 s13  }
0x31: {  	s17 =	sshra.s32 s13, $0x1F;
	s14 =	simm.s32 @!p1 $0x18620;
	p1 =	sgt.s32 s13, $0x280  }
0x32: {  	s15 =	sand.u32 s15, s12;
	s27 =	sand.u32 s17, s13;
	s16 =	simm.s32 @!p1 $0x280  }
0x33: {  	s14 =	ssub.s32 s14, s15;
	s15 =	ssub.s32 s16, s27  }
0x34: {  	s28 =	sadd.s32 $0xFFFE79E0, s14;
	s14 =	ssub.s32 $0x186A0, s14;
	s16 =	sadd.s32 $0xFFFFFD80, s15  }
0x35: {  	p1 =	sgt.s32 s28, $0x7F;
	s15 =	ssub.s32 $0x300, s15;
	p2 =	sgt.s32 s16, $0x7F  }
0x36: {  	s14 =	simm.s32 @p1 $0x0;
	s15 =	simm.s32 @p2 $0x0  }
0x37: {  	s14 =	smul.u32 s14, s15;
	_ =	sdelay $0x1  }
0x38: {  	s15 =	simm.s32 $0x1;
	s14 =	sand.u32 $0x3FFFFFFF, s14  }
0x39: {  	s15 =	simm.s32 @!p0 $0x0;
	_ =	swait.ge [sflag:s4], s14  }
0x3a: {  	s29 =	sshll.u32 s15, $0xE;
	s14 =	ssub.s32 $0x0, s14;
	[sflag:s4] =	ssyncset.done $0x0  }
0x3b: {  	s16 =	sor.u32 $0x40, s29;
	[sflag:s4] =	ssyncadd.s32 s14  }
0x3c: {  	s30 =	smul.u32 $0x10200, s15;
	v0 =	vld [tilespmem:s16+$0x30]  }
0x3d: {  	v1 =	vld [tilespmem:s16+$0xFFFFFFD0]  }
0x3e: {  	s14 =	sshrl.u32 s30, $0x2;
	v5 =	vld [tilespmem:s16+$0xFFFFFFE0]  }
0x3f: {  	s15 =	sor.u32 $0x8000, s14;
	v6 =	vld [tilespmem:s16+$0xFFFFFFF0]  }
0x40: {  	s31 =	sand.u32 $0x1, s11;
	v3 =	vld [tilespmem:s16+$0x0];
	s17 =	sadd.s32 $0x0, s15  }
0x41: {  	s14 =	smul.u32 $0x10200, s31;
	v4 =	vld [tilespmem:s16+$0x10];
	[tilespmem:s17+$0x3870 ss:$0x81] =	vst.msk $0xffff, v0  }
0x42: {  	v2 =	vld [tilespmem:s16+$0x20];
	[tilespmem:s17+$0x810 ss:$0x81] =	vst.msk $0xffff, v1  }
0x43: {  	s14 =	sshrl.u32 s14, $0x2;
	v0 =	vld [tilespmem:s16+$0xFFFFFFC0];
	[tilespmem:s17+$0x1020 ss:$0x81] =	vst.msk $0xffff, v5;
	s16 =	sadd.s32 $0x80, s16  }
0x44: {  	s18 =	simm.s32 $0x4;
	s19 =	simm.s32 $0x8;
	s14 =	sor.u32 $0x8000, s14;
	[tilespmem:s17+$0x1830 ss:$0x81] =	vst.msk $0xffff, v6;
	v1 =	vld [tilespmem:s16+$0x30]  }
.LBB1_3:
0x45: {  	p1 =	sne.s32 s19, $0x1FC;
	v5 =	vld [tilespmem:s16+$0xFFFFFFD0];
	[tilespmem:s17+$0x2040 ss:$0x81] =	vst.msk $0xffff, v3  }
0x46: {  	v6 =	vld [tilespmem:s16+$0xFFFFFFE0];
	[tilespmem:s17+$0x2850 ss:$0x81] =	vst.msk $0xffff, v4  }
0x47: {  	s20 =	sshra.s32 s18, $0x2;
	s18 =	smov.u32 s19;
	v7 =	vld [tilespmem:s16+$0xFFFFFFF0];
	[tilespmem:s17+$0x3060 ss:$0x81] =	vst.msk $0xffff, v2  }
.Ltmp3:
0x48: {  	v3 =	vld [tilespmem:s16+$0x0];
	[tilespmem:s17+$0x0 ss:$0x81] =	vst.msk $0xffff, v0;
	s17 =	sadd.s32 s20, s15;
	(pc) =	sbr.rel @p1 .LBB1_3-.Ltmp3, $4  }
0x49: {  	v4 =	vld [tilespmem:s16+$0x10];
	[tilespmem:s17+$0x3870 ss:$0x81] =	vst.msk $0xffff, v1  }
0x4a: {  	[tilespmem:s17+$0x810 ss:$0x81] =	vst.msk $0xffff, v5;
	v2 =	vld [tilespmem:s16+$0x20]  }
0x4b: {  	v0 =	vld [tilespmem:s16+$0xFFFFFFC0];
	[tilespmem:s17+$0x1020 ss:$0x81] =	vst.msk $0xffff, v6;
	s16 =	sadd.s32 $0x80, s16  }
0x4c: {  	s19 =	sadd.s32 $0x4, s19;
	v1 =	vld [tilespmem:s16+$0x30];
	[tilespmem:s17+$0x1830 ss:$0x81] =	vst.msk $0xffff, v7  }
0x4d: {  	s19 =	sshrl.u32 s13, $0x3  }
0x4e: {  	s20 =	sshll.u32 s12, $0x3;
	s19 =	smul.u32 $0xC3800, s19  }
0x4f: {  	s27 =	sshll.u32 s13, $0x7;
	s20 =	sand.u32 $0xFFFFFC00, s20  }
0x50: {  	s13 =	sand.u32 $0x380, s27;
	s19 =	sadd.s32 s20, s19  }
0x51: {  	s13 =	sor.u32 s13, s19  }
0x52: {  	s19 =	smulhi.u32 $0xA79C7B17, s13  }
0x53: {  	v5 =	vld [tilespmem:s16+$0xFFFFFFD0];
	[tilespmem:s17+$0x2040 ss:$0x81] =	vst.msk $0xffff, v3  }
0x54: {  	v58 =	vld [tilespmem:s16+$0xFFFFFFE0];
	s28 =	sand.u32 $0x7F, s12;
	[tilespmem:s17+$0x2850 ss:$0x81] =	vst.msk $0xffff, v4;
	s19 =	sshrl.u32 s19, $0x10  }
0x55: {  	s18 =	sshra.s32 s18, $0x2;
	v59 =	vld [tilespmem:s16+$0xFFFFFFF0];
	[tilespmem:s17+$0x3060 ss:$0x81] =	vst.msk $0xffff, v2;
	s12 =	sor.u32 s28, s13;
	s29 =	smul.u32 $0xAAAB, s19  }
0x56: {  	v60 =	vld [tilespmem:s16+$0x0];
	s15 =	sadd.s32 s18, s15;
	[tilespmem:s17+$0x0 ss:$0x81] =	vst.msk $0xffff, v0;
	s30 =	smulhi.u32 $0xA79C7B17, s12  }
0x57: {  	v61 =	vld [tilespmem:s16+$0x10];
	[tilespmem:s15+$0x3870 ss:$0x81] =	vst.msk $0xffff, v1;
	s13 =	sshrl.u32 s29, $0x19  }
0x58: {  	v62 =	vld [tilespmem:s16+$0x20];
	[tilespmem:s15+$0x810 ss:$0x81] =	vst.msk $0xffff, v5;
	s17 =	sshrl.u32 s30, $0x10;
	s13 =	smul.u32 $0x300, s13  }
0x59: {  	v63 =	vld [tilespmem:s16+$0xFFFFFFC0];
	[tilespmem:s15+$0x1020 ss:$0x81] =	vst.msk $0xffff, v58;
	s31 =	smul.u32 $0x18700, s17  }
0x5a: {  	[tilespmem:s15+$0x1830 ss:$0x81] =	vst.msk $0xffff, v59;
	s13 =	ssub.s32 s19, s13  }
.Ltmp4:
0x5b: {  	[tilespmem:s15+$0x2040 ss:$0x81] =	vst.msk $0xffff, v60;
	s12 =	ssub.s32 s12, s31;
	s13 =	sand.u32 $0xFFFF, s13;
	(pc) =	sbr.rel .LBB1_5-.Ltmp4, $4  }
0x5c: {  	[tilespmem:s15+$0x2850 ss:$0x81] =	vst.msk $0xffff, v61;
	s16 =	sshrl.u32 s12, $0x3;
	s12 =	sand.u32 $0x7, s12;
	s13 =	smul.u32 $0x30E0, s13  }
0x5d: {  	[tilespmem:s15+$0x3060 ss:$0x81] =	vst.msk $0xffff, v62;
	s16 =	sadd.s32 s3, s16;
	s12 =	sshll.u32 s12, $0x12  }
0x5e: {  	[tilespmem:s15+$0x0 ss:$0x81] =	vst.msk $0xffff, v63;
	s12 =	sor.u32 $0x400, s12;
	s13 =	sadd.s32 s13, s16  }
0x5f: {  	[hbm4b:s13+s12] =	stream.strided.scatter [tilespmem:s14], [sflag:$0x2], $0x4000, s8, s12, $0x20;
	[tilespmem:$0x10100] =	vst v63  }
.LBB1_6:
0x60: {  	_ =	sfence.sel $0x180000  }
0x61: {  	s2 =	simm.s32 $0x1;
	[bflag:$0x0] =	sbarrier.arrive $0xFFFF  }
0x62: {  	s31 =	simm.s32 $0x2;
	[sflag:s2] =	ssyncpa.u1 $0x1  }
0x63: {  	[sflag:s31] =	ssyncpa.u1 $0x1  }
0x64: {  	p0 =	sne.s32 s0, $0x0;
	_ =	strace $0x9000004A  }
0x65: {  	s0 =	sadd.s32 @!p0 $0x100000, s1;
	[bflag:$0x2] =	sbarrier.arrive $0xFFFF  }
0x66: {  	[sflag:s0] =	ssyncadd.tile.s32 @!p0 $0x1;
	_ =	shalt  }
.Lfunc_end1:
_tile_overlayer_lowered:
.L_overlay_start_2:
0x67: {  	(tag) =	ssettag $0x2  }
0x68: {  	s0 =	rddreg [dreg:$0x0];
	s2 =	stileid.u32  }
0x69: {  	s1 =	rddreg [dreg:$0x1];
	p0 =	sne.s32 s2, $0x0  }
0x6a: {  	s3 =	rddreg [dreg:$0x2];
	[bflag:$0x3] =	sbarrier.arrive $0xFFFF;
	s2 =	simm.s32 @!p0 $0x1C01  }
0x6b: {  	[timem:s3], [sflag:s2] =	dma.local @!p0 [hbm:s0], s1  }
0x6c: {  	s0 =	simm.s32 @!p0 $0x1  }
0x6d: {  	_ =	swait.ge @!p0 [sflag:s0], s1  }
0x6e: {  	s1 =	ssub.s32 @!p0 $0x0, s1;
	[sflag:s0] =	ssyncset.done @!p0 $0x0  }
0x6f: {  	[sflag:s0] =	ssyncadd.s32 @!p0 s1  }
0x70: {  	[bflag:$0x3] =	sbarrier.arrive $0xFFFF  }
0x71: {  	_ =	shalt  }

</sc_bundles>
